<compile_context>
chip_gen: v7x
topology: tpu7x:2x2x1
jax: 0.10.2.dev20260603
libtpu: 0.0.44.dev20260713+nightly
codegen_flags: <defaults>
</compile_context>

<pallas_src>
import jax
import jax.numpy as jnp
from jax import lax
from jax.experimental import pallas as pl
from jax.experimental.pallas import tpu as pltpu
from jax.experimental.pallas import tpu_sc as plsc

N_NODES = 10000
N_EDGES = 320000
NODE_FEAT = 128
INPUT_ENC = 64

NT = 16
L = 16
NP = 10240
NSL = NP // NT
EPT = 20480
EPT_LAST = N_EDGES - 15 * EPT
UE = 16
MPNN_STEPS = 3


def _sc_body(ei_hbm, w_hbm,
             sd_v, pk_v, ufull_v, acc_v, red_v,
             wsl_v, cinv_v, usl_v, stage_sh, ush_sh, dma_sem):
    tid = lax.axis_index("s")
    nbase = tid * NSL
    zeros16 = jnp.zeros((L,), jnp.float32)
    ones16 = jnp.ones((L,), jnp.float32)
    n_chunks = jnp.where(tid < NT - 1, EPT // L, EPT_LAST // L)

    def load_edges():
        @pl.when(tid < NT - 1)
        def _():
            pltpu.async_copy(ei_hbm.at[:, pl.ds(tid * EPT, EPT)], sd_v,
                             dma_sem)

        @pl.when(tid == NT - 1)
        def _():
            pltpu.async_copy(ei_hbm.at[:, pl.ds((NT - 1) * EPT, EPT_LAST)],
                             sd_v.at[:, pl.ds(0, EPT_LAST)], dma_sem)

    def drain_edges():
        @pl.when(tid < NT - 1)
        def _():
            pltpu.make_async_copy(ei_hbm.at[:, pl.ds(tid * EPT, EPT)], sd_v,
                                  dma_sem).wait()

        @pl.when(tid == NT - 1)
        def _():
            pltpu.make_async_copy(
                ei_hbm.at[:, pl.ds((NT - 1) * EPT, EPT_LAST)],
                sd_v.at[:, pl.ds(0, EPT_LAST)], dma_sem).wait()

    load_edges()

    def zero_acc():
        def body(i, _):
            for k in range(8):
                acc_v[pl.ds(i * (8 * L) + k * L, L)] = zeros16
            return 0
        lax.fori_loop(0, NP // (8 * L), body, 0)

    def reduce_chunk(j):
        s = red_v[0, pl.ds(j * L, L)]
        for r in range(1, NT):
            s = s + red_v[r, pl.ds(j * L, L)]
        return s

    zero_acc()
    drain_edges()

    @plsc.parallel_loop(0, n_chunks, step=1, unroll=UE)
    def _(i):
        d = sd_v[1, pl.ds(i * L, L)]
        s = sd_v[0, pl.ds(i * L, L)]
        plsc.addupdate_scatter(acc_v, [d], ones16)
        pk_v[pl.ds(i * L, L)] = s | (d << 16)

    pltpu.sync_copy(acc_v, stage_sh.at[tid])
    plsc.subcore_barrier()
    pltpu.sync_copy(stage_sh.at[:, pl.ds(nbase, NSL)], red_v)

    @plsc.parallel_loop(0, NSL // L, step=1, unroll=4)
    def _(j):
        c = jnp.maximum(reduce_chunk(j), 1.0)
        cinv = 1.0 / c
        cinv_v[pl.ds(j * L, L)] = cinv
        gidx = nbase + j * L + lax.iota(jnp.int32, L)
        w = jnp.where(gidx < N_NODES, jnp.float32(1.0 / N_NODES), 0.0)
        wsl_v[pl.ds(j * L, L)] = w
        usl_v[pl.ds(j * L, L)] = w * cinv

    pltpu.sync_copy(usl_v, ush_sh.at[pl.ds(nbase, NSL)])
    plsc.subcore_barrier()

    for step in range(MPNN_STEPS):
        pltpu.async_copy(ush_sh, ufull_v, dma_sem)
        zero_acc()
        pltpu.make_async_copy(ush_sh, ufull_v, dma_sem).wait()

        @plsc.parallel_loop(0, n_chunks, step=1, unroll=UE)
        def _(i):
            pk = pk_v[pl.ds(i * L, L)]
            d = lax.shift_right_logical(pk, 16)
            s = pk & 0xFFFF
            vals = plsc.load_gather(ufull_v, [d])
            plsc.addupdate_scatter(acc_v, [s], vals)

        pltpu.sync_copy(acc_v, stage_sh.at[tid])
        plsc.subcore_barrier()
        pltpu.sync_copy(stage_sh.at[:, pl.ds(nbase, NSL)], red_v)

        @plsc.parallel_loop(0, NSL // L, step=1, unroll=4)
        def _(j):
            w = (wsl_v[pl.ds(j * L, L)] + reduce_chunk(j)) * 0.5
            wsl_v[pl.ds(j * L, L)] = w
            if step < MPNN_STEPS - 1:
                usl_v[pl.ds(j * L, L)] = w * cinv_v[pl.ds(j * L, L)]

        if step < MPNN_STEPS - 1:
            pltpu.sync_copy(usl_v, ush_sh.at[pl.ds(nbase, NSL)])
            plsc.subcore_barrier()
        else:
            pltpu.sync_copy(wsl_v, w_hbm.at[pl.ds(nbase, NSL)])


def _sc_propagate(ei32):
    mesh = plsc.VectorSubcoreMesh(core_axis_name="c", subcore_axis_name="s",
                                  num_cores=1)
    kern = pl.kernel(
        _sc_body,
        out_type=jax.ShapeDtypeStruct((NP,), jnp.float32),
        mesh=mesh,
        compiler_params=pltpu.CompilerParams(needs_layout_passes=False),
        scratch_types=[
            pltpu.VMEM((2, EPT), jnp.int32),
            pltpu.VMEM((EPT,), jnp.int32),
            pltpu.VMEM((NP,), jnp.float32),
            pltpu.VMEM((NP,), jnp.float32),
            pltpu.VMEM((NT, NSL), jnp.float32),
            pltpu.VMEM((NSL,), jnp.float32),
            pltpu.VMEM((NSL,), jnp.float32),
            pltpu.VMEM((NSL,), jnp.float32),
            pltpu.VMEM_SHARED((NT, NP), jnp.float32),
            pltpu.VMEM_SHARED((NP,), jnp.float32),
            pltpu.SemaphoreType.DMA,
        ],
    )
    return kern(ei32)


def _enc_body(x_ref, win_ref, b_ref, h_ref):
    h = lax.dot_general(win_ref[...], x_ref[...],
                        (((1,), (1,)), ((), ())),
                        preferred_element_type=jnp.float32)
    h_ref[...] = jnp.maximum(h + b_ref[...], 0.0)


def _fin_body(w_ref, h_ref, wp_ref, bp_ref, out_ref):
    wv = w_ref[...][:, :N_NODES]
    s = jnp.sum(h_ref[...] * wv, axis=1, keepdims=True)
    out_ref[...] = jnp.sum(s * wp_ref[...], axis=0, keepdims=True) + bp_ref[...]


def kernel(x, edge_index, W_in, b_in, W_pred, b_pred):
    h0t = pl.pallas_call(
        _enc_body,
        out_shape=jax.ShapeDtypeStruct((INPUT_ENC, N_NODES), jnp.float32),
    )(x, W_in, b_in.reshape(INPUT_ENC, 1))

    w3 = _sc_propagate(edge_index.astype(jnp.int32))

    out = pl.pallas_call(
        _fin_body,
        out_shape=jax.ShapeDtypeStruct((1, 1), jnp.float32),
    )(w3.reshape(1, NP), h0t, W_pred[:, :INPUT_ENC].reshape(INPUT_ENC, 1),
      b_pred.reshape(1, 1))
    return out.reshape(1)

# --- scband reference (transcript-rebuilt; emitter-appended) ---
"""Pipeline reference for scband-model-13855564497062 (READ-ONLY COPY).

The authoritative reference and input builder live on the scoring server;
editing this copy changes nothing except your own understanding.
"""

import jax, jax.numpy as jnp
import numpy as np

N_NODES = 10000
N_EDGES = 320000
NODE_FEAT = 128
INPUT_ENC = 64
HIDDEN_ENC = 128
MPNN_STEPS = 3


def setup_inputs(seed: int = 0) -> dict:
    key = jax.random.key(seed)
    k1, k2, k3, k4, k5, k6 = jax.random.split(key, 6)
    x = jax.random.normal(k1, (N_NODES, NODE_FEAT), dtype=jnp.float32)
    edge_index = jax.random.randint(k2, (2, N_EDGES), 0, N_NODES, dtype=jnp.int64)
    # input_layer: Linear(node_feature_length=128 -> input_encoding=64)
    lim_in = 1.0 / np.sqrt(NODE_FEAT)
    W_in = jax.random.uniform(k3, (INPUT_ENC, NODE_FEAT), dtype=jnp.float32, minval=-lim_in, maxval=lim_in)
    b_in = jax.random.uniform(k4, (INPUT_ENC,), dtype=jnp.float32, minval=-lim_in, maxval=lim_in)
    # prediction_layer: Linear(hidden_encoding=128 -> 1)
    lim_p = 1.0 / np.sqrt(HIDDEN_ENC)
    W_pred = jax.random.uniform(k5, (1, HIDDEN_ENC), dtype=jnp.float32, minval=-lim_p, maxval=lim_p)
    b_pred = jax.random.uniform(k6, (1,), dtype=jnp.float32, minval=-lim_p, maxval=lim_p)
    return {"x": x, "edge_index": edge_index, "W_in": W_in, "b_in": b_in, "W_pred": W_pred, "b_pred": b_pred}


def reference(x, edge_index, W_in, b_in, W_pred, b_pred):
    # input layer + relu
    h = jax.nn.relu(x @ W_in.T + b_in)
    # ZeroPad2d((0, hidden - input, 0, 0)): pad feature dim on the right
    h = jnp.pad(h, ((0, 0), (0, HIDDEN_ENC - INPUT_ENC)))
    src = edge_index[0]
    dst = edge_index[1]
    # in-degree counts per destination node (clamped to 1 for isolated nodes)
    ones = jnp.ones((edge_index.shape[1],), dtype=h.dtype)
    counts = jax.ops.segment_sum(ones, dst, num_segments=N_NODES)
    counts = jnp.clip(counts, 1.0)[:, None]
    for _ in range(MPNN_STEPS):
        msg = h[src]  # gather: message h_j
        m = jax.ops.segment_sum(msg, dst, num_segments=N_NODES) / counts  # 'mean' aggr
        h = (h + m) / 2.0  # update_mean
    pooled = jnp.mean(h, axis=0)
    out = pooled @ W_pred.T + b_pred
    return out

if __name__ == "__main__":
    import jax
    _d = setup_inputs()
    print(jax.jit(kernel)(*tuple(_d.values())))

</pallas_src>

<mosaic_0001>
#map = affine_map<(d0, d1) -> (0, 0)>
#map1 = affine_map<(d0, d1) -> (0)>
module attributes {stable_mosaic.version = 14 : i64} {
  func.func @_sc_body(%arg0: i32, %arg1: i32, %arg2: memref<2x320000xi32, #tpu.memory_space<hbm>>, %arg3: memref<10240xf32, #tpu.memory_space<hbm>>, %arg4: memref<2x20480xi32, #tpu.memory_space<vmem>>, %arg5: memref<20480xi32, #tpu.memory_space<vmem>>, %arg6: memref<10240xf32, #tpu.memory_space<vmem>>, %arg7: memref<10240xf32, #tpu.memory_space<vmem>>, %arg8: memref<16x640xf32, #tpu.memory_space<vmem>>, %arg9: memref<640xf32, #tpu.memory_space<vmem>>, %arg10: memref<640xf32, #tpu.memory_space<vmem>>, %arg11: memref<640xf32, #tpu.memory_space<vmem>>, %arg12: memref<16x10240xf32, #tpu.memory_space<vmem_shared>>, %arg13: memref<10240xf32, #tpu.memory_space<vmem_shared>>, %arg14: memref<!tpu.dma_semaphore, #tpu.memory_space<semaphore_mem>>) attributes {dimension_semantics = [#tpu.dimension_semantics<core_parallel>, #tpu.dimension_semantics<subcore_parallel>], iteration_bounds = array<i64: 1, 16>, scalar_prefetch = 0 : i64, scratch_operands = 11 : i64, tpu.core_type = #tpu.core_type<sc_vector_subcore>, window_params = [{transform_indices = #map}, {transform_indices = #map1}]} {
    %mul3A = arith.constant 640 : i32
    %mul3A_0 = arith.muli %arg1, %mul3A : i32
    %broadcast_in_dim3A = arith.constant 0.000000e+00 : f32
    %broadcast_in_dim3A_1 = vector.broadcast %broadcast_in_dim3A : f32 to vector<16xf32>
    %broadcast_in_dim3A_2 = arith.constant 1.000000e+00 : f32
    %broadcast_in_dim3A_3 = vector.broadcast %broadcast_in_dim3A_2 : f32 to vector<16xf32>
    %lt3A = arith.constant 15 : i32
    %lt3A_4 = arith.cmpi slt, %arg1, %lt3A : i32
    %jit3A = arith.constant 1280 : i32
    %jit3A_5 = arith.constant 800 : i32
    %select_n3A = arith.select %lt3A_4, %jit3A, %jit3A_5 : i32
    %lt3A_6 = arith.constant 15 : i32
    %lt3A_7 = arith.cmpi slt, %arg1, %lt3A_6 : i32
    %convert_element_type3A = arith.extui %lt3A_7 : i1 to i32
    %cond3A = arith.constant 0 : i32
    %cond3A_8 = arith.cmpi ne, %convert_element_type3A, %cond3A : i32
    scf.if %cond3A_8 {
      %mul3A_75 = arith.constant 20480 : i32
      %mul3A_76 = arith.muli %arg1, %mul3A_75 : i32
      %dma_start3A = arith.constant 0 : i32
      %dma_start3A_77 = tpu.memref_slice %arg2[%dma_start3A, %mul3A_76] : memref<2x320000xi32, #tpu.memory_space<hbm>> -> memref<2x20480xi32, #tpu.memory_space<hbm>>
      %dma_start3A_78 = arith.constant 0 : i32
      %dma_start3A_79 = tpu.memref_slice %arg2[%dma_start3A_78, %mul3A_76] : memref<2x320000xi32, #tpu.memory_space<hbm>> -> memref<2x20480xi32, #tpu.memory_space<hbm>>
      tpu.enqueue_dma source(%dma_start3A_79 : memref<2x20480xi32, #tpu.memory_space<hbm>>) target(%arg4 : memref<2x20480xi32, #tpu.memory_space<vmem>>) target_semaphore(%arg14 : memref<!tpu.dma_semaphore, #tpu.memory_space<semaphore_mem>>)
    } else {
    }
    %eq3A = arith.constant 15 : i32
    %eq3A_9 = arith.cmpi eq, %arg1, %eq3A : i32
    %convert_element_type3A_10 = arith.extui %eq3A_9 : i1 to i32
    %cond3A_11 = arith.constant 0 : i32
    %cond3A_12 = arith.cmpi ne, %convert_element_type3A_10, %cond3A_11 : i32
    scf.if %cond3A_12 {
      %dma_start3A = arith.constant 0 : i32
      %dma_start3A_75 = arith.constant 0 : i32
      %dma_start3A_76 = tpu.memref_slice %arg4[%dma_start3A, %dma_start3A_75] : memref<2x20480xi32, #tpu.memory_space<vmem>> -> memref<2x12800xi32, #tpu.memory_space<vmem>>
      %dma_start3A_77 = arith.constant 0 : i32
      %dma_start3A_78 = arith.constant 307200 : i32
      %dma_start3A_79 = tpu.memref_slice %arg2[%dma_start3A_77, %dma_start3A_78] : memref<2x320000xi32, #tpu.memory_space<hbm>> -> memref<2x12800xi32, #tpu.memory_space<hbm>>
      %dma_start3A_80 = arith.constant 0 : i32
      %dma_start3A_81 = arith.constant 0 : i32
      %dma_start3A_82 = tpu.memref_slice %arg4[%dma_start3A_80, %dma_start3A_81] : memref<2x20480xi32, #tpu.memory_space<vmem>> -> memref<2x12800xi32, #tpu.memory_space<vmem>>
      %dma_start3A_83 = arith.constant 0 : i32
      %dma_start3A_84 = arith.constant 307200 : i32
      %dma_start3A_85 = tpu.memref_slice %arg2[%dma_start3A_83, %dma_start3A_84] : memref<2x320000xi32, #tpu.memory_space<hbm>> -> memref<2x12800xi32, #tpu.memory_space<hbm>>
      tpu.enqueue_dma source(%dma_start3A_85 : memref<2x12800xi32, #tpu.memory_space<hbm>>) target(%dma_start3A_82 : memref<2x12800xi32, #tpu.memory_space<vmem>>) target_semaphore(%arg14 : memref<!tpu.dma_semaphore, #tpu.memory_space<semaphore_mem>>)
    } else {
    }
    %scan3A = arith.constant 0 : i32
    %scan3A_13 = arith.constant 0 : i32
    %scan3A_14 = arith.constant 80 : i32
    %scan3A_15 = arith.addi %scan3A_13, %scan3A_14 : i32
    %scan3A_16 = arith.constant 1 : i32
    %scan3A_17 = scf.for %scan3A_75 = %scan3A_13 to %scan3A_15 step %scan3A_16 iter_args(%scan3A_76 = %scan3A) -> (i32)  : i32 {
      %mul3A_77 = arith.constant 128 : i32
      %mul3A_78 = arith.muli %scan3A_75, %mul3A_77 : i32
      %add3A = arith.constant 0 : i32
      %add3A_79 = arith.addi %mul3A_78, %add3A : i32
      %swap3A = arith.index_cast %add3A_79 : i32 to index
      %swap3A_80 = tpu.vector_load %arg7[%swap3A] {strides = array<i32>} : memref<10240xf32, #tpu.memory_space<vmem>>, vector<16xf32>,
      tpu.vector_store %arg7[%swap3A], %broadcast_in_dim3A_1 {strides = array<i32>} : memref<10240xf32, #tpu.memory_space<vmem>>, vector<16xf32>,
      %mul3A_81 = arith.constant 128 : i32
      %mul3A_82 = arith.muli %scan3A_75, %mul3A_81 : i32
      %add3A_83 = arith.constant 16 : i32
      %add3A_84 = arith.addi %mul3A_82, %add3A_83 : i32
      %swap3A_85 = arith.index_cast %add3A_84 : i32 to index
      %swap3A_86 = tpu.vector_load %arg7[%swap3A_85] {strides = array<i32>} : memref<10240xf32, #tpu.memory_space<vmem>>, vector<16xf32>,
      tpu.vector_store %arg7[%swap3A_85], %broadcast_in_dim3A_1 {strides = array<i32>} : memref<10240xf32, #tpu.memory_space<vmem>>, vector<16xf32>,
      %mul3A_87 = arith.constant 128 : i32
      %mul3A_88 = arith.muli %scan3A_75, %mul3A_87 : i32
      %add3A_89 = arith.constant 32 : i32
      %add3A_90 = arith.addi %mul3A_88, %add3A_89 : i32
      %swap3A_91 = arith.index_cast %add3A_90 : i32 to index
      %swap3A_92 = tpu.vector_load %arg7[%swap3A_91] {strides = array<i32>} : memref<10240xf32, #tpu.memory_space<vmem>>, vector<16xf32>,
      tpu.vector_store %arg7[%swap3A_91], %broadcast_in_dim3A_1 {strides = array<i32>} : memref<10240xf32, #tpu.memory_space<vmem>>, vector<16xf32>,
      %mul3A_93 = arith.constant 128 : i32
      %mul3A_94 = arith.muli %scan3A_75, %mul3A_93 : i32
      %add3A_95 = arith.constant 48 : i32
      %add3A_96 = arith.addi %mul3A_94, %add3A_95 : i32
      %swap3A_97 = arith.index_cast %add3A_96 : i32 to index
      %swap3A_98 = tpu.vector_load %arg7[%swap3A_97] {strides = array<i32>} : memref<10240xf32, #tpu.memory_space<vmem>>, vector<16xf32>,
      tpu.vector_store %arg7[%swap3A_97], %broadcast_in_dim3A_1 {strides = array<i32>} : memref<10240xf32, #tpu.memory_space<vmem>>, vector<16xf32>,
      %mul3A_99 = arith.constant 128 : i32
      %mul3A_100 = arith.muli %scan3A_75, %mul3A_99 : i32
      %add3A_101 = arith.constant 64 : i32
      %add3A_102 = arith.addi %mul3A_100, %add3A_101 : i32
      %swap3A_103 = arith.index_cast %add3A_102 : i32 to index
      %swap3A_104 = tpu.vector_load %arg7[%swap3A_103] {strides = array<i32>} : memref<10240xf32, #tpu.memory_space<vmem>>, vector<16xf32>,
      tpu.vector_store %arg7[%swap3A_103], %broadcast_in_dim3A_1 {strides = array<i32>} : memref<10240xf32, #tpu.memory_space<vmem>>, vector<16xf32>,
      %mul3A_105 = arith.constant 128 : i32
      %mul3A_106 = arith.muli %scan3A_75, %mul3A_105 : i32
      %add3A_107 = arith.constant 80 : i32
      %add3A_108 = arith.addi %mul3A_106, %add3A_107 : i32
      %swap3A_109 = arith.index_cast %add3A_108 : i32 to index
      %swap3A_110 = tpu.vector_load %arg7[%swap3A_109] {strides = array<i32>} : memref<10240xf32, #tpu.memory_space<vmem>>, vector<16xf32>,
      tpu.vector_store %arg7[%swap3A_109], %broadcast_in_dim3A_1 {strides = array<i32>} : memref<10240xf32, #tpu.memory_space<vmem>>, vector<16xf32>,
      %mul3A_111 = arith.constant 128 : i32
      %mul3A_112 = arith.muli %scan3A_75, %mul3A_111 : i32
      %add3A_113 = arith.constant 96 : i32
      %add3A_114 = arith.addi %mul3A_112, %add3A_113 : i32
      %swap3A_115 = arith.index_cast %add3A_114 : i32 to index
      %swap3A_116 = tpu.vector_load %arg7[%swap3A_115] {strides = array<i32>} : memref<10240xf32, #tpu.memory_space<vmem>>, vector<16xf32>,
      tpu.vector_store %arg7[%swap3A_115], %broadcast_in_dim3A_1 {strides = array<i32>} : memref<10240xf32, #tpu.memory_space<vmem>>, vector<16xf32>,
      %mul3A_117 = arith.constant 128 : i32
      %mul3A_118 = arith.muli %scan3A_75, %mul3A_117 : i32
      %add3A_119 = arith.constant 112 : i32
      %add3A_120 = arith.addi %mul3A_118, %add3A_119 : i32
      %swap3A_121 = arith.index_cast %add3A_120 : i32 to index
      %swap3A_122 = tpu.vector_load %arg7[%swap3A_121] {strides = array<i32>} : memref<10240xf32, #tpu.memory_space<vmem>>, vector<16xf32>,
      tpu.vector_store %arg7[%swap3A_121], %broadcast_in_dim3A_1 {strides = array<i32>} : memref<10240xf32, #tpu.memory_space<vmem>>, vector<16xf32>,
      %scan3A_123 = arith.constant 0 : i32
      scf.yield %scan3A_123 : i32
    }
    %scan3A_18 = arith.constant 80 : i32
    %lt3A_19 = arith.constant 15 : i32
    %lt3A_20 = arith.cmpi slt, %arg1, %lt3A_19 : i32
    %convert_element_type3A_21 = arith.extui %lt3A_20 : i1 to i32
    %cond3A_22 = arith.constant 0 : i32
    %cond3A_23 = arith.cmpi ne, %convert_element_type3A_21, %cond3A_22 : i32
    scf.if %cond3A_23 {
      %mul3A_75 = arith.constant 20480 : i32
      %mul3A_76 = arith.muli %arg1, %mul3A_75 : i32
      %dma_wait3A = arith.constant 0 : i32
      %dma_wait3A_77 = tpu.memref_slice %arg2[%dma_wait3A, %mul3A_76] : memref<2x320000xi32, #tpu.memory_space<hbm>> -> memref<2x20480xi32, #tpu.memory_space<hbm>>
      %dma_wait3A_78 = arith.constant 0 : i32
      %dma_wait3A_79 = tpu.memref_slice %arg2[%dma_wait3A_78, %mul3A_76] : memref<2x320000xi32, #tpu.memory_space<hbm>> -> memref<2x20480xi32, #tpu.memory_space<hbm>>
      tpu.wait_dma2 semaphore(%arg14 : memref<!tpu.dma_semaphore, #tpu.memory_space<semaphore_mem>>) src(%dma_wait3A_79 : memref<2x20480xi32, #tpu.memory_space<hbm>>) dst(%arg4 : memref<2x20480xi32, #tpu.memory_space<vmem>>)
    } else {
    }
    %eq3A_24 = arith.constant 15 : i32
    %eq3A_25 = arith.cmpi eq, %arg1, %eq3A_24 : i32
    %convert_element_type3A_26 = arith.extui %eq3A_25 : i1 to i32
    %cond3A_27 = arith.constant 0 : i32
    %cond3A_28 = arith.cmpi ne, %convert_element_type3A_26, %cond3A_27 : i32
    scf.if %cond3A_28 {
      %dma_wait3A = arith.constant 0 : i32
      %dma_wait3A_75 = arith.constant 0 : i32
      %dma_wait3A_76 = tpu.memref_slice %arg4[%dma_wait3A, %dma_wait3A_75] : memref<2x20480xi32, #tpu.memory_space<vmem>> -> memref<2x12800xi32, #tpu.memory_space<vmem>>
      %dma_wait3A_77 = arith.constant 0 : i32
      %dma_wait3A_78 = arith.constant 307200 : i32
      %dma_wait3A_79 = tpu.memref_slice %arg2[%dma_wait3A_77, %dma_wait3A_78] : memref<2x320000xi32, #tpu.memory_space<hbm>> -> memref<2x12800xi32, #tpu.memory_space<hbm>>
      %dma_wait3A_80 = arith.constant 0 : i32
      %dma_wait3A_81 = arith.constant 0 : i32
      %dma_wait3A_82 = tpu.memref_slice %arg4[%dma_wait3A_80, %dma_wait3A_81] : memref<2x20480xi32, #tpu.memory_space<vmem>> -> memref<2x12800xi32, #tpu.memory_space<vmem>>
      %dma_wait3A_83 = arith.constant 0 : i32
      %dma_wait3A_84 = arith.constant 307200 : i32
      %dma_wait3A_85 = tpu.memref_slice %arg2[%dma_wait3A_83, %dma_wait3A_84] : memref<2x320000xi32, #tpu.memory_space<hbm>> -> memref<2x12800xi32, #tpu.memory_space<hbm>>
      tpu.wait_dma2 semaphore(%arg14 : memref<!tpu.dma_semaphore, #tpu.memory_space<semaphore_mem>>) src(%dma_wait3A_85 : memref<2x12800xi32, #tpu.memory_space<hbm>>) dst(%dma_wait3A_82 : memref<2x12800xi32, #tpu.memory_space<vmem>>)
    } else {
    }
    %parallel_loop3A = arith.constant 0 : i32
    %parallel_loop3A_29 = arith.constant 1 : i32
    scf.for %parallel_loop3A_75 = %parallel_loop3A to %select_n3A step %parallel_loop3A_29  : i32 {
      %parallel_loop3A_76 = arith.constant 16 : i32
      %parallel_loop3A_77 = arith.muli %parallel_loop3A_75, %parallel_loop3A_76 : i32
      %parallel_loop3A_78 = arith.constant 1 : i32
      %parallel_loop3A_79 = arith.index_cast %parallel_loop3A_78 : i32 to index
      %parallel_loop3A_80 = arith.index_cast %parallel_loop3A_77 : i32 to index
      %parallel_loop3A_81 = tpu.vector_load %arg4[%parallel_loop3A_79, %parallel_loop3A_80] {strides = array<i32>} : memref<2x20480xi32, #tpu.memory_space<vmem>>, vector<16xi32>,
      %parallel_loop3A_82 = arith.constant 16 : i32
      %parallel_loop3A_83 = arith.muli %parallel_loop3A_75, %parallel_loop3A_82 : i32
      %parallel_loop3A_84 = arith.constant 0 : i32
      %parallel_loop3A_85 = arith.index_cast %parallel_loop3A_84 : i32 to index
      %parallel_loop3A_86 = arith.index_cast %parallel_loop3A_83 : i32 to index
      %parallel_loop3A_87 = tpu.vector_load %arg4[%parallel_loop3A_85, %parallel_loop3A_86] {strides = array<i32>} : memref<2x20480xi32, #tpu.memory_space<vmem>>, vector<16xi32>,
      tpu.vector_store_idx %arg7[%parallel_loop3A_81], %broadcast_in_dim3A_3 {add = true} : memref<10240xf32, #tpu.memory_space<vmem>>[vector<16xi32>], vector<16xf32>,
      %parallel_loop3A_88 = arith.constant 16 : i32
      %parallel_loop3A_89 = vector.broadcast %parallel_loop3A_88 : i32 to vector<16xi32>
      %parallel_loop3A_90 = arith.shli %parallel_loop3A_81, %parallel_loop3A_89 : vector<16xi32>
      %parallel_loop3A_91 = arith.ori %parallel_loop3A_87, %parallel_loop3A_90 : vector<16xi32>
      %parallel_loop3A_92 = arith.constant 16 : i32
      %parallel_loop3A_93 = arith.muli %parallel_loop3A_75, %parallel_loop3A_92 : i32
      %parallel_loop3A_94 = arith.index_cast %parallel_loop3A_93 : i32 to index
      %parallel_loop3A_95 = tpu.vector_load %arg5[%parallel_loop3A_94] {strides = array<i32>} : memref<20480xi32, #tpu.memory_space<vmem>>, vector<16xi32>,
      tpu.vector_store %arg5[%parallel_loop3A_94], %parallel_loop3A_91 {strides = array<i32>} : memref<20480xi32, #tpu.memory_space<vmem>>, vector<16xi32>,
    } {sc.loop_unroll_factor = 16 : i64, sc.parallel_access}
    "tpu.region"() ({
      %run_scoped3A = tpu.sem_alloc : memref<!tpu.dma_semaphore, #tpu.memory_space<semaphore_mem>>
      %dma_start3A = arith.constant 0 : i32
      %dma_start3A_75 = tpu.memref_slice %arg12[%arg1, %dma_start3A] : memref<16x10240xf32, #tpu.memory_space<vmem_shared>> -> memref<1x10240xf32, #tpu.memory_space<vmem_shared>>
      %dma_start3A_76 = tpu.memref_squeeze %dma_start3A_75 : memref<1x10240xf32, #tpu.memory_space<vmem_shared>> -> memref<10240xf32, #tpu.memory_space<vmem_shared>>
      %dma_start3A_77 = arith.constant 0 : i32
      %dma_start3A_78 = tpu.memref_slice %arg12[%arg1, %dma_start3A_77] : memref<16x10240xf32, #tpu.memory_space<vmem_shared>> -> memref<1x10240xf32, #tpu.memory_space<vmem_shared>>
      %dma_start3A_79 = tpu.memref_squeeze %dma_start3A_78 : memref<1x10240xf32, #tpu.memory_space<vmem_shared>> -> memref<10240xf32, #tpu.memory_space<vmem_shared>>
      tpu.enqueue_dma source(%arg7 : memref<10240xf32, #tpu.memory_space<vmem>>) target(%dma_start3A_79 : memref<10240xf32, #tpu.memory_space<vmem_shared>>) target_semaphore(%run_scoped3A : memref<!tpu.dma_semaphore, #tpu.memory_space<semaphore_mem>>)
      %dma_wait3A = arith.constant 0 : i32
      %dma_wait3A_80 = tpu.memref_slice %arg12[%arg1, %dma_wait3A] : memref<16x10240xf32, #tpu.memory_space<vmem_shared>> -> memref<1x10240xf32, #tpu.memory_space<vmem_shared>>
      %dma_wait3A_81 = tpu.memref_squeeze %dma_wait3A_80 : memref<1x10240xf32, #tpu.memory_space<vmem_shared>> -> memref<10240xf32, #tpu.memory_space<vmem_shared>>
      %dma_wait3A_82 = arith.constant 0 : i32
      %dma_wait3A_83 = tpu.memref_slice %arg12[%arg1, %dma_wait3A_82] : memref<16x10240xf32, #tpu.memory_space<vmem_shared>> -> memref<1x10240xf32, #tpu.memory_space<vmem_shared>>
      %dma_wait3A_84 = tpu.memref_squeeze %dma_wait3A_83 : memref<1x10240xf32, #tpu.memory_space<vmem_shared>> -> memref<10240xf32, #tpu.memory_space<vmem_shared>>
      tpu.wait_dma2 semaphore(%run_scoped3A : memref<!tpu.dma_semaphore, #tpu.memory_space<semaphore_mem>>) src(%arg7 : memref<10240xf32, #tpu.memory_space<vmem>>) dst(%dma_wait3A_84 : memref<10240xf32, #tpu.memory_space<vmem_shared>>)
      tpu.yield
    }) : () -> ()
    %barrier3A = arith.constant 0 : index
    tpu.barrier barrier_id(%barrier3A)
    "tpu.region"() ({
      %run_scoped3A = tpu.sem_alloc : memref<!tpu.dma_semaphore, #tpu.memory_space<semaphore_mem>>
      %dma_start3A = arith.constant 0 : i32
      %dma_start3A_75 = tpu.memref_slice %arg12[%dma_start3A, %mul3A_0] : memref<16x10240xf32, #tpu.memory_space<vmem_shared>> -> memref<16x640xf32, #tpu.memory_space<vmem_shared>>
      %dma_start3A_76 = arith.constant 0 : i32
      %dma_start3A_77 = tpu.memref_slice %arg12[%dma_start3A_76, %mul3A_0] : memref<16x10240xf32, #tpu.memory_space<vmem_shared>> -> memref<16x640xf32, #tpu.memory_space<vmem_shared>>
      tpu.enqueue_dma source(%dma_start3A_77 : memref<16x640xf32, #tpu.memory_space<vmem_shared>>) target(%arg8 : memref<16x640xf32, #tpu.memory_space<vmem>>) target_semaphore(%run_scoped3A : memref<!tpu.dma_semaphore, #tpu.memory_space<semaphore_mem>>)
      %dma_wait3A = arith.constant 0 : i32
      %dma_wait3A_78 = tpu.memref_slice %arg12[%dma_wait3A, %mul3A_0] : memref<16x10240xf32, #tpu.memory_space<vmem_shared>> -> memref<16x640xf32, #tpu.memory_space<vmem_shared>>
      %dma_wait3A_79 = arith.constant 0 : i32
      %dma_wait3A_80 = tpu.memref_slice %arg12[%dma_wait3A_79, %mul3A_0] : memref<16x10240xf32, #tpu.memory_space<vmem_shared>> -> memref<16x640xf32, #tpu.memory_space<vmem_shared>>
      tpu.wait_dma2 semaphore(%run_scoped3A : memref<!tpu.dma_semaphore, #tpu.memory_space<semaphore_mem>>) src(%dma_wait3A_80 : memref<16x640xf32, #tpu.memory_space<vmem_shared>>) dst(%arg8 : memref<16x640xf32, #tpu.memory_space<vmem>>)
      tpu.yield
    }) : () -> ()
    %parallel_loop3A_30 = arith.constant 0 : i32
    %parallel_loop3A_31 = arith.constant 40 : i32
    %parallel_loop3A_32 = arith.constant 1 : i32
    scf.for %parallel_loop3A_75 = %parallel_loop3A_30 to %parallel_loop3A_31 step %parallel_loop3A_32  : i32 {
      %parallel_loop3A_76 = arith.constant 16 : i32
      %parallel_loop3A_77 = arith.muli %parallel_loop3A_75, %parallel_loop3A_76 : i32
      %parallel_loop3A_78 = arith.constant 0 : i32
      %parallel_loop3A_79 = arith.index_cast %parallel_loop3A_78 : i32 to index
      %parallel_loop3A_80 = arith.index_cast %parallel_loop3A_77 : i32 to index
      %parallel_loop3A_81 = tpu.vector_load %arg8[%parallel_loop3A_79, %parallel_loop3A_80] {strides = array<i32>} : memref<16x640xf32, #tpu.memory_space<vmem>>, vector<16xf32>,
      %parallel_loop3A_82 = arith.constant 16 : i32
      %parallel_loop3A_83 = arith.muli %parallel_loop3A_75, %parallel_loop3A_82 : i32
      %parallel_loop3A_84 = arith.constant 1 : i32
      %parallel_loop3A_85 = arith.index_cast %parallel_loop3A_84 : i32 to index
      %parallel_loop3A_86 = arith.index_cast %parallel_loop3A_83 : i32 to index
      %parallel_loop3A_87 = tpu.vector_load %arg8[%parallel_loop3A_85, %parallel_loop3A_86] {strides = array<i32>} : memref<16x640xf32, #tpu.memory_space<vmem>>, vector<16xf32>,
      %parallel_loop3A_88 = arith.addf %parallel_loop3A_81, %parallel_loop3A_87 : vector<16xf32>
      %parallel_loop3A_89 = arith.constant 16 : i32
      %parallel_loop3A_90 = arith.muli %parallel_loop3A_75, %parallel_loop3A_89 : i32
      %parallel_loop3A_91 = arith.constant 2 : i32
      %parallel_loop3A_92 = arith.index_cast %parallel_loop3A_91 : i32 to index
      %parallel_loop3A_93 = arith.index_cast %parallel_loop3A_90 : i32 to index
      %parallel_loop3A_94 = tpu.vector_load %arg8[%parallel_loop3A_92, %parallel_loop3A_93] {strides = array<i32>} : memref<16x640xf32, #tpu.memory_space<vmem>>, vector<16xf32>,
      %parallel_loop3A_95 = arith.addf %parallel_loop3A_88, %parallel_loop3A_94 : vector<16xf32>
      %parallel_loop3A_96 = arith.constant 16 : i32
      %parallel_loop3A_97 = arith.muli %parallel_loop3A_75, %parallel_loop3A_96 : i32
      %parallel_loop3A_98 = arith.constant 3 : i32
      %parallel_loop3A_99 = arith.index_cast %parallel_loop3A_98 : i32 to index
      %parallel_loop3A_100 = arith.index_cast %parallel_loop3A_97 : i32 to index
      %parallel_loop3A_101 = tpu.vector_load %arg8[%parallel_loop3A_99, %parallel_loop3A_100] {strides = array<i32>} : memref<16x640xf32, #tpu.memory_space<vmem>>, vector<16xf32>,
      %parallel_loop3A_102 = arith.addf %parallel_loop3A_95, %parallel_loop3A_101 : vector<16xf32>
      %parallel_loop3A_103 = arith.constant 16 : i32
      %parallel_loop3A_104 = arith.muli %parallel_loop3A_75, %parallel_loop3A_103 : i32
      %parallel_loop3A_105 = arith.constant 4 : i32
      %parallel_loop3A_106 = arith.index_cast %parallel_loop3A_105 : i32 to index
      %parallel_loop3A_107 = arith.index_cast %parallel_loop3A_104 : i32 to index
      %parallel_loop3A_108 = tpu.vector_load %arg8[%parallel_loop3A_106, %parallel_loop3A_107] {strides = array<i32>} : memref<16x640xf32, #tpu.memory_space<vmem>>, vector<16xf32>,
      %parallel_loop3A_109 = arith.addf %parallel_loop3A_102, %parallel_loop3A_108 : vector<16xf32>
      %parallel_loop3A_110 = arith.constant 16 : i32
      %parallel_loop3A_111 = arith.muli %parallel_loop3A_75, %parallel_loop3A_110 : i32
      %parallel_loop3A_112 = arith.constant 5 : i32
      %parallel_loop3A_113 = arith.index_cast %parallel_loop3A_112 : i32 to index
      %parallel_loop3A_114 = arith.index_cast %parallel_loop3A_111 : i32 to index
      %parallel_loop3A_115 = tpu.vector_load %arg8[%parallel_loop3A_113, %parallel_loop3A_114] {strides = array<i32>} : memref<16x640xf32, #tpu.memory_space<vmem>>, vector<16xf32>,
      %parallel_loop3A_116 = arith.addf %parallel_loop3A_109, %parallel_loop3A_115 : vector<16xf32>
      %parallel_loop3A_117 = arith.constant 16 : i32
      %parallel_loop3A_118 = arith.muli %parallel_loop3A_75, %parallel_loop3A_117 : i32
      %parallel_loop3A_119 = arith.constant 6 : i32
      %parallel_loop3A_120 = arith.index_cast %parallel_loop3A_119 : i32 to index
      %parallel_loop3A_121 = arith.index_cast %parallel_loop3A_118 : i32 to index
      %parallel_loop3A_122 = tpu.vector_load %arg8[%parallel_loop3A_120, %parallel_loop3A_121] {strides = array<i32>} : memref<16x640xf32, #tpu.memory_space<vmem>>, vector<16xf32>,
      %parallel_loop3A_123 = arith.addf %parallel_loop3A_116, %parallel_loop3A_122 : vector<16xf32>
      %parallel_loop3A_124 = arith.constant 16 : i32
      %parallel_loop3A_125 = arith.muli %parallel_loop3A_75, %parallel_loop3A_124 : i32
      %parallel_loop3A_126 = arith.constant 7 : i32
      %parallel_loop3A_127 = arith.index_cast %parallel_loop3A_126 : i32 to index
      %parallel_loop3A_128 = arith.index_cast %parallel_loop3A_125 : i32 to index
      %parallel_loop3A_129 = tpu.vector_load %arg8[%parallel_loop3A_127, %parallel_loop3A_128] {strides = array<i32>} : memref<16x640xf32, #tpu.memory_space<vmem>>, vector<16xf32>,
      %parallel_loop3A_130 = arith.addf %parallel_loop3A_123, %parallel_loop3A_129 : vector<16xf32>
      %parallel_loop3A_131 = arith.constant 16 : i32
      %parallel_loop3A_132 = arith.muli %parallel_loop3A_75, %parallel_loop3A_131 : i32
      %parallel_loop3A_133 = arith.constant 8 : i32
      %parallel_loop3A_134 = arith.index_cast %parallel_loop3A_133 : i32 to index
      %parallel_loop3A_135 = arith.index_cast %parallel_loop3A_132 : i32 to index
      %parallel_loop3A_136 = tpu.vector_load %arg8[%parallel_loop3A_134, %parallel_loop3A_135] {strides = array<i32>} : memref<16x640xf32, #tpu.memory_space<vmem>>, vector<16xf32>,
      %parallel_loop3A_137 = arith.addf %parallel_loop3A_130, %parallel_loop3A_136 : vector<16xf32>
      %parallel_loop3A_138 = arith.constant 16 : i32
      %parallel_loop3A_139 = arith.muli %parallel_loop3A_75, %parallel_loop3A_138 : i32
      %parallel_loop3A_140 = arith.constant 9 : i32
      %parallel_loop3A_141 = arith.index_cast %parallel_loop3A_140 : i32 to index
      %parallel_loop3A_142 = arith.index_cast %parallel_loop3A_139 : i32 to index
      %parallel_loop3A_143 = tpu.vector_load %arg8[%parallel_loop3A_141, %parallel_loop3A_142] {strides = array<i32>} : memref<16x640xf32, #tpu.memory_space<vmem>>, vector<16xf32>,
      %parallel_loop3A_144 = arith.addf %parallel_loop3A_137, %parallel_loop3A_143 : vector<16xf32>
      %parallel_loop3A_145 = arith.constant 16 : i32
      %parallel_loop3A_146 = arith.muli %parallel_loop3A_75, %parallel_loop3A_145 : i32
      %parallel_loop3A_147 = arith.constant 10 : i32
      %parallel_loop3A_148 = arith.index_cast %parallel_loop3A_147 : i32 to index
      %parallel_loop3A_149 = arith.index_cast %parallel_loop3A_146 : i32 to index
      %parallel_loop3A_150 = tpu.vector_load %arg8[%parallel_loop3A_148, %parallel_loop3A_149] {strides = array<i32>} : memref<16x640xf32, #tpu.memory_space<vmem>>, vector<16xf32>,
      %parallel_loop3A_151 = arith.addf %parallel_loop3A_144, %parallel_loop3A_150 : vector<16xf32>
      %parallel_loop3A_152 = arith.constant 16 : i32
      %parallel_loop3A_153 = arith.muli %parallel_loop3A_75, %parallel_loop3A_152 : i32
      %parallel_loop3A_154 = arith.constant 11 : i32
      %parallel_loop3A_155 = arith.index_cast %parallel_loop3A_154 : i32 to index
      %parallel_loop3A_156 = arith.index_cast %parallel_loop3A_153 : i32 to index
      %parallel_loop3A_157 = tpu.vector_load %arg8[%parallel_loop3A_155, %parallel_loop3A_156] {strides = array<i32>} : memref<16x640xf32, #tpu.memory_space<vmem>>, vector<16xf32>,
      %parallel_loop3A_158 = arith.addf %parallel_loop3A_151, %parallel_loop3A_157 : vector<16xf32>
      %parallel_loop3A_159 = arith.constant 16 : i32
      %parallel_loop3A_160 = arith.muli %parallel_loop3A_75, %parallel_loop3A_159 : i32
      %parallel_loop3A_161 = arith.constant 12 : i32
      %parallel_loop3A_162 = arith.index_cast %parallel_loop3A_161 : i32 to index
      %parallel_loop3A_163 = arith.index_cast %parallel_loop3A_160 : i32 to index
      %parallel_loop3A_164 = tpu.vector_load %arg8[%parallel_loop3A_162, %parallel_loop3A_163] {strides = array<i32>} : memref<16x640xf32, #tpu.memory_space<vmem>>, vector<16xf32>,
      %parallel_loop3A_165 = arith.addf %parallel_loop3A_158, %parallel_loop3A_164 : vector<16xf32>
      %parallel_loop3A_166 = arith.constant 16 : i32
      %parallel_loop3A_167 = arith.muli %parallel_loop3A_75, %parallel_loop3A_166 : i32
      %parallel_loop3A_168 = arith.constant 13 : i32
      %parallel_loop3A_169 = arith.index_cast %parallel_loop3A_168 : i32 to index
      %parallel_loop3A_170 = arith.index_cast %parallel_loop3A_167 : i32 to index
      %parallel_loop3A_171 = tpu.vector_load %arg8[%parallel_loop3A_169, %parallel_loop3A_170] {strides = array<i32>} : memref<16x640xf32, #tpu.memory_space<vmem>>, vector<16xf32>,
      %parallel_loop3A_172 = arith.addf %parallel_loop3A_165, %parallel_loop3A_171 : vector<16xf32>
      %parallel_loop3A_173 = arith.constant 16 : i32
      %parallel_loop3A_174 = arith.muli %parallel_loop3A_75, %parallel_loop3A_173 : i32
      %parallel_loop3A_175 = arith.constant 14 : i32
      %parallel_loop3A_176 = arith.index_cast %parallel_loop3A_175 : i32 to index
      %parallel_loop3A_177 = arith.index_cast %parallel_loop3A_174 : i32 to index
      %parallel_loop3A_178 = tpu.vector_load %arg8[%parallel_loop3A_176, %parallel_loop3A_177] {strides = array<i32>} : memref<16x640xf32, #tpu.memory_space<vmem>>, vector<16xf32>,
      %parallel_loop3A_179 = arith.addf %parallel_loop3A_172, %parallel_loop3A_178 : vector<16xf32>
      %parallel_loop3A_180 = arith.constant 16 : i32
      %parallel_loop3A_181 = arith.muli %parallel_loop3A_75, %parallel_loop3A_180 : i32
      %parallel_loop3A_182 = arith.constant 15 : i32
      %parallel_loop3A_183 = arith.index_cast %parallel_loop3A_182 : i32 to index
      %parallel_loop3A_184 = arith.index_cast %parallel_loop3A_181 : i32 to index
      %parallel_loop3A_185 = tpu.vector_load %arg8[%parallel_loop3A_183, %parallel_loop3A_184] {strides = array<i32>} : memref<16x640xf32, #tpu.memory_space<vmem>>, vector<16xf32>,
      %parallel_loop3A_186 = arith.addf %parallel_loop3A_179, %parallel_loop3A_185 : vector<16xf32>
      %parallel_loop3A_187 = arith.constant 1.000000e+00 : f32
      %parallel_loop3A_188 = vector.broadcast %parallel_loop3A_187 : f32 to vector<16xf32>
      %parallel_loop3A_189 = arith.maximumf %parallel_loop3A_186, %parallel_loop3A_188 : vector<16xf32>
      %parallel_loop3A_190 = arith.constant 1.000000e+00 : f32
      %parallel_loop3A_191 = vector.broadcast %parallel_loop3A_190 : f32 to vector<16xf32>
      %parallel_loop3A_192 = arith.divf %parallel_loop3A_191, %parallel_loop3A_189 : vector<16xf32>
      %parallel_loop3A_193 = arith.constant 16 : i32
      %parallel_loop3A_194 = arith.muli %parallel_loop3A_75, %parallel_loop3A_193 : i32
      %parallel_loop3A_195 = arith.index_cast %parallel_loop3A_194 : i32 to index
      %parallel_loop3A_196 = tpu.vector_load %arg10[%parallel_loop3A_195] {strides = array<i32>} : memref<640xf32, #tpu.memory_space<vmem>>, vector<16xf32>,
      tpu.vector_store %arg10[%parallel_loop3A_195], %parallel_loop3A_192 {strides = array<i32>} : memref<640xf32, #tpu.memory_space<vmem>>, vector<16xf32>,
      %parallel_loop3A_197 = arith.constant 16 : i32
      %parallel_loop3A_198 = arith.muli %parallel_loop3A_75, %parallel_loop3A_197 : i32
      %parallel_loop3A_199 = arith.addi %mul3A_0, %parallel_loop3A_198 : i32
      %parallel_loop3A_200 = tpu.iota {dimensions = array<i32: 0>} : vector<16xi32>
      %parallel_loop3A_201 = vector.broadcast %parallel_loop3A_199 : i32 to vector<16xi32>
      %parallel_loop3A_202 = arith.addi %parallel_loop3A_201, %parallel_loop3A_200 : vector<16xi32>
      %parallel_loop3A_203 = arith.constant 10000 : i32
      %parallel_loop3A_204 = vector.broadcast %parallel_loop3A_203 : i32 to vector<16xi32>
      %parallel_loop3A_205 = arith.cmpi slt, %parallel_loop3A_202, %parallel_loop3A_204 : vector<16xi32>
      %parallel_loop3A_206 = arith.constant 9.99999974E-5 : f32
      %parallel_loop3A_207 = arith.constant 0.000000e+00 : f32
      %parallel_loop3A_208 = vector.broadcast %parallel_loop3A_206 : f32 to vector<16xf32>
      %parallel_loop3A_209 = vector.broadcast %parallel_loop3A_207 : f32 to vector<16xf32>
      %parallel_loop3A_210 = arith.select %parallel_loop3A_205, %parallel_loop3A_208, %parallel_loop3A_209 : vector<16xi1>, vector<16xf32>
      %parallel_loop3A_211 = arith.constant 16 : i32
      %parallel_loop3A_212 = arith.muli %parallel_loop3A_75, %parallel_loop3A_211 : i32
      %parallel_loop3A_213 = arith.index_cast %parallel_loop3A_212 : i32 to index
      %parallel_loop3A_214 = tpu.vector_load %arg9[%parallel_loop3A_213] {strides = array<i32>} : memref<640xf32, #tpu.memory_space<vmem>>, vector<16xf32>,
      tpu.vector_store %arg9[%parallel_loop3A_213], %parallel_loop3A_210 {strides = array<i32>} : memref<640xf32, #tpu.memory_space<vmem>>, vector<16xf32>,
      %parallel_loop3A_215 = arith.mulf %parallel_loop3A_210, %parallel_loop3A_192 : vector<16xf32>
      %parallel_loop3A_216 = arith.constant 16 : i32
      %parallel_loop3A_217 = arith.muli %parallel_loop3A_75, %parallel_loop3A_216 : i32
      %parallel_loop3A_218 = arith.index_cast %parallel_loop3A_217 : i32 to index
      %parallel_loop3A_219 = tpu.vector_load %arg11[%parallel_loop3A_218] {strides = array<i32>} : memref<640xf32, #tpu.memory_space<vmem>>, vector<16xf32>,
      tpu.vector_store %arg11[%parallel_loop3A_218], %parallel_loop3A_215 {strides = array<i32>} : memref<640xf32, #tpu.memory_space<vmem>>, vector<16xf32>,
    } {sc.loop_unroll_factor = 4 : i64, sc.parallel_access}
    "tpu.region"() ({
      %run_scoped3A = tpu.sem_alloc : memref<!tpu.dma_semaphore, #tpu.memory_space<semaphore_mem>>
      %dma_start3A = tpu.memref_slice %arg13[%mul3A_0] : memref<10240xf32, #tpu.memory_space<vmem_shared>> -> memref<640xf32, #tpu.memory_space<vmem_shared>>
      %dma_start3A_75 = tpu.memref_slice %arg13[%mul3A_0] : memref<10240xf32, #tpu.memory_space<vmem_shared>> -> memref<640xf32, #tpu.memory_space<vmem_shared>>
      tpu.enqueue_dma source(%arg11 : memref<640xf32, #tpu.memory_space<vmem>>) target(%dma_start3A_75 : memref<640xf32, #tpu.memory_space<vmem_shared>>) target_semaphore(%run_scoped3A : memref<!tpu.dma_semaphore, #tpu.memory_space<semaphore_mem>>)
      %dma_wait3A = tpu.memref_slice %arg13[%mul3A_0] : memref<10240xf32, #tpu.memory_space<vmem_shared>> -> memref<640xf32, #tpu.memory_space<vmem_shared>>
      %dma_wait3A_76 = tpu.memref_slice %arg13[%mul3A_0] : memref<10240xf32, #tpu.memory_space<vmem_shared>> -> memref<640xf32, #tpu.memory_space<vmem_shared>>
      tpu.wait_dma2 semaphore(%run_scoped3A : memref<!tpu.dma_semaphore, #tpu.memory_space<semaphore_mem>>) src(%arg11 : memref<640xf32, #tpu.memory_space<vmem>>) dst(%dma_wait3A_76 : memref<640xf32, #tpu.memory_space<vmem_shared>>)
      tpu.yield
    }) : () -> ()
    %barrier3A_33 = arith.constant 0 : index
    tpu.barrier barrier_id(%barrier3A_33)
    tpu.enqueue_dma source(%arg13 : memref<10240xf32, #tpu.memory_space<vmem_shared>>) target(%arg6 : memref<10240xf32, #tpu.memory_space<vmem>>) target_semaphore(%arg14 : memref<!tpu.dma_semaphore, #tpu.memory_space<semaphore_mem>>)
    %scan3A_34 = arith.constant 0 : i32
    %scan3A_35 = arith.constant 0 : i32
    %scan3A_36 = arith.constant 80 : i32
    %scan3A_37 = arith.addi %scan3A_35, %scan3A_36 : i32
    %scan3A_38 = arith.constant 1 : i32
    %scan3A_39 = scf.for %scan3A_75 = %scan3A_35 to %scan3A_37 step %scan3A_38 iter_args(%scan3A_76 = %scan3A_34) -> (i32)  : i32 {
      %mul3A_77 = arith.constant 128 : i32
      %mul3A_78 = arith.muli %scan3A_75, %mul3A_77 : i32
      %add3A = arith.constant 0 : i32
      %add3A_79 = arith.addi %mul3A_78, %add3A : i32
      %swap3A = arith.index_cast %add3A_79 : i32 to index
      %swap3A_80 = tpu.vector_load %arg7[%swap3A] {strides = array<i32>} : memref<10240xf32, #tpu.memory_space<vmem>>, vector<16xf32>,
      tpu.vector_store %arg7[%swap3A], %broadcast_in_dim3A_1 {strides = array<i32>} : memref<10240xf32, #tpu.memory_space<vmem>>, vector<16xf32>,
      %mul3A_81 = arith.constant 128 : i32
      %mul3A_82 = arith.muli %scan3A_75, %mul3A_81 : i32
      %add3A_83 = arith.constant 16 : i32
      %add3A_84 = arith.addi %mul3A_82, %add3A_83 : i32
      %swap3A_85 = arith.index_cast %add3A_84 : i32 to index
      %swap3A_86 = tpu.vector_load %arg7[%swap3A_85] {strides = array<i32>} : memref<10240xf32, #tpu.memory_space<vmem>>, vector<16xf32>,
      tpu.vector_store %arg7[%swap3A_85], %broadcast_in_dim3A_1 {strides = array<i32>} : memref<10240xf32, #tpu.memory_space<vmem>>, vector<16xf32>,
      %mul3A_87 = arith.constant 128 : i32
      %mul3A_88 = arith.muli %scan3A_75, %mul3A_87 : i32
      %add3A_89 = arith.constant 32 : i32
      %add3A_90 = arith.addi %mul3A_88, %add3A_89 : i32
      %swap3A_91 = arith.index_cast %add3A_90 : i32 to index
      %swap3A_92 = tpu.vector_load %arg7[%swap3A_91] {strides = array<i32>} : memref<10240xf32, #tpu.memory_space<vmem>>, vector<16xf32>,
      tpu.vector_store %arg7[%swap3A_91], %broadcast_in_dim3A_1 {strides = array<i32>} : memref<10240xf32, #tpu.memory_space<vmem>>, vector<16xf32>,
      %mul3A_93 = arith.constant 128 : i32
      %mul3A_94 = arith.muli %scan3A_75, %mul3A_93 : i32
      %add3A_95 = arith.constant 48 : i32
      %add3A_96 = arith.addi %mul3A_94, %add3A_95 : i32
      %swap3A_97 = arith.index_cast %add3A_96 : i32 to index
      %swap3A_98 = tpu.vector_load %arg7[%swap3A_97] {strides = array<i32>} : memref<10240xf32, #tpu.memory_space<vmem>>, vector<16xf32>,
      tpu.vector_store %arg7[%swap3A_97], %broadcast_in_dim3A_1 {strides = array<i32>} : memref<10240xf32, #tpu.memory_space<vmem>>, vector<16xf32>,
      %mul3A_99 = arith.constant 128 : i32
      %mul3A_100 = arith.muli %scan3A_75, %mul3A_99 : i32
      %add3A_101 = arith.constant 64 : i32
      %add3A_102 = arith.addi %mul3A_100, %add3A_101 : i32
      %swap3A_103 = arith.index_cast %add3A_102 : i32 to index
      %swap3A_104 = tpu.vector_load %arg7[%swap3A_103] {strides = array<i32>} : memref<10240xf32, #tpu.memory_space<vmem>>, vector<16xf32>,
      tpu.vector_store %arg7[%swap3A_103], %broadcast_in_dim3A_1 {strides = array<i32>} : memref<10240xf32, #tpu.memory_space<vmem>>, vector<16xf32>,
      %mul3A_105 = arith.constant 128 : i32
      %mul3A_106 = arith.muli %scan3A_75, %mul3A_105 : i32
      %add3A_107 = arith.constant 80 : i32
      %add3A_108 = arith.addi %mul3A_106, %add3A_107 : i32
      %swap3A_109 = arith.index_cast %add3A_108 : i32 to index
      %swap3A_110 = tpu.vector_load %arg7[%swap3A_109] {strides = array<i32>} : memref<10240xf32, #tpu.memory_space<vmem>>, vector<16xf32>,
      tpu.vector_store %arg7[%swap3A_109], %broadcast_in_dim3A_1 {strides = array<i32>} : memref<10240xf32, #tpu.memory_space<vmem>>, vector<16xf32>,
      %mul3A_111 = arith.constant 128 : i32
      %mul3A_112 = arith.muli %scan3A_75, %mul3A_111 : i32
      %add3A_113 = arith.constant 96 : i32
      %add3A_114 = arith.addi %mul3A_112, %add3A_113 : i32
      %swap3A_115 = arith.index_cast %add3A_114 : i32 to index
      %swap3A_116 = tpu.vector_load %arg7[%swap3A_115] {strides = array<i32>} : memref<10240xf32, #tpu.memory_space<vmem>>, vector<16xf32>,
      tpu.vector_store %arg7[%swap3A_115], %broadcast_in_dim3A_1 {strides = array<i32>} : memref<10240xf32, #tpu.memory_space<vmem>>, vector<16xf32>,
      %mul3A_117 = arith.constant 128 : i32
      %mul3A_118 = arith.muli %scan3A_75, %mul3A_117 : i32
      %add3A_119 = arith.constant 112 : i32
      %add3A_120 = arith.addi %mul3A_118, %add3A_119 : i32
      %swap3A_121 = arith.index_cast %add3A_120 : i32 to index
      %swap3A_122 = tpu.vector_load %arg7[%swap3A_121] {strides = array<i32>} : memref<10240xf32, #tpu.memory_space<vmem>>, vector<16xf32>,
      tpu.vector_store %arg7[%swap3A_121], %broadcast_in_dim3A_1 {strides = array<i32>} : memref<10240xf32, #tpu.memory_space<vmem>>, vector<16xf32>,
      %scan3A_123 = arith.constant 0 : i32
      scf.yield %scan3A_123 : i32
    }
    %scan3A_40 = arith.constant 80 : i32
    tpu.wait_dma2 semaphore(%arg14 : memref<!tpu.dma_semaphore, #tpu.memory_space<semaphore_mem>>) src(%arg13 : memref<10240xf32, #tpu.memory_space<vmem_shared>>) dst(%arg6 : memref<10240xf32, #tpu.memory_space<vmem>>)
    %parallel_loop3A_41 = arith.constant 0 : i32
    %parallel_loop3A_42 = arith.constant 1 : i32
    scf.for %parallel_loop3A_75 = %parallel_loop3A_41 to %select_n3A step %parallel_loop3A_42  : i32 {
      %parallel_loop3A_76 = arith.constant 16 : i32
      %parallel_loop3A_77 = arith.muli %parallel_loop3A_75, %parallel_loop3A_76 : i32
      %parallel_loop3A_78 = arith.index_cast %parallel_loop3A_77 : i32 to index
      %parallel_loop3A_79 = tpu.vector_load %arg5[%parallel_loop3A_78] {strides = array<i32>} : memref<20480xi32, #tpu.memory_space<vmem>>, vector<16xi32>,
      %parallel_loop3A_80 = arith.constant 16 : i32
      %parallel_loop3A_81 = vector.broadcast %parallel_loop3A_80 : i32 to vector<16xi32>
      %parallel_loop3A_82 = arith.shrui %parallel_loop3A_79, %parallel_loop3A_81 : vector<16xi32>
      %parallel_loop3A_83 = arith.constant 65535 : i32
      %parallel_loop3A_84 = vector.broadcast %parallel_loop3A_83 : i32 to vector<16xi32>
      %parallel_loop3A_85 = arith.andi %parallel_loop3A_79, %parallel_loop3A_84 : vector<16xi32>
      %parallel_loop3A_86 = tpu.vector_load_idx %arg6[%parallel_loop3A_82] : memref<10240xf32, #tpu.memory_space<vmem>>[vector<16xi32>], vector<16xf32>,
      tpu.vector_store_idx %arg7[%parallel_loop3A_85], %parallel_loop3A_86 {add = true} : memref<10240xf32, #tpu.memory_space<vmem>>[vector<16xi32>], vector<16xf32>,
    } {sc.loop_unroll_factor = 16 : i64, sc.parallel_access}
    "tpu.region"() ({
      %run_scoped3A = tpu.sem_alloc : memref<!tpu.dma_semaphore, #tpu.memory_space<semaphore_mem>>
      %dma_start3A = arith.constant 0 : i32
      %dma_start3A_75 = tpu.memref_slice %arg12[%arg1, %dma_start3A] : memref<16x10240xf32, #tpu.memory_space<vmem_shared>> -> memref<1x10240xf32, #tpu.memory_space<vmem_shared>>
      %dma_start3A_76 = tpu.memref_squeeze %dma_start3A_75 : memref<1x10240xf32, #tpu.memory_space<vmem_shared>> -> memref<10240xf32, #tpu.memory_space<vmem_shared>>
      %dma_start3A_77 = arith.constant 0 : i32
      %dma_start3A_78 = tpu.memref_slice %arg12[%arg1, %dma_start3A_77] : memref<16x10240xf32, #tpu.memory_space<vmem_shared>> -> memref<1x10240xf32, #tpu.memory_space<vmem_shared>>
      %dma_start3A_79 = tpu.memref_squeeze %dma_start3A_78 : memref<1x10240xf32, #tpu.memory_space<vmem_shared>> -> memref<10240xf32, #tpu.memory_space<vmem_shared>>
      tpu.enqueue_dma source(%arg7 : memref<10240xf32, #tpu.memory_space<vmem>>) target(%dma_start3A_79 : memref<10240xf32, #tpu.memory_space<vmem_shared>>) target_semaphore(%run_scoped3A : memref<!tpu.dma_semaphore, #tpu.memory_space<semaphore_mem>>)
      %dma_wait3A = arith.constant 0 : i32
      %dma_wait3A_80 = tpu.memref_slice %arg12[%arg1, %dma_wait3A] : memref<16x10240xf32, #tpu.memory_space<vmem_shared>> -> memref<1x10240xf32, #tpu.memory_space<vmem_shared>>
      %dma_wait3A_81 = tpu.memref_squeeze %dma_wait3A_80 : memref<1x10240xf32, #tpu.memory_space<vmem_shared>> -> memref<10240xf32, #tpu.memory_space<vmem_shared>>
      %dma_wait3A_82 = arith.constant 0 : i32
      %dma_wait3A_83 = tpu.memref_slice %arg12[%arg1, %dma_wait3A_82] : memref<16x10240xf32, #tpu.memory_space<vmem_shared>> -> memref<1x10240xf32, #tpu.memory_space<vmem_shared>>
      %dma_wait3A_84 = tpu.memref_squeeze %dma_wait3A_83 : memref<1x10240xf32, #tpu.memory_space<vmem_shared>> -> memref<10240xf32, #tpu.memory_space<vmem_shared>>
      tpu.wait_dma2 semaphore(%run_scoped3A : memref<!tpu.dma_semaphore, #tpu.memory_space<semaphore_mem>>) src(%arg7 : memref<10240xf32, #tpu.memory_space<vmem>>) dst(%dma_wait3A_84 : memref<10240xf32, #tpu.memory_space<vmem_shared>>)
      tpu.yield
    }) : () -> ()
    %barrier3A_43 = arith.constant 0 : index
    tpu.barrier barrier_id(%barrier3A_43)
    "tpu.region"() ({
      %run_scoped3A = tpu.sem_alloc : memref<!tpu.dma_semaphore, #tpu.memory_space<semaphore_mem>>
      %dma_start3A = arith.constant 0 : i32
      %dma_start3A_75 = tpu.memref_slice %arg12[%dma_start3A, %mul3A_0] : memref<16x10240xf32, #tpu.memory_space<vmem_shared>> -> memref<16x640xf32, #tpu.memory_space<vmem_shared>>
      %dma_start3A_76 = arith.constant 0 : i32
      %dma_start3A_77 = tpu.memref_slice %arg12[%dma_start3A_76, %mul3A_0] : memref<16x10240xf32, #tpu.memory_space<vmem_shared>> -> memref<16x640xf32, #tpu.memory_space<vmem_shared>>
      tpu.enqueue_dma source(%dma_start3A_77 : memref<16x640xf32, #tpu.memory_space<vmem_shared>>) target(%arg8 : memref<16x640xf32, #tpu.memory_space<vmem>>) target_semaphore(%run_scoped3A : memref<!tpu.dma_semaphore, #tpu.memory_space<semaphore_mem>>)
      %dma_wait3A = arith.constant 0 : i32
      %dma_wait3A_78 = tpu.memref_slice %arg12[%dma_wait3A, %mul3A_0] : memref<16x10240xf32, #tpu.memory_space<vmem_shared>> -> memref<16x640xf32, #tpu.memory_space<vmem_shared>>
      %dma_wait3A_79 = arith.constant 0 : i32
      %dma_wait3A_80 = tpu.memref_slice %arg12[%dma_wait3A_79, %mul3A_0] : memref<16x10240xf32, #tpu.memory_space<vmem_shared>> -> memref<16x640xf32, #tpu.memory_space<vmem_shared>>
      tpu.wait_dma2 semaphore(%run_scoped3A : memref<!tpu.dma_semaphore, #tpu.memory_space<semaphore_mem>>) src(%dma_wait3A_80 : memref<16x640xf32, #tpu.memory_space<vmem_shared>>) dst(%arg8 : memref<16x640xf32, #tpu.memory_space<vmem>>)
      tpu.yield
    }) : () -> ()
    %parallel_loop3A_44 = arith.constant 0 : i32
    %parallel_loop3A_45 = arith.constant 40 : i32
    %parallel_loop3A_46 = arith.constant 1 : i32
    scf.for %parallel_loop3A_75 = %parallel_loop3A_44 to %parallel_loop3A_45 step %parallel_loop3A_46  : i32 {
      %parallel_loop3A_76 = arith.constant 16 : i32
      %parallel_loop3A_77 = arith.muli %parallel_loop3A_75, %parallel_loop3A_76 : i32
      %parallel_loop3A_78 = arith.index_cast %parallel_loop3A_77 : i32 to index
      %parallel_loop3A_79 = tpu.vector_load %arg9[%parallel_loop3A_78] {strides = array<i32>} : memref<640xf32, #tpu.memory_space<vmem>>, vector<16xf32>,
      %parallel_loop3A_80 = arith.constant 16 : i32
      %parallel_loop3A_81 = arith.muli %parallel_loop3A_75, %parallel_loop3A_80 : i32
      %parallel_loop3A_82 = arith.constant 0 : i32
      %parallel_loop3A_83 = arith.index_cast %parallel_loop3A_82 : i32 to index
      %parallel_loop3A_84 = arith.index_cast %parallel_loop3A_81 : i32 to index
      %parallel_loop3A_85 = tpu.vector_load %arg8[%parallel_loop3A_83, %parallel_loop3A_84] {strides = array<i32>} : memref<16x640xf32, #tpu.memory_space<vmem>>, vector<16xf32>,
      %parallel_loop3A_86 = arith.constant 16 : i32
      %parallel_loop3A_87 = arith.muli %parallel_loop3A_75, %parallel_loop3A_86 : i32
      %parallel_loop3A_88 = arith.constant 1 : i32
      %parallel_loop3A_89 = arith.index_cast %parallel_loop3A_88 : i32 to index
      %parallel_loop3A_90 = arith.index_cast %parallel_loop3A_87 : i32 to index
      %parallel_loop3A_91 = tpu.vector_load %arg8[%parallel_loop3A_89, %parallel_loop3A_90] {strides = array<i32>} : memref<16x640xf32, #tpu.memory_space<vmem>>, vector<16xf32>,
      %parallel_loop3A_92 = arith.addf %parallel_loop3A_85, %parallel_loop3A_91 : vector<16xf32>
      %parallel_loop3A_93 = arith.constant 16 : i32
      %parallel_loop3A_94 = arith.muli %parallel_loop3A_75, %parallel_loop3A_93 : i32
      %parallel_loop3A_95 = arith.constant 2 : i32
      %parallel_loop3A_96 = arith.index_cast %parallel_loop3A_95 : i32 to index
      %parallel_loop3A_97 = arith.index_cast %parallel_loop3A_94 : i32 to index
      %parallel_loop3A_98 = tpu.vector_load %arg8[%parallel_loop3A_96, %parallel_loop3A_97] {strides = array<i32>} : memref<16x640xf32, #tpu.memory_space<vmem>>, vector<16xf32>,
      %parallel_loop3A_99 = arith.addf %parallel_loop3A_92, %parallel_loop3A_98 : vector<16xf32>
      %parallel_loop3A_100 = arith.constant 16 : i32
      %parallel_loop3A_101 = arith.muli %parallel_loop3A_75, %parallel_loop3A_100 : i32
      %parallel_loop3A_102 = arith.constant 3 : i32
      %parallel_loop3A_103 = arith.index_cast %parallel_loop3A_102 : i32 to index
      %parallel_loop3A_104 = arith.index_cast %parallel_loop3A_101 : i32 to index
      %parallel_loop3A_105 = tpu.vector_load %arg8[%parallel_loop3A_103, %parallel_loop3A_104] {strides = array<i32>} : memref<16x640xf32, #tpu.memory_space<vmem>>, vector<16xf32>,
      %parallel_loop3A_106 = arith.addf %parallel_loop3A_99, %parallel_loop3A_105 : vector<16xf32>
      %parallel_loop3A_107 = arith.constant 16 : i32
      %parallel_loop3A_108 = arith.muli %parallel_loop3A_75, %parallel_loop3A_107 : i32
      %parallel_loop3A_109 = arith.constant 4 : i32
      %parallel_loop3A_110 = arith.index_cast %parallel_loop3A_109 : i32 to index
      %parallel_loop3A_111 = arith.index_cast %parallel_loop3A_108 : i32 to index
      %parallel_loop3A_112 = tpu.vector_load %arg8[%parallel_loop3A_110, %parallel_loop3A_111] {strides = array<i32>} : memref<16x640xf32, #tpu.memory_space<vmem>>, vector<16xf32>,
      %parallel_loop3A_113 = arith.addf %parallel_loop3A_106, %parallel_loop3A_112 : vector<16xf32>
      %parallel_loop3A_114 = arith.constant 16 : i32
      %parallel_loop3A_115 = arith.muli %parallel_loop3A_75, %parallel_loop3A_114 : i32
      %parallel_loop3A_116 = arith.constant 5 : i32
      %parallel_loop3A_117 = arith.index_cast %parallel_loop3A_116 : i32 to index
      %parallel_loop3A_118 = arith.index_cast %parallel_loop3A_115 : i32 to index
      %parallel_loop3A_119 = tpu.vector_load %arg8[%parallel_loop3A_117, %parallel_loop3A_118] {strides = array<i32>} : memref<16x640xf32, #tpu.memory_space<vmem>>, vector<16xf32>,
      %parallel_loop3A_120 = arith.addf %parallel_loop3A_113, %parallel_loop3A_119 : vector<16xf32>
      %parallel_loop3A_121 = arith.constant 16 : i32
      %parallel_loop3A_122 = arith.muli %parallel_loop3A_75, %parallel_loop3A_121 : i32
      %parallel_loop3A_123 = arith.constant 6 : i32
      %parallel_loop3A_124 = arith.index_cast %parallel_loop3A_123 : i32 to index
      %parallel_loop3A_125 = arith.index_cast %parallel_loop3A_122 : i32 to index
      %parallel_loop3A_126 = tpu.vector_load %arg8[%parallel_loop3A_124, %parallel_loop3A_125] {strides = array<i32>} : memref<16x640xf32, #tpu.memory_space<vmem>>, vector<16xf32>,
      %parallel_loop3A_127 = arith.addf %parallel_loop3A_120, %parallel_loop3A_126 : vector<16xf32>
      %parallel_loop3A_128 = arith.constant 16 : i32
      %parallel_loop3A_129 = arith.muli %parallel_loop3A_75, %parallel_loop3A_128 : i32
      %parallel_loop3A_130 = arith.constant 7 : i32
      %parallel_loop3A_131 = arith.index_cast %parallel_loop3A_130 : i32 to index
      %parallel_loop3A_132 = arith.index_cast %parallel_loop3A_129 : i32 to index
      %parallel_loop3A_133 = tpu.vector_load %arg8[%parallel_loop3A_131, %parallel_loop3A_132] {strides = array<i32>} : memref<16x640xf32, #tpu.memory_space<vmem>>, vector<16xf32>,
      %parallel_loop3A_134 = arith.addf %parallel_loop3A_127, %parallel_loop3A_133 : vector<16xf32>
      %parallel_loop3A_135 = arith.constant 16 : i32
      %parallel_loop3A_136 = arith.muli %parallel_loop3A_75, %parallel_loop3A_135 : i32
      %parallel_loop3A_137 = arith.constant 8 : i32
      %parallel_loop3A_138 = arith.index_cast %parallel_loop3A_137 : i32 to index
      %parallel_loop3A_139 = arith.index_cast %parallel_loop3A_136 : i32 to index
      %parallel_loop3A_140 = tpu.vector_load %arg8[%parallel_loop3A_138, %parallel_loop3A_139] {strides = array<i32>} : memref<16x640xf32, #tpu.memory_space<vmem>>, vector<16xf32>,
      %parallel_loop3A_141 = arith.addf %parallel_loop3A_134, %parallel_loop3A_140 : vector<16xf32>
      %parallel_loop3A_142 = arith.constant 16 : i32
      %parallel_loop3A_143 = arith.muli %parallel_loop3A_75, %parallel_loop3A_142 : i32
      %parallel_loop3A_144 = arith.constant 9 : i32
      %parallel_loop3A_145 = arith.index_cast %parallel_loop3A_144 : i32 to index
      %parallel_loop3A_146 = arith.index_cast %parallel_loop3A_143 : i32 to index
      %parallel_loop3A_147 = tpu.vector_load %arg8[%parallel_loop3A_145, %parallel_loop3A_146] {strides = array<i32>} : memref<16x640xf32, #tpu.memory_space<vmem>>, vector<16xf32>,
      %parallel_loop3A_148 = arith.addf %parallel_loop3A_141, %parallel_loop3A_147 : vector<16xf32>
      %parallel_loop3A_149 = arith.constant 16 : i32
      %parallel_loop3A_150 = arith.muli %parallel_loop3A_75, %parallel_loop3A_149 : i32
      %parallel_loop3A_151 = arith.constant 10 : i32
      %parallel_loop3A_152 = arith.index_cast %parallel_loop3A_151 : i32 to index
      %parallel_loop3A_153 = arith.index_cast %parallel_loop3A_150 : i32 to index
      %parallel_loop3A_154 = tpu.vector_load %arg8[%parallel_loop3A_152, %parallel_loop3A_153] {strides = array<i32>} : memref<16x640xf32, #tpu.memory_space<vmem>>, vector<16xf32>,
      %parallel_loop3A_155 = arith.addf %parallel_loop3A_148, %parallel_loop3A_154 : vector<16xf32>
      %parallel_loop3A_156 = arith.constant 16 : i32
      %parallel_loop3A_157 = arith.muli %parallel_loop3A_75, %parallel_loop3A_156 : i32
      %parallel_loop3A_158 = arith.constant 11 : i32
      %parallel_loop3A_159 = arith.index_cast %parallel_loop3A_158 : i32 to index
      %parallel_loop3A_160 = arith.index_cast %parallel_loop3A_157 : i32 to index
      %parallel_loop3A_161 = tpu.vector_load %arg8[%parallel_loop3A_159, %parallel_loop3A_160] {strides = array<i32>} : memref<16x640xf32, #tpu.memory_space<vmem>>, vector<16xf32>,
      %parallel_loop3A_162 = arith.addf %parallel_loop3A_155, %parallel_loop3A_161 : vector<16xf32>
      %parallel_loop3A_163 = arith.constant 16 : i32
      %parallel_loop3A_164 = arith.muli %parallel_loop3A_75, %parallel_loop3A_163 : i32
      %parallel_loop3A_165 = arith.constant 12 : i32
      %parallel_loop3A_166 = arith.index_cast %parallel_loop3A_165 : i32 to index
      %parallel_loop3A_167 = arith.index_cast %parallel_loop3A_164 : i32 to index
      %parallel_loop3A_168 = tpu.vector_load %arg8[%parallel_loop3A_166, %parallel_loop3A_167] {strides = array<i32>} : memref<16x640xf32, #tpu.memory_space<vmem>>, vector<16xf32>,
      %parallel_loop3A_169 = arith.addf %parallel_loop3A_162, %parallel_loop3A_168 : vector<16xf32>
      %parallel_loop3A_170 = arith.constant 16 : i32
      %parallel_loop3A_171 = arith.muli %parallel_loop3A_75, %parallel_loop3A_170 : i32
      %parallel_loop3A_172 = arith.constant 13 : i32
      %parallel_loop3A_173 = arith.index_cast %parallel_loop3A_172 : i32 to index
      %parallel_loop3A_174 = arith.index_cast %parallel_loop3A_171 : i32 to index
      %parallel_loop3A_175 = tpu.vector_load %arg8[%parallel_loop3A_173, %parallel_loop3A_174] {strides = array<i32>} : memref<16x640xf32, #tpu.memory_space<vmem>>, vector<16xf32>,
      %parallel_loop3A_176 = arith.addf %parallel_loop3A_169, %parallel_loop3A_175 : vector<16xf32>
      %parallel_loop3A_177 = arith.constant 16 : i32
      %parallel_loop3A_178 = arith.muli %parallel_loop3A_75, %parallel_loop3A_177 : i32
      %parallel_loop3A_179 = arith.constant 14 : i32
      %parallel_loop3A_180 = arith.index_cast %parallel_loop3A_179 : i32 to index
      %parallel_loop3A_181 = arith.index_cast %parallel_loop3A_178 : i32 to index
      %parallel_loop3A_182 = tpu.vector_load %arg8[%parallel_loop3A_180, %parallel_loop3A_181] {strides = array<i32>} : memref<16x640xf32, #tpu.memory_space<vmem>>, vector<16xf32>,
      %parallel_loop3A_183 = arith.addf %parallel_loop3A_176, %parallel_loop3A_182 : vector<16xf32>
      %parallel_loop3A_184 = arith.constant 16 : i32
      %parallel_loop3A_185 = arith.muli %parallel_loop3A_75, %parallel_loop3A_184 : i32
      %parallel_loop3A_186 = arith.constant 15 : i32
      %parallel_loop3A_187 = arith.index_cast %parallel_loop3A_186 : i32 to index
      %parallel_loop3A_188 = arith.index_cast %parallel_loop3A_185 : i32 to index
      %parallel_loop3A_189 = tpu.vector_load %arg8[%parallel_loop3A_187, %parallel_loop3A_188] {strides = array<i32>} : memref<16x640xf32, #tpu.memory_space<vmem>>, vector<16xf32>,
      %parallel_loop3A_190 = arith.addf %parallel_loop3A_183, %parallel_loop3A_189 : vector<16xf32>
      %parallel_loop3A_191 = arith.addf %parallel_loop3A_79, %parallel_loop3A_190 : vector<16xf32>
      %parallel_loop3A_192 = arith.constant 5.000000e-01 : f32
      %parallel_loop3A_193 = vector.broadcast %parallel_loop3A_192 : f32 to vector<16xf32>
      %parallel_loop3A_194 = arith.mulf %parallel_loop3A_191, %parallel_loop3A_193 : vector<16xf32>
      %parallel_loop3A_195 = arith.constant 16 : i32
      %parallel_loop3A_196 = arith.muli %parallel_loop3A_75, %parallel_loop3A_195 : i32
      %parallel_loop3A_197 = arith.index_cast %parallel_loop3A_196 : i32 to index
      %parallel_loop3A_198 = tpu.vector_load %arg9[%parallel_loop3A_197] {strides = array<i32>} : memref<640xf32, #tpu.memory_space<vmem>>, vector<16xf32>,
      tpu.vector_store %arg9[%parallel_loop3A_197], %parallel_loop3A_194 {strides = array<i32>} : memref<640xf32, #tpu.memory_space<vmem>>, vector<16xf32>,
      %parallel_loop3A_199 = arith.constant 16 : i32
      %parallel_loop3A_200 = arith.muli %parallel_loop3A_75, %parallel_loop3A_199 : i32
      %parallel_loop3A_201 = arith.index_cast %parallel_loop3A_200 : i32 to index
      %parallel_loop3A_202 = tpu.vector_load %arg10[%parallel_loop3A_201] {strides = array<i32>} : memref<640xf32, #tpu.memory_space<vmem>>, vector<16xf32>,
      %parallel_loop3A_203 = arith.mulf %parallel_loop3A_194, %parallel_loop3A_202 : vector<16xf32>
      %parallel_loop3A_204 = arith.constant 16 : i32
      %parallel_loop3A_205 = arith.muli %parallel_loop3A_75, %parallel_loop3A_204 : i32
      %parallel_loop3A_206 = arith.index_cast %parallel_loop3A_205 : i32 to index
      %parallel_loop3A_207 = tpu.vector_load %arg11[%parallel_loop3A_206] {strides = array<i32>} : memref<640xf32, #tpu.memory_space<vmem>>, vector<16xf32>,
      tpu.vector_store %arg11[%parallel_loop3A_206], %parallel_loop3A_203 {strides = array<i32>} : memref<640xf32, #tpu.memory_space<vmem>>, vector<16xf32>,
    } {sc.loop_unroll_factor = 4 : i64, sc.parallel_access}
    "tpu.region"() ({
      %run_scoped3A = tpu.sem_alloc : memref<!tpu.dma_semaphore, #tpu.memory_space<semaphore_mem>>
      %dma_start3A = tpu.memref_slice %arg13[%mul3A_0] : memref<10240xf32, #tpu.memory_space<vmem_shared>> -> memref<640xf32, #tpu.memory_space<vmem_shared>>
      %dma_start3A_75 = tpu.memref_slice %arg13[%mul3A_0] : memref<10240xf32, #tpu.memory_space<vmem_shared>> -> memref<640xf32, #tpu.memory_space<vmem_shared>>
      tpu.enqueue_dma source(%arg11 : memref<640xf32, #tpu.memory_space<vmem>>) target(%dma_start3A_75 : memref<640xf32, #tpu.memory_space<vmem_shared>>) target_semaphore(%run_scoped3A : memref<!tpu.dma_semaphore, #tpu.memory_space<semaphore_mem>>)
      %dma_wait3A = tpu.memref_slice %arg13[%mul3A_0] : memref<10240xf32, #tpu.memory_space<vmem_shared>> -> memref<640xf32, #tpu.memory_space<vmem_shared>>
      %dma_wait3A_76 = tpu.memref_slice %arg13[%mul3A_0] : memref<10240xf32, #tpu.memory_space<vmem_shared>> -> memref<640xf32, #tpu.memory_space<vmem_shared>>
      tpu.wait_dma2 semaphore(%run_scoped3A : memref<!tpu.dma_semaphore, #tpu.memory_space<semaphore_mem>>) src(%arg11 : memref<640xf32, #tpu.memory_space<vmem>>) dst(%dma_wait3A_76 : memref<640xf32, #tpu.memory_space<vmem_shared>>)
      tpu.yield
    }) : () -> ()
    %barrier3A_47 = arith.constant 0 : index
    tpu.barrier barrier_id(%barrier3A_47)
    tpu.enqueue_dma source(%arg13 : memref<10240xf32, #tpu.memory_space<vmem_shared>>) target(%arg6 : memref<10240xf32, #tpu.memory_space<vmem>>) target_semaphore(%arg14 : memref<!tpu.dma_semaphore, #tpu.memory_space<semaphore_mem>>)
    %scan3A_48 = arith.constant 0 : i32
    %scan3A_49 = arith.constant 0 : i32
    %scan3A_50 = arith.constant 80 : i32
    %scan3A_51 = arith.addi %scan3A_49, %scan3A_50 : i32
    %scan3A_52 = arith.constant 1 : i32
    %scan3A_53 = scf.for %scan3A_75 = %scan3A_49 to %scan3A_51 step %scan3A_52 iter_args(%scan3A_76 = %scan3A_48) -> (i32)  : i32 {
      %mul3A_77 = arith.constant 128 : i32
      %mul3A_78 = arith.muli %scan3A_75, %mul3A_77 : i32
      %add3A = arith.constant 0 : i32
      %add3A_79 = arith.addi %mul3A_78, %add3A : i32
      %swap3A = arith.index_cast %add3A_79 : i32 to index
      %swap3A_80 = tpu.vector_load %arg7[%swap3A] {strides = array<i32>} : memref<10240xf32, #tpu.memory_space<vmem>>, vector<16xf32>,
      tpu.vector_store %arg7[%swap3A], %broadcast_in_dim3A_1 {strides = array<i32>} : memref<10240xf32, #tpu.memory_space<vmem>>, vector<16xf32>,
      %mul3A_81 = arith.constant 128 : i32
      %mul3A_82 = arith.muli %scan3A_75, %mul3A_81 : i32
      %add3A_83 = arith.constant 16 : i32
      %add3A_84 = arith.addi %mul3A_82, %add3A_83 : i32
      %swap3A_85 = arith.index_cast %add3A_84 : i32 to index
      %swap3A_86 = tpu.vector_load %arg7[%swap3A_85] {strides = array<i32>} : memref<10240xf32, #tpu.memory_space<vmem>>, vector<16xf32>,
      tpu.vector_store %arg7[%swap3A_85], %broadcast_in_dim3A_1 {strides = array<i32>} : memref<10240xf32, #tpu.memory_space<vmem>>, vector<16xf32>,
      %mul3A_87 = arith.constant 128 : i32
      %mul3A_88 = arith.muli %scan3A_75, %mul3A_87 : i32
      %add3A_89 = arith.constant 32 : i32
      %add3A_90 = arith.addi %mul3A_88, %add3A_89 : i32
      %swap3A_91 = arith.index_cast %add3A_90 : i32 to index
      %swap3A_92 = tpu.vector_load %arg7[%swap3A_91] {strides = array<i32>} : memref<10240xf32, #tpu.memory_space<vmem>>, vector<16xf32>,
      tpu.vector_store %arg7[%swap3A_91], %broadcast_in_dim3A_1 {strides = array<i32>} : memref<10240xf32, #tpu.memory_space<vmem>>, vector<16xf32>,
      %mul3A_93 = arith.constant 128 : i32
      %mul3A_94 = arith.muli %scan3A_75, %mul3A_93 : i32
      %add3A_95 = arith.constant 48 : i32
      %add3A_96 = arith.addi %mul3A_94, %add3A_95 : i32
      %swap3A_97 = arith.index_cast %add3A_96 : i32 to index
      %swap3A_98 = tpu.vector_load %arg7[%swap3A_97] {strides = array<i32>} : memref<10240xf32, #tpu.memory_space<vmem>>, vector<16xf32>,
      tpu.vector_store %arg7[%swap3A_97], %broadcast_in_dim3A_1 {strides = array<i32>} : memref<10240xf32, #tpu.memory_space<vmem>>, vector<16xf32>,
      %mul3A_99 = arith.constant 128 : i32
      %mul3A_100 = arith.muli %scan3A_75, %mul3A_99 : i32
      %add3A_101 = arith.constant 64 : i32
      %add3A_102 = arith.addi %mul3A_100, %add3A_101 : i32
      %swap3A_103 = arith.index_cast %add3A_102 : i32 to index
      %swap3A_104 = tpu.vector_load %arg7[%swap3A_103] {strides = array<i32>} : memref<10240xf32, #tpu.memory_space<vmem>>, vector<16xf32>,
      tpu.vector_store %arg7[%swap3A_103], %broadcast_in_dim3A_1 {strides = array<i32>} : memref<10240xf32, #tpu.memory_space<vmem>>, vector<16xf32>,
      %mul3A_105 = arith.constant 128 : i32
      %mul3A_106 = arith.muli %scan3A_75, %mul3A_105 : i32
      %add3A_107 = arith.constant 80 : i32
      %add3A_108 = arith.addi %mul3A_106, %add3A_107 : i32
      %swap3A_109 = arith.index_cast %add3A_108 : i32 to index
      %swap3A_110 = tpu.vector_load %arg7[%swap3A_109] {strides = array<i32>} : memref<10240xf32, #tpu.memory_space<vmem>>, vector<16xf32>,
      tpu.vector_store %arg7[%swap3A_109], %broadcast_in_dim3A_1 {strides = array<i32>} : memref<10240xf32, #tpu.memory_space<vmem>>, vector<16xf32>,
      %mul3A_111 = arith.constant 128 : i32
      %mul3A_112 = arith.muli %scan3A_75, %mul3A_111 : i32
      %add3A_113 = arith.constant 96 : i32
      %add3A_114 = arith.addi %mul3A_112, %add3A_113 : i32
      %swap3A_115 = arith.index_cast %add3A_114 : i32 to index
      %swap3A_116 = tpu.vector_load %arg7[%swap3A_115] {strides = array<i32>} : memref<10240xf32, #tpu.memory_space<vmem>>, vector<16xf32>,
      tpu.vector_store %arg7[%swap3A_115], %broadcast_in_dim3A_1 {strides = array<i32>} : memref<10240xf32, #tpu.memory_space<vmem>>, vector<16xf32>,
      %mul3A_117 = arith.constant 128 : i32
      %mul3A_118 = arith.muli %scan3A_75, %mul3A_117 : i32
      %add3A_119 = arith.constant 112 : i32
      %add3A_120 = arith.addi %mul3A_118, %add3A_119 : i32
      %swap3A_121 = arith.index_cast %add3A_120 : i32 to index
      %swap3A_122 = tpu.vector_load %arg7[%swap3A_121] {strides = array<i32>} : memref<10240xf32, #tpu.memory_space<vmem>>, vector<16xf32>,
      tpu.vector_store %arg7[%swap3A_121], %broadcast_in_dim3A_1 {strides = array<i32>} : memref<10240xf32, #tpu.memory_space<vmem>>, vector<16xf32>,
      %scan3A_123 = arith.constant 0 : i32
      scf.yield %scan3A_123 : i32
    }
    %scan3A_54 = arith.constant 80 : i32
    tpu.wait_dma2 semaphore(%arg14 : memref<!tpu.dma_semaphore, #tpu.memory_space<semaphore_mem>>) src(%arg13 : memref<10240xf32, #tpu.memory_space<vmem_shared>>) dst(%arg6 : memref<10240xf32, #tpu.memory_space<vmem>>)
    %parallel_loop3A_55 = arith.constant 0 : i32
    %parallel_loop3A_56 = arith.constant 1 : i32
    scf.for %parallel_loop3A_75 = %parallel_loop3A_55 to %select_n3A step %parallel_loop3A_56  : i32 {
      %parallel_loop3A_76 = arith.constant 16 : i32
      %parallel_loop3A_77 = arith.muli %parallel_loop3A_75, %parallel_loop3A_76 : i32
      %parallel_loop3A_78 = arith.index_cast %parallel_loop3A_77 : i32 to index
      %parallel_loop3A_79 = tpu.vector_load %arg5[%parallel_loop3A_78] {strides = array<i32>} : memref<20480xi32, #tpu.memory_space<vmem>>, vector<16xi32>,
      %parallel_loop3A_80 = arith.constant 16 : i32
      %parallel_loop3A_81 = vector.broadcast %parallel_loop3A_80 : i32 to vector<16xi32>
      %parallel_loop3A_82 = arith.shrui %parallel_loop3A_79, %parallel_loop3A_81 : vector<16xi32>
      %parallel_loop3A_83 = arith.constant 65535 : i32
      %parallel_loop3A_84 = vector.broadcast %parallel_loop3A_83 : i32 to vector<16xi32>
      %parallel_loop3A_85 = arith.andi %parallel_loop3A_79, %parallel_loop3A_84 : vector<16xi32>
      %parallel_loop3A_86 = tpu.vector_load_idx %arg6[%parallel_loop3A_82] : memref<10240xf32, #tpu.memory_space<vmem>>[vector<16xi32>], vector<16xf32>,
      tpu.vector_store_idx %arg7[%parallel_loop3A_85], %parallel_loop3A_86 {add = true} : memref<10240xf32, #tpu.memory_space<vmem>>[vector<16xi32>], vector<16xf32>,
    } {sc.loop_unroll_factor = 16 : i64, sc.parallel_access}
    "tpu.region"() ({
      %run_scoped3A = tpu.sem_alloc : memref<!tpu.dma_semaphore, #tpu.memory_space<semaphore_mem>>
      %dma_start3A = arith.constant 0 : i32
      %dma_start3A_75 = tpu.memref_slice %arg12[%arg1, %dma_start3A] : memref<16x10240xf32, #tpu.memory_space<vmem_shared>> -> memref<1x10240xf32, #tpu.memory_space<vmem_shared>>
      %dma_start3A_76 = tpu.memref_squeeze %dma_start3A_75 : memref<1x10240xf32, #tpu.memory_space<vmem_shared>> -> memref<10240xf32, #tpu.memory_space<vmem_shared>>
      %dma_start3A_77 = arith.constant 0 : i32
      %dma_start3A_78 = tpu.memref_slice %arg12[%arg1, %dma_start3A_77] : memref<16x10240xf32, #tpu.memory_space<vmem_shared>> -> memref<1x10240xf32, #tpu.memory_space<vmem_shared>>
      %dma_start3A_79 = tpu.memref_squeeze %dma_start3A_78 : memref<1x10240xf32, #tpu.memory_space<vmem_shared>> -> memref<10240xf32, #tpu.memory_space<vmem_shared>>
      tpu.enqueue_dma source(%arg7 : memref<10240xf32, #tpu.memory_space<vmem>>) target(%dma_start3A_79 : memref<10240xf32, #tpu.memory_space<vmem_shared>>) target_semaphore(%run_scoped3A : memref<!tpu.dma_semaphore, #tpu.memory_space<semaphore_mem>>)
      %dma_wait3A = arith.constant 0 : i32
      %dma_wait3A_80 = tpu.memref_slice %arg12[%arg1, %dma_wait3A] : memref<16x10240xf32, #tpu.memory_space<vmem_shared>> -> memref<1x10240xf32, #tpu.memory_space<vmem_shared>>
      %dma_wait3A_81 = tpu.memref_squeeze %dma_wait3A_80 : memref<1x10240xf32, #tpu.memory_space<vmem_shared>> -> memref<10240xf32, #tpu.memory_space<vmem_shared>>
      %dma_wait3A_82 = arith.constant 0 : i32
      %dma_wait3A_83 = tpu.memref_slice %arg12[%arg1, %dma_wait3A_82] : memref<16x10240xf32, #tpu.memory_space<vmem_shared>> -> memref<1x10240xf32, #tpu.memory_space<vmem_shared>>
      %dma_wait3A_84 = tpu.memref_squeeze %dma_wait3A_83 : memref<1x10240xf32, #tpu.memory_space<vmem_shared>> -> memref<10240xf32, #tpu.memory_space<vmem_shared>>
      tpu.wait_dma2 semaphore(%run_scoped3A : memref<!tpu.dma_semaphore, #tpu.memory_space<semaphore_mem>>) src(%arg7 : memref<10240xf32, #tpu.memory_space<vmem>>) dst(%dma_wait3A_84 : memref<10240xf32, #tpu.memory_space<vmem_shared>>)
      tpu.yield
    }) : () -> ()
    %barrier3A_57 = arith.constant 0 : index
    tpu.barrier barrier_id(%barrier3A_57)
    "tpu.region"() ({
      %run_scoped3A = tpu.sem_alloc : memref<!tpu.dma_semaphore, #tpu.memory_space<semaphore_mem>>
      %dma_start3A = arith.constant 0 : i32
      %dma_start3A_75 = tpu.memref_slice %arg12[%dma_start3A, %mul3A_0] : memref<16x10240xf32, #tpu.memory_space<vmem_shared>> -> memref<16x640xf32, #tpu.memory_space<vmem_shared>>
      %dma_start3A_76 = arith.constant 0 : i32
      %dma_start3A_77 = tpu.memref_slice %arg12[%dma_start3A_76, %mul3A_0] : memref<16x10240xf32, #tpu.memory_space<vmem_shared>> -> memref<16x640xf32, #tpu.memory_space<vmem_shared>>
      tpu.enqueue_dma source(%dma_start3A_77 : memref<16x640xf32, #tpu.memory_space<vmem_shared>>) target(%arg8 : memref<16x640xf32, #tpu.memory_space<vmem>>) target_semaphore(%run_scoped3A : memref<!tpu.dma_semaphore, #tpu.memory_space<semaphore_mem>>)
      %dma_wait3A = arith.constant 0 : i32
      %dma_wait3A_78 = tpu.memref_slice %arg12[%dma_wait3A, %mul3A_0] : memref<16x10240xf32, #tpu.memory_space<vmem_shared>> -> memref<16x640xf32, #tpu.memory_space<vmem_shared>>
      %dma_wait3A_79 = arith.constant 0 : i32
      %dma_wait3A_80 = tpu.memref_slice %arg12[%dma_wait3A_79, %mul3A_0] : memref<16x10240xf32, #tpu.memory_space<vmem_shared>> -> memref<16x640xf32, #tpu.memory_space<vmem_shared>>
      tpu.wait_dma2 semaphore(%run_scoped3A : memref<!tpu.dma_semaphore, #tpu.memory_space<semaphore_mem>>) src(%dma_wait3A_80 : memref<16x640xf32, #tpu.memory_space<vmem_shared>>) dst(%arg8 : memref<16x640xf32, #tpu.memory_space<vmem>>)
      tpu.yield
    }) : () -> ()
    %parallel_loop3A_58 = arith.constant 0 : i32
    %parallel_loop3A_59 = arith.constant 40 : i32
    %parallel_loop3A_60 = arith.constant 1 : i32
    scf.for %parallel_loop3A_75 = %parallel_loop3A_58 to %parallel_loop3A_59 step %parallel_loop3A_60  : i32 {
      %parallel_loop3A_76 = arith.constant 16 : i32
      %parallel_loop3A_77 = arith.muli %parallel_loop3A_75, %parallel_loop3A_76 : i32
      %parallel_loop3A_78 = arith.index_cast %parallel_loop3A_77 : i32 to index
      %parallel_loop3A_79 = tpu.vector_load %arg9[%parallel_loop3A_78] {strides = array<i32>} : memref<640xf32, #tpu.memory_space<vmem>>, vector<16xf32>,
      %parallel_loop3A_80 = arith.constant 16 : i32
      %parallel_loop3A_81 = arith.muli %parallel_loop3A_75, %parallel_loop3A_80 : i32
      %parallel_loop3A_82 = arith.constant 0 : i32
      %parallel_loop3A_83 = arith.index_cast %parallel_loop3A_82 : i32 to index
      %parallel_loop3A_84 = arith.index_cast %parallel_loop3A_81 : i32 to index
      %parallel_loop3A_85 = tpu.vector_load %arg8[%parallel_loop3A_83, %parallel_loop3A_84] {strides = array<i32>} : memref<16x640xf32, #tpu.memory_space<vmem>>, vector<16xf32>,
      %parallel_loop3A_86 = arith.constant 16 : i32
      %parallel_loop3A_87 = arith.muli %parallel_loop3A_75, %parallel_loop3A_86 : i32
      %parallel_loop3A_88 = arith.constant 1 : i32
      %parallel_loop3A_89 = arith.index_cast %parallel_loop3A_88 : i32 to index
      %parallel_loop3A_90 = arith.index_cast %parallel_loop3A_87 : i32 to index
      %parallel_loop3A_91 = tpu.vector_load %arg8[%parallel_loop3A_89, %parallel_loop3A_90] {strides = array<i32>} : memref<16x640xf32, #tpu.memory_space<vmem>>, vector<16xf32>,
      %parallel_loop3A_92 = arith.addf %parallel_loop3A_85, %parallel_loop3A_91 : vector<16xf32>
      %parallel_loop3A_93 = arith.constant 16 : i32
      %parallel_loop3A_94 = arith.muli %parallel_loop3A_75, %parallel_loop3A_93 : i32
      %parallel_loop3A_95 = arith.constant 2 : i32
      %parallel_loop3A_96 = arith.index_cast %parallel_loop3A_95 : i32 to index
      %parallel_loop3A_97 = arith.index_cast %parallel_loop3A_94 : i32 to index
      %parallel_loop3A_98 = tpu.vector_load %arg8[%parallel_loop3A_96, %parallel_loop3A_97] {strides = array<i32>} : memref<16x640xf32, #tpu.memory_space<vmem>>, vector<16xf32>,
      %parallel_loop3A_99 = arith.addf %parallel_loop3A_92, %parallel_loop3A_98 : vector<16xf32>
      %parallel_loop3A_100 = arith.constant 16 : i32
      %parallel_loop3A_101 = arith.muli %parallel_loop3A_75, %parallel_loop3A_100 : i32
      %parallel_loop3A_102 = arith.constant 3 : i32
      %parallel_loop3A_103 = arith.index_cast %parallel_loop3A_102 : i32 to index
      %parallel_loop3A_104 = arith.index_cast %parallel_loop3A_101 : i32 to index
      %parallel_loop3A_105 = tpu.vector_load %arg8[%parallel_loop3A_103, %parallel_loop3A_104] {strides = array<i32>} : memref<16x640xf32, #tpu.memory_space<vmem>>, vector<16xf32>,
      %parallel_loop3A_106 = arith.addf %parallel_loop3A_99, %parallel_loop3A_105 : vector<16xf32>
      %parallel_loop3A_107 = arith.constant 16 : i32
      %parallel_loop3A_108 = arith.muli %parallel_loop3A_75, %parallel_loop3A_107 : i32
      %parallel_loop3A_109 = arith.constant 4 : i32
      %parallel_loop3A_110 = arith.index_cast %parallel_loop3A_109 : i32 to index
      %parallel_loop3A_111 = arith.index_cast %parallel_loop3A_108 : i32 to index
      %parallel_loop3A_112 = tpu.vector_load %arg8[%parallel_loop3A_110, %parallel_loop3A_111] {strides = array<i32>} : memref<16x640xf32, #tpu.memory_space<vmem>>, vector<16xf32>,
      %parallel_loop3A_113 = arith.addf %parallel_loop3A_106, %parallel_loop3A_112 : vector<16xf32>
      %parallel_loop3A_114 = arith.constant 16 : i32
      %parallel_loop3A_115 = arith.muli %parallel_loop3A_75, %parallel_loop3A_114 : i32
      %parallel_loop3A_116 = arith.constant 5 : i32
      %parallel_loop3A_117 = arith.index_cast %parallel_loop3A_116 : i32 to index
      %parallel_loop3A_118 = arith.index_cast %parallel_loop3A_115 : i32 to index
      %parallel_loop3A_119 = tpu.vector_load %arg8[%parallel_loop3A_117, %parallel_loop3A_118] {strides = array<i32>} : memref<16x640xf32, #tpu.memory_space<vmem>>, vector<16xf32>,
      %parallel_loop3A_120 = arith.addf %parallel_loop3A_113, %parallel_loop3A_119 : vector<16xf32>
      %parallel_loop3A_121 = arith.constant 16 : i32
      %parallel_loop3A_122 = arith.muli %parallel_loop3A_75, %parallel_loop3A_121 : i32
      %parallel_loop3A_123 = arith.constant 6 : i32
      %parallel_loop3A_124 = arith.index_cast %parallel_loop3A_123 : i32 to index
      %parallel_loop3A_125 = arith.index_cast %parallel_loop3A_122 : i32 to index
      %parallel_loop3A_126 = tpu.vector_load %arg8[%parallel_loop3A_124, %parallel_loop3A_125] {strides = array<i32>} : memref<16x640xf32, #tpu.memory_space<vmem>>, vector<16xf32>,
      %parallel_loop3A_127 = arith.addf %parallel_loop3A_120, %parallel_loop3A_126 : vector<16xf32>
      %parallel_loop3A_128 = arith.constant 16 : i32
      %parallel_loop3A_129 = arith.muli %parallel_loop3A_75, %parallel_loop3A_128 : i32
      %parallel_loop3A_130 = arith.constant 7 : i32
      %parallel_loop3A_131 = arith.index_cast %parallel_loop3A_130 : i32 to index
      %parallel_loop3A_132 = arith.index_cast %parallel_loop3A_129 : i32 to index
      %parallel_loop3A_133 = tpu.vector_load %arg8[%parallel_loop3A_131, %parallel_loop3A_132] {strides = array<i32>} : memref<16x640xf32, #tpu.memory_space<vmem>>, vector<16xf32>,
      %parallel_loop3A_134 = arith.addf %parallel_loop3A_127, %parallel_loop3A_133 : vector<16xf32>
      %parallel_loop3A_135 = arith.constant 16 : i32
      %parallel_loop3A_136 = arith.muli %parallel_loop3A_75, %parallel_loop3A_135 : i32
      %parallel_loop3A_137 = arith.constant 8 : i32
      %parallel_loop3A_138 = arith.index_cast %parallel_loop3A_137 : i32 to index
      %parallel_loop3A_139 = arith.index_cast %parallel_loop3A_136 : i32 to index
      %parallel_loop3A_140 = tpu.vector_load %arg8[%parallel_loop3A_138, %parallel_loop3A_139] {strides = array<i32>} : memref<16x640xf32, #tpu.memory_space<vmem>>, vector<16xf32>,
      %parallel_loop3A_141 = arith.addf %parallel_loop3A_134, %parallel_loop3A_140 : vector<16xf32>
      %parallel_loop3A_142 = arith.constant 16 : i32
      %parallel_loop3A_143 = arith.muli %parallel_loop3A_75, %parallel_loop3A_142 : i32
      %parallel_loop3A_144 = arith.constant 9 : i32
      %parallel_loop3A_145 = arith.index_cast %parallel_loop3A_144 : i32 to index
      %parallel_loop3A_146 = arith.index_cast %parallel_loop3A_143 : i32 to index
      %parallel_loop3A_147 = tpu.vector_load %arg8[%parallel_loop3A_145, %parallel_loop3A_146] {strides = array<i32>} : memref<16x640xf32, #tpu.memory_space<vmem>>, vector<16xf32>,
      %parallel_loop3A_148 = arith.addf %parallel_loop3A_141, %parallel_loop3A_147 : vector<16xf32>
      %parallel_loop3A_149 = arith.constant 16 : i32
      %parallel_loop3A_150 = arith.muli %parallel_loop3A_75, %parallel_loop3A_149 : i32
      %parallel_loop3A_151 = arith.constant 10 : i32
      %parallel_loop3A_152 = arith.index_cast %parallel_loop3A_151 : i32 to index
      %parallel_loop3A_153 = arith.index_cast %parallel_loop3A_150 : i32 to index
      %parallel_loop3A_154 = tpu.vector_load %arg8[%parallel_loop3A_152, %parallel_loop3A_153] {strides = array<i32>} : memref<16x640xf32, #tpu.memory_space<vmem>>, vector<16xf32>,
      %parallel_loop3A_155 = arith.addf %parallel_loop3A_148, %parallel_loop3A_154 : vector<16xf32>
      %parallel_loop3A_156 = arith.constant 16 : i32
      %parallel_loop3A_157 = arith.muli %parallel_loop3A_75, %parallel_loop3A_156 : i32
      %parallel_loop3A_158 = arith.constant 11 : i32
      %parallel_loop3A_159 = arith.index_cast %parallel_loop3A_158 : i32 to index
      %parallel_loop3A_160 = arith.index_cast %parallel_loop3A_157 : i32 to index
      %parallel_loop3A_161 = tpu.vector_load %arg8[%parallel_loop3A_159, %parallel_loop3A_160] {strides = array<i32>} : memref<16x640xf32, #tpu.memory_space<vmem>>, vector<16xf32>,
      %parallel_loop3A_162 = arith.addf %parallel_loop3A_155, %parallel_loop3A_161 : vector<16xf32>
      %parallel_loop3A_163 = arith.constant 16 : i32
      %parallel_loop3A_164 = arith.muli %parallel_loop3A_75, %parallel_loop3A_163 : i32
      %parallel_loop3A_165 = arith.constant 12 : i32
      %parallel_loop3A_166 = arith.index_cast %parallel_loop3A_165 : i32 to index
      %parallel_loop3A_167 = arith.index_cast %parallel_loop3A_164 : i32 to index
      %parallel_loop3A_168 = tpu.vector_load %arg8[%parallel_loop3A_166, %parallel_loop3A_167] {strides = array<i32>} : memref<16x640xf32, #tpu.memory_space<vmem>>, vector<16xf32>,
      %parallel_loop3A_169 = arith.addf %parallel_loop3A_162, %parallel_loop3A_168 : vector<16xf32>
      %parallel_loop3A_170 = arith.constant 16 : i32
      %parallel_loop3A_171 = arith.muli %parallel_loop3A_75, %parallel_loop3A_170 : i32
      %parallel_loop3A_172 = arith.constant 13 : i32
      %parallel_loop3A_173 = arith.index_cast %parallel_loop3A_172 : i32 to index
      %parallel_loop3A_174 = arith.index_cast %parallel_loop3A_171 : i32 to index
      %parallel_loop3A_175 = tpu.vector_load %arg8[%parallel_loop3A_173, %parallel_loop3A_174] {strides = array<i32>} : memref<16x640xf32, #tpu.memory_space<vmem>>, vector<16xf32>,
      %parallel_loop3A_176 = arith.addf %parallel_loop3A_169, %parallel_loop3A_175 : vector<16xf32>
      %parallel_loop3A_177 = arith.constant 16 : i32
      %parallel_loop3A_178 = arith.muli %parallel_loop3A_75, %parallel_loop3A_177 : i32
      %parallel_loop3A_179 = arith.constant 14 : i32
      %parallel_loop3A_180 = arith.index_cast %parallel_loop3A_179 : i32 to index
      %parallel_loop3A_181 = arith.index_cast %parallel_loop3A_178 : i32 to index
      %parallel_loop3A_182 = tpu.vector_load %arg8[%parallel_loop3A_180, %parallel_loop3A_181] {strides = array<i32>} : memref<16x640xf32, #tpu.memory_space<vmem>>, vector<16xf32>,
      %parallel_loop3A_183 = arith.addf %parallel_loop3A_176, %parallel_loop3A_182 : vector<16xf32>
      %parallel_loop3A_184 = arith.constant 16 : i32
      %parallel_loop3A_185 = arith.muli %parallel_loop3A_75, %parallel_loop3A_184 : i32
      %parallel_loop3A_186 = arith.constant 15 : i32
      %parallel_loop3A_187 = arith.index_cast %parallel_loop3A_186 : i32 to index
      %parallel_loop3A_188 = arith.index_cast %parallel_loop3A_185 : i32 to index
      %parallel_loop3A_189 = tpu.vector_load %arg8[%parallel_loop3A_187, %parallel_loop3A_188] {strides = array<i32>} : memref<16x640xf32, #tpu.memory_space<vmem>>, vector<16xf32>,
      %parallel_loop3A_190 = arith.addf %parallel_loop3A_183, %parallel_loop3A_189 : vector<16xf32>
      %parallel_loop3A_191 = arith.addf %parallel_loop3A_79, %parallel_loop3A_190 : vector<16xf32>
      %parallel_loop3A_192 = arith.constant 5.000000e-01 : f32
      %parallel_loop3A_193 = vector.broadcast %parallel_loop3A_192 : f32 to vector<16xf32>
      %parallel_loop3A_194 = arith.mulf %parallel_loop3A_191, %parallel_loop3A_193 : vector<16xf32>
      %parallel_loop3A_195 = arith.constant 16 : i32
      %parallel_loop3A_196 = arith.muli %parallel_loop3A_75, %parallel_loop3A_195 : i32
      %parallel_loop3A_197 = arith.index_cast %parallel_loop3A_196 : i32 to index
      %parallel_loop3A_198 = tpu.vector_load %arg9[%parallel_loop3A_197] {strides = array<i32>} : memref<640xf32, #tpu.memory_space<vmem>>, vector<16xf32>,
      tpu.vector_store %arg9[%parallel_loop3A_197], %parallel_loop3A_194 {strides = array<i32>} : memref<640xf32, #tpu.memory_space<vmem>>, vector<16xf32>,
      %parallel_loop3A_199 = arith.constant 16 : i32
      %parallel_loop3A_200 = arith.muli %parallel_loop3A_75, %parallel_loop3A_199 : i32
      %parallel_loop3A_201 = arith.index_cast %parallel_loop3A_200 : i32 to index
      %parallel_loop3A_202 = tpu.vector_load %arg10[%parallel_loop3A_201] {strides = array<i32>} : memref<640xf32, #tpu.memory_space<vmem>>, vector<16xf32>,
      %parallel_loop3A_203 = arith.mulf %parallel_loop3A_194, %parallel_loop3A_202 : vector<16xf32>
      %parallel_loop3A_204 = arith.constant 16 : i32
      %parallel_loop3A_205 = arith.muli %parallel_loop3A_75, %parallel_loop3A_204 : i32
      %parallel_loop3A_206 = arith.index_cast %parallel_loop3A_205 : i32 to index
      %parallel_loop3A_207 = tpu.vector_load %arg11[%parallel_loop3A_206] {strides = array<i32>} : memref<640xf32, #tpu.memory_space<vmem>>, vector<16xf32>,
      tpu.vector_store %arg11[%parallel_loop3A_206], %parallel_loop3A_203 {strides = array<i32>} : memref<640xf32, #tpu.memory_space<vmem>>, vector<16xf32>,
    } {sc.loop_unroll_factor = 4 : i64, sc.parallel_access}
    "tpu.region"() ({
      %run_scoped3A = tpu.sem_alloc : memref<!tpu.dma_semaphore, #tpu.memory_space<semaphore_mem>>
      %dma_start3A = tpu.memref_slice %arg13[%mul3A_0] : memref<10240xf32, #tpu.memory_space<vmem_shared>> -> memref<640xf32, #tpu.memory_space<vmem_shared>>
      %dma_start3A_75 = tpu.memref_slice %arg13[%mul3A_0] : memref<10240xf32, #tpu.memory_space<vmem_shared>> -> memref<640xf32, #tpu.memory_space<vmem_shared>>
      tpu.enqueue_dma source(%arg11 : memref<640xf32, #tpu.memory_space<vmem>>) target(%dma_start3A_75 : memref<640xf32, #tpu.memory_space<vmem_shared>>) target_semaphore(%run_scoped3A : memref<!tpu.dma_semaphore, #tpu.memory_space<semaphore_mem>>)
      %dma_wait3A = tpu.memref_slice %arg13[%mul3A_0] : memref<10240xf32, #tpu.memory_space<vmem_shared>> -> memref<640xf32, #tpu.memory_space<vmem_shared>>
      %dma_wait3A_76 = tpu.memref_slice %arg13[%mul3A_0] : memref<10240xf32, #tpu.memory_space<vmem_shared>> -> memref<640xf32, #tpu.memory_space<vmem_shared>>
      tpu.wait_dma2 semaphore(%run_scoped3A : memref<!tpu.dma_semaphore, #tpu.memory_space<semaphore_mem>>) src(%arg11 : memref<640xf32, #tpu.memory_space<vmem>>) dst(%dma_wait3A_76 : memref<640xf32, #tpu.memory_space<vmem_shared>>)
      tpu.yield
    }) : () -> ()
    %barrier3A_61 = arith.constant 0 : index
    tpu.barrier barrier_id(%barrier3A_61)
    tpu.enqueue_dma source(%arg13 : memref<10240xf32, #tpu.memory_space<vmem_shared>>) target(%arg6 : memref<10240xf32, #tpu.memory_space<vmem>>) target_semaphore(%arg14 : memref<!tpu.dma_semaphore, #tpu.memory_space<semaphore_mem>>)
    %scan3A_62 = arith.constant 0 : i32
    %scan3A_63 = arith.constant 0 : i32
    %scan3A_64 = arith.constant 80 : i32
    %scan3A_65 = arith.addi %scan3A_63, %scan3A_64 : i32
    %scan3A_66 = arith.constant 1 : i32
    %scan3A_67 = scf.for %scan3A_75 = %scan3A_63 to %scan3A_65 step %scan3A_66 iter_args(%scan3A_76 = %scan3A_62) -> (i32)  : i32 {
      %mul3A_77 = arith.constant 128 : i32
      %mul3A_78 = arith.muli %scan3A_75, %mul3A_77 : i32
      %add3A = arith.constant 0 : i32
      %add3A_79 = arith.addi %mul3A_78, %add3A : i32
      %swap3A = arith.index_cast %add3A_79 : i32 to index
      %swap3A_80 = tpu.vector_load %arg7[%swap3A] {strides = array<i32>} : memref<10240xf32, #tpu.memory_space<vmem>>, vector<16xf32>,
      tpu.vector_store %arg7[%swap3A], %broadcast_in_dim3A_1 {strides = array<i32>} : memref<10240xf32, #tpu.memory_space<vmem>>, vector<16xf32>,
      %mul3A_81 = arith.constant 128 : i32
      %mul3A_82 = arith.muli %scan3A_75, %mul3A_81 : i32
      %add3A_83 = arith.constant 16 : i32
      %add3A_84 = arith.addi %mul3A_82, %add3A_83 : i32
      %swap3A_85 = arith.index_cast %add3A_84 : i32 to index
      %swap3A_86 = tpu.vector_load %arg7[%swap3A_85] {strides = array<i32>} : memref<10240xf32, #tpu.memory_space<vmem>>, vector<16xf32>,
      tpu.vector_store %arg7[%swap3A_85], %broadcast_in_dim3A_1 {strides = array<i32>} : memref<10240xf32, #tpu.memory_space<vmem>>, vector<16xf32>,
      %mul3A_87 = arith.constant 128 : i32
      %mul3A_88 = arith.muli %scan3A_75, %mul3A_87 : i32
      %add3A_89 = arith.constant 32 : i32
      %add3A_90 = arith.addi %mul3A_88, %add3A_89 : i32
      %swap3A_91 = arith.index_cast %add3A_90 : i32 to index
      %swap3A_92 = tpu.vector_load %arg7[%swap3A_91] {strides = array<i32>} : memref<10240xf32, #tpu.memory_space<vmem>>, vector<16xf32>,
      tpu.vector_store %arg7[%swap3A_91], %broadcast_in_dim3A_1 {strides = array<i32>} : memref<10240xf32, #tpu.memory_space<vmem>>, vector<16xf32>,
      %mul3A_93 = arith.constant 128 : i32
      %mul3A_94 = arith.muli %scan3A_75, %mul3A_93 : i32
      %add3A_95 = arith.constant 48 : i32
      %add3A_96 = arith.addi %mul3A_94, %add3A_95 : i32
      %swap3A_97 = arith.index_cast %add3A_96 : i32 to index
      %swap3A_98 = tpu.vector_load %arg7[%swap3A_97] {strides = array<i32>} : memref<10240xf32, #tpu.memory_space<vmem>>, vector<16xf32>,
      tpu.vector_store %arg7[%swap3A_97], %broadcast_in_dim3A_1 {strides = array<i32>} : memref<10240xf32, #tpu.memory_space<vmem>>, vector<16xf32>,
      %mul3A_99 = arith.constant 128 : i32
      %mul3A_100 = arith.muli %scan3A_75, %mul3A_99 : i32
      %add3A_101 = arith.constant 64 : i32
      %add3A_102 = arith.addi %mul3A_100, %add3A_101 : i32
      %swap3A_103 = arith.index_cast %add3A_102 : i32 to index
      %swap3A_104 = tpu.vector_load %arg7[%swap3A_103] {strides = array<i32>} : memref<10240xf32, #tpu.memory_space<vmem>>, vector<16xf32>,
      tpu.vector_store %arg7[%swap3A_103], %broadcast_in_dim3A_1 {strides = array<i32>} : memref<10240xf32, #tpu.memory_space<vmem>>, vector<16xf32>,
      %mul3A_105 = arith.constant 128 : i32
      %mul3A_106 = arith.muli %scan3A_75, %mul3A_105 : i32
      %add3A_107 = arith.constant 80 : i32
      %add3A_108 = arith.addi %mul3A_106, %add3A_107 : i32
      %swap3A_109 = arith.index_cast %add3A_108 : i32 to index
      %swap3A_110 = tpu.vector_load %arg7[%swap3A_109] {strides = array<i32>} : memref<10240xf32, #tpu.memory_space<vmem>>, vector<16xf32>,
      tpu.vector_store %arg7[%swap3A_109], %broadcast_in_dim3A_1 {strides = array<i32>} : memref<10240xf32, #tpu.memory_space<vmem>>, vector<16xf32>,
      %mul3A_111 = arith.constant 128 : i32
      %mul3A_112 = arith.muli %scan3A_75, %mul3A_111 : i32
      %add3A_113 = arith.constant 96 : i32
      %add3A_114 = arith.addi %mul3A_112, %add3A_113 : i32
      %swap3A_115 = arith.index_cast %add3A_114 : i32 to index
      %swap3A_116 = tpu.vector_load %arg7[%swap3A_115] {strides = array<i32>} : memref<10240xf32, #tpu.memory_space<vmem>>, vector<16xf32>,
      tpu.vector_store %arg7[%swap3A_115], %broadcast_in_dim3A_1 {strides = array<i32>} : memref<10240xf32, #tpu.memory_space<vmem>>, vector<16xf32>,
      %mul3A_117 = arith.constant 128 : i32
      %mul3A_118 = arith.muli %scan3A_75, %mul3A_117 : i32
      %add3A_119 = arith.constant 112 : i32
      %add3A_120 = arith.addi %mul3A_118, %add3A_119 : i32
      %swap3A_121 = arith.index_cast %add3A_120 : i32 to index
      %swap3A_122 = tpu.vector_load %arg7[%swap3A_121] {strides = array<i32>} : memref<10240xf32, #tpu.memory_space<vmem>>, vector<16xf32>,
      tpu.vector_store %arg7[%swap3A_121], %broadcast_in_dim3A_1 {strides = array<i32>} : memref<10240xf32, #tpu.memory_space<vmem>>, vector<16xf32>,
      %scan3A_123 = arith.constant 0 : i32
      scf.yield %scan3A_123 : i32
    }
    %scan3A_68 = arith.constant 80 : i32
    tpu.wait_dma2 semaphore(%arg14 : memref<!tpu.dma_semaphore, #tpu.memory_space<semaphore_mem>>) src(%arg13 : memref<10240xf32, #tpu.memory_space<vmem_shared>>) dst(%arg6 : memref<10240xf32, #tpu.memory_space<vmem>>)
    %parallel_loop3A_69 = arith.constant 0 : i32
    %parallel_loop3A_70 = arith.constant 1 : i32
    scf.for %parallel_loop3A_75 = %parallel_loop3A_69 to %select_n3A step %parallel_loop3A_70  : i32 {
      %parallel_loop3A_76 = arith.constant 16 : i32
      %parallel_loop3A_77 = arith.muli %parallel_loop3A_75, %parallel_loop3A_76 : i32
      %parallel_loop3A_78 = arith.index_cast %parallel_loop3A_77 : i32 to index
      %parallel_loop3A_79 = tpu.vector_load %arg5[%parallel_loop3A_78] {strides = array<i32>} : memref<20480xi32, #tpu.memory_space<vmem>>, vector<16xi32>,
      %parallel_loop3A_80 = arith.constant 16 : i32
      %parallel_loop3A_81 = vector.broadcast %parallel_loop3A_80 : i32 to vector<16xi32>
      %parallel_loop3A_82 = arith.shrui %parallel_loop3A_79, %parallel_loop3A_81 : vector<16xi32>
      %parallel_loop3A_83 = arith.constant 65535 : i32
      %parallel_loop3A_84 = vector.broadcast %parallel_loop3A_83 : i32 to vector<16xi32>
      %parallel_loop3A_85 = arith.andi %parallel_loop3A_79, %parallel_loop3A_84 : vector<16xi32>
      %parallel_loop3A_86 = tpu.vector_load_idx %arg6[%parallel_loop3A_82] : memref<10240xf32, #tpu.memory_space<vmem>>[vector<16xi32>], vector<16xf32>,
      tpu.vector_store_idx %arg7[%parallel_loop3A_85], %parallel_loop3A_86 {add = true} : memref<10240xf32, #tpu.memory_space<vmem>>[vector<16xi32>], vector<16xf32>,
    } {sc.loop_unroll_factor = 16 : i64, sc.parallel_access}
    "tpu.region"() ({
      %run_scoped3A = tpu.sem_alloc : memref<!tpu.dma_semaphore, #tpu.memory_space<semaphore_mem>>
      %dma_start3A = arith.constant 0 : i32
      %dma_start3A_75 = tpu.memref_slice %arg12[%arg1, %dma_start3A] : memref<16x10240xf32, #tpu.memory_space<vmem_shared>> -> memref<1x10240xf32, #tpu.memory_space<vmem_shared>>
      %dma_start3A_76 = tpu.memref_squeeze %dma_start3A_75 : memref<1x10240xf32, #tpu.memory_space<vmem_shared>> -> memref<10240xf32, #tpu.memory_space<vmem_shared>>
      %dma_start3A_77 = arith.constant 0 : i32
      %dma_start3A_78 = tpu.memref_slice %arg12[%arg1, %dma_start3A_77] : memref<16x10240xf32, #tpu.memory_space<vmem_shared>> -> memref<1x10240xf32, #tpu.memory_space<vmem_shared>>
      %dma_start3A_79 = tpu.memref_squeeze %dma_start3A_78 : memref<1x10240xf32, #tpu.memory_space<vmem_shared>> -> memref<10240xf32, #tpu.memory_space<vmem_shared>>
      tpu.enqueue_dma source(%arg7 : memref<10240xf32, #tpu.memory_space<vmem>>) target(%dma_start3A_79 : memref<10240xf32, #tpu.memory_space<vmem_shared>>) target_semaphore(%run_scoped3A : memref<!tpu.dma_semaphore, #tpu.memory_space<semaphore_mem>>)
      %dma_wait3A = arith.constant 0 : i32
      %dma_wait3A_80 = tpu.memref_slice %arg12[%arg1, %dma_wait3A] : memref<16x10240xf32, #tpu.memory_space<vmem_shared>> -> memref<1x10240xf32, #tpu.memory_space<vmem_shared>>
      %dma_wait3A_81 = tpu.memref_squeeze %dma_wait3A_80 : memref<1x10240xf32, #tpu.memory_space<vmem_shared>> -> memref<10240xf32, #tpu.memory_space<vmem_shared>>
      %dma_wait3A_82 = arith.constant 0 : i32
      %dma_wait3A_83 = tpu.memref_slice %arg12[%arg1, %dma_wait3A_82] : memref<16x10240xf32, #tpu.memory_space<vmem_shared>> -> memref<1x10240xf32, #tpu.memory_space<vmem_shared>>
      %dma_wait3A_84 = tpu.memref_squeeze %dma_wait3A_83 : memref<1x10240xf32, #tpu.memory_space<vmem_shared>> -> memref<10240xf32, #tpu.memory_space<vmem_shared>>
      tpu.wait_dma2 semaphore(%run_scoped3A : memref<!tpu.dma_semaphore, #tpu.memory_space<semaphore_mem>>) src(%arg7 : memref<10240xf32, #tpu.memory_space<vmem>>) dst(%dma_wait3A_84 : memref<10240xf32, #tpu.memory_space<vmem_shared>>)
      tpu.yield
    }) : () -> ()
    %barrier3A_71 = arith.constant 0 : index
    tpu.barrier barrier_id(%barrier3A_71)
    "tpu.region"() ({
      %run_scoped3A = tpu.sem_alloc : memref<!tpu.dma_semaphore, #tpu.memory_space<semaphore_mem>>
      %dma_start3A = arith.constant 0 : i32
      %dma_start3A_75 = tpu.memref_slice %arg12[%dma_start3A, %mul3A_0] : memref<16x10240xf32, #tpu.memory_space<vmem_shared>> -> memref<16x640xf32, #tpu.memory_space<vmem_shared>>
      %dma_start3A_76 = arith.constant 0 : i32
      %dma_start3A_77 = tpu.memref_slice %arg12[%dma_start3A_76, %mul3A_0] : memref<16x10240xf32, #tpu.memory_space<vmem_shared>> -> memref<16x640xf32, #tpu.memory_space<vmem_shared>>
      tpu.enqueue_dma source(%dma_start3A_77 : memref<16x640xf32, #tpu.memory_space<vmem_shared>>) target(%arg8 : memref<16x640xf32, #tpu.memory_space<vmem>>) target_semaphore(%run_scoped3A : memref<!tpu.dma_semaphore, #tpu.memory_space<semaphore_mem>>)
      %dma_wait3A = arith.constant 0 : i32
      %dma_wait3A_78 = tpu.memref_slice %arg12[%dma_wait3A, %mul3A_0] : memref<16x10240xf32, #tpu.memory_space<vmem_shared>> -> memref<16x640xf32, #tpu.memory_space<vmem_shared>>
      %dma_wait3A_79 = arith.constant 0 : i32
      %dma_wait3A_80 = tpu.memref_slice %arg12[%dma_wait3A_79, %mul3A_0] : memref<16x10240xf32, #tpu.memory_space<vmem_shared>> -> memref<16x640xf32, #tpu.memory_space<vmem_shared>>
      tpu.wait_dma2 semaphore(%run_scoped3A : memref<!tpu.dma_semaphore, #tpu.memory_space<semaphore_mem>>) src(%dma_wait3A_80 : memref<16x640xf32, #tpu.memory_space<vmem_shared>>) dst(%arg8 : memref<16x640xf32, #tpu.memory_space<vmem>>)
      tpu.yield
    }) : () -> ()
    %parallel_loop3A_72 = arith.constant 0 : i32
    %parallel_loop3A_73 = arith.constant 40 : i32
    %parallel_loop3A_74 = arith.constant 1 : i32
    scf.for %parallel_loop3A_75 = %parallel_loop3A_72 to %parallel_loop3A_73 step %parallel_loop3A_74  : i32 {
      %parallel_loop3A_76 = arith.constant 16 : i32
      %parallel_loop3A_77 = arith.muli %parallel_loop3A_75, %parallel_loop3A_76 : i32
      %parallel_loop3A_78 = arith.index_cast %parallel_loop3A_77 : i32 to index
      %parallel_loop3A_79 = tpu.vector_load %arg9[%parallel_loop3A_78] {strides = array<i32>} : memref<640xf32, #tpu.memory_space<vmem>>, vector<16xf32>,
      %parallel_loop3A_80 = arith.constant 16 : i32
      %parallel_loop3A_81 = arith.muli %parallel_loop3A_75, %parallel_loop3A_80 : i32
      %parallel_loop3A_82 = arith.constant 0 : i32
      %parallel_loop3A_83 = arith.index_cast %parallel_loop3A_82 : i32 to index
      %parallel_loop3A_84 = arith.index_cast %parallel_loop3A_81 : i32 to index
      %parallel_loop3A_85 = tpu.vector_load %arg8[%parallel_loop3A_83, %parallel_loop3A_84] {strides = array<i32>} : memref<16x640xf32, #tpu.memory_space<vmem>>, vector<16xf32>,
      %parallel_loop3A_86 = arith.constant 16 : i32
      %parallel_loop3A_87 = arith.muli %parallel_loop3A_75, %parallel_loop3A_86 : i32
      %parallel_loop3A_88 = arith.constant 1 : i32
      %parallel_loop3A_89 = arith.index_cast %parallel_loop3A_88 : i32 to index
      %parallel_loop3A_90 = arith.index_cast %parallel_loop3A_87 : i32 to index
      %parallel_loop3A_91 = tpu.vector_load %arg8[%parallel_loop3A_89, %parallel_loop3A_90] {strides = array<i32>} : memref<16x640xf32, #tpu.memory_space<vmem>>, vector<16xf32>,
      %parallel_loop3A_92 = arith.addf %parallel_loop3A_85, %parallel_loop3A_91 : vector<16xf32>
      %parallel_loop3A_93 = arith.constant 16 : i32
      %parallel_loop3A_94 = arith.muli %parallel_loop3A_75, %parallel_loop3A_93 : i32
      %parallel_loop3A_95 = arith.constant 2 : i32
      %parallel_loop3A_96 = arith.index_cast %parallel_loop3A_95 : i32 to index
      %parallel_loop3A_97 = arith.index_cast %parallel_loop3A_94 : i32 to index
      %parallel_loop3A_98 = tpu.vector_load %arg8[%parallel_loop3A_96, %parallel_loop3A_97] {strides = array<i32>} : memref<16x640xf32, #tpu.memory_space<vmem>>, vector<16xf32>,
      %parallel_loop3A_99 = arith.addf %parallel_loop3A_92, %parallel_loop3A_98 : vector<16xf32>
      %parallel_loop3A_100 = arith.constant 16 : i32
      %parallel_loop3A_101 = arith.muli %parallel_loop3A_75, %parallel_loop3A_100 : i32
      %parallel_loop3A_102 = arith.constant 3 : i32
      %parallel_loop3A_103 = arith.index_cast %parallel_loop3A_102 : i32 to index
      %parallel_loop3A_104 = arith.index_cast %parallel_loop3A_101 : i32 to index
      %parallel_loop3A_105 = tpu.vector_load %arg8[%parallel_loop3A_103, %parallel_loop3A_104] {strides = array<i32>} : memref<16x640xf32, #tpu.memory_space<vmem>>, vector<16xf32>,
      %parallel_loop3A_106 = arith.addf %parallel_loop3A_99, %parallel_loop3A_105 : vector<16xf32>
      %parallel_loop3A_107 = arith.constant 16 : i32
      %parallel_loop3A_108 = arith.muli %parallel_loop3A_75, %parallel_loop3A_107 : i32
      %parallel_loop3A_109 = arith.constant 4 : i32
      %parallel_loop3A_110 = arith.index_cast %parallel_loop3A_109 : i32 to index
      %parallel_loop3A_111 = arith.index_cast %parallel_loop3A_108 : i32 to index
      %parallel_loop3A_112 = tpu.vector_load %arg8[%parallel_loop3A_110, %parallel_loop3A_111] {strides = array<i32>} : memref<16x640xf32, #tpu.memory_space<vmem>>, vector<16xf32>,
      %parallel_loop3A_113 = arith.addf %parallel_loop3A_106, %parallel_loop3A_112 : vector<16xf32>
      %parallel_loop3A_114 = arith.constant 16 : i32
      %parallel_loop3A_115 = arith.muli %parallel_loop3A_75, %parallel_loop3A_114 : i32
      %parallel_loop3A_116 = arith.constant 5 : i32
      %parallel_loop3A_117 = arith.index_cast %parallel_loop3A_116 : i32 to index
      %parallel_loop3A_118 = arith.index_cast %parallel_loop3A_115 : i32 to index
      %parallel_loop3A_119 = tpu.vector_load %arg8[%parallel_loop3A_117, %parallel_loop3A_118] {strides = array<i32>} : memref<16x640xf32, #tpu.memory_space<vmem>>, vector<16xf32>,
      %parallel_loop3A_120 = arith.addf %parallel_loop3A_113, %parallel_loop3A_119 : vector<16xf32>
      %parallel_loop3A_121 = arith.constant 16 : i32
      %parallel_loop3A_122 = arith.muli %parallel_loop3A_75, %parallel_loop3A_121 : i32
      %parallel_loop3A_123 = arith.constant 6 : i32
      %parallel_loop3A_124 = arith.index_cast %parallel_loop3A_123 : i32 to index
      %parallel_loop3A_125 = arith.index_cast %parallel_loop3A_122 : i32 to index
      %parallel_loop3A_126 = tpu.vector_load %arg8[%parallel_loop3A_124, %parallel_loop3A_125] {strides = array<i32>} : memref<16x640xf32, #tpu.memory_space<vmem>>, vector<16xf32>,
      %parallel_loop3A_127 = arith.addf %parallel_loop3A_120, %parallel_loop3A_126 : vector<16xf32>
      %parallel_loop3A_128 = arith.constant 16 : i32
      %parallel_loop3A_129 = arith.muli %parallel_loop3A_75, %parallel_loop3A_128 : i32
      %parallel_loop3A_130 = arith.constant 7 : i32
      %parallel_loop3A_131 = arith.index_cast %parallel_loop3A_130 : i32 to index
      %parallel_loop3A_132 = arith.index_cast %parallel_loop3A_129 : i32 to index
      %parallel_loop3A_133 = tpu.vector_load %arg8[%parallel_loop3A_131, %parallel_loop3A_132] {strides = array<i32>} : memref<16x640xf32, #tpu.memory_space<vmem>>, vector<16xf32>,
      %parallel_loop3A_134 = arith.addf %parallel_loop3A_127, %parallel_loop3A_133 : vector<16xf32>
      %parallel_loop3A_135 = arith.constant 16 : i32
      %parallel_loop3A_136 = arith.muli %parallel_loop3A_75, %parallel_loop3A_135 : i32
      %parallel_loop3A_137 = arith.constant 8 : i32
      %parallel_loop3A_138 = arith.index_cast %parallel_loop3A_137 : i32 to index
      %parallel_loop3A_139 = arith.index_cast %parallel_loop3A_136 : i32 to index
      %parallel_loop3A_140 = tpu.vector_load %arg8[%parallel_loop3A_138, %parallel_loop3A_139] {strides = array<i32>} : memref<16x640xf32, #tpu.memory_space<vmem>>, vector<16xf32>,
      %parallel_loop3A_141 = arith.addf %parallel_loop3A_134, %parallel_loop3A_140 : vector<16xf32>
      %parallel_loop3A_142 = arith.constant 16 : i32
      %parallel_loop3A_143 = arith.muli %parallel_loop3A_75, %parallel_loop3A_142 : i32
      %parallel_loop3A_144 = arith.constant 9 : i32
      %parallel_loop3A_145 = arith.index_cast %parallel_loop3A_144 : i32 to index
      %parallel_loop3A_146 = arith.index_cast %parallel_loop3A_143 : i32 to index
      %parallel_loop3A_147 = tpu.vector_load %arg8[%parallel_loop3A_145, %parallel_loop3A_146] {strides = array<i32>} : memref<16x640xf32, #tpu.memory_space<vmem>>, vector<16xf32>,
      %parallel_loop3A_148 = arith.addf %parallel_loop3A_141, %parallel_loop3A_147 : vector<16xf32>
      %parallel_loop3A_149 = arith.constant 16 : i32
      %parallel_loop3A_150 = arith.muli %parallel_loop3A_75, %parallel_loop3A_149 : i32
      %parallel_loop3A_151 = arith.constant 10 : i32
      %parallel_loop3A_152 = arith.index_cast %parallel_loop3A_151 : i32 to index
      %parallel_loop3A_153 = arith.index_cast %parallel_loop3A_150 : i32 to index
      %parallel_loop3A_154 = tpu.vector_load %arg8[%parallel_loop3A_152, %parallel_loop3A_153] {strides = array<i32>} : memref<16x640xf32, #tpu.memory_space<vmem>>, vector<16xf32>,
      %parallel_loop3A_155 = arith.addf %parallel_loop3A_148, %parallel_loop3A_154 : vector<16xf32>
      %parallel_loop3A_156 = arith.constant 16 : i32
      %parallel_loop3A_157 = arith.muli %parallel_loop3A_75, %parallel_loop3A_156 : i32
      %parallel_loop3A_158 = arith.constant 11 : i32
      %parallel_loop3A_159 = arith.index_cast %parallel_loop3A_158 : i32 to index
      %parallel_loop3A_160 = arith.index_cast %parallel_loop3A_157 : i32 to index
      %parallel_loop3A_161 = tpu.vector_load %arg8[%parallel_loop3A_159, %parallel_loop3A_160] {strides = array<i32>} : memref<16x640xf32, #tpu.memory_space<vmem>>, vector<16xf32>,
      %parallel_loop3A_162 = arith.addf %parallel_loop3A_155, %parallel_loop3A_161 : vector<16xf32>
      %parallel_loop3A_163 = arith.constant 16 : i32
      %parallel_loop3A_164 = arith.muli %parallel_loop3A_75, %parallel_loop3A_163 : i32
      %parallel_loop3A_165 = arith.constant 12 : i32
      %parallel_loop3A_166 = arith.index_cast %parallel_loop3A_165 : i32 to index
      %parallel_loop3A_167 = arith.index_cast %parallel_loop3A_164 : i32 to index
      %parallel_loop3A_168 = tpu.vector_load %arg8[%parallel_loop3A_166, %parallel_loop3A_167] {strides = array<i32>} : memref<16x640xf32, #tpu.memory_space<vmem>>, vector<16xf32>,
      %parallel_loop3A_169 = arith.addf %parallel_loop3A_162, %parallel_loop3A_168 : vector<16xf32>
      %parallel_loop3A_170 = arith.constant 16 : i32
      %parallel_loop3A_171 = arith.muli %parallel_loop3A_75, %parallel_loop3A_170 : i32
      %parallel_loop3A_172 = arith.constant 13 : i32
      %parallel_loop3A_173 = arith.index_cast %parallel_loop3A_172 : i32 to index
      %parallel_loop3A_174 = arith.index_cast %parallel_loop3A_171 : i32 to index
      %parallel_loop3A_175 = tpu.vector_load %arg8[%parallel_loop3A_173, %parallel_loop3A_174] {strides = array<i32>} : memref<16x640xf32, #tpu.memory_space<vmem>>, vector<16xf32>,
      %parallel_loop3A_176 = arith.addf %parallel_loop3A_169, %parallel_loop3A_175 : vector<16xf32>
      %parallel_loop3A_177 = arith.constant 16 : i32
      %parallel_loop3A_178 = arith.muli %parallel_loop3A_75, %parallel_loop3A_177 : i32
      %parallel_loop3A_179 = arith.constant 14 : i32
      %parallel_loop3A_180 = arith.index_cast %parallel_loop3A_179 : i32 to index
      %parallel_loop3A_181 = arith.index_cast %parallel_loop3A_178 : i32 to index
      %parallel_loop3A_182 = tpu.vector_load %arg8[%parallel_loop3A_180, %parallel_loop3A_181] {strides = array<i32>} : memref<16x640xf32, #tpu.memory_space<vmem>>, vector<16xf32>,
      %parallel_loop3A_183 = arith.addf %parallel_loop3A_176, %parallel_loop3A_182 : vector<16xf32>
      %parallel_loop3A_184 = arith.constant 16 : i32
      %parallel_loop3A_185 = arith.muli %parallel_loop3A_75, %parallel_loop3A_184 : i32
      %parallel_loop3A_186 = arith.constant 15 : i32
      %parallel_loop3A_187 = arith.index_cast %parallel_loop3A_186 : i32 to index
      %parallel_loop3A_188 = arith.index_cast %parallel_loop3A_185 : i32 to index
      %parallel_loop3A_189 = tpu.vector_load %arg8[%parallel_loop3A_187, %parallel_loop3A_188] {strides = array<i32>} : memref<16x640xf32, #tpu.memory_space<vmem>>, vector<16xf32>,
      %parallel_loop3A_190 = arith.addf %parallel_loop3A_183, %parallel_loop3A_189 : vector<16xf32>
      %parallel_loop3A_191 = arith.addf %parallel_loop3A_79, %parallel_loop3A_190 : vector<16xf32>
      %parallel_loop3A_192 = arith.constant 5.000000e-01 : f32
      %parallel_loop3A_193 = vector.broadcast %parallel_loop3A_192 : f32 to vector<16xf32>
      %parallel_loop3A_194 = arith.mulf %parallel_loop3A_191, %parallel_loop3A_193 : vector<16xf32>
      %parallel_loop3A_195 = arith.constant 16 : i32
      %parallel_loop3A_196 = arith.muli %parallel_loop3A_75, %parallel_loop3A_195 : i32
      %parallel_loop3A_197 = arith.index_cast %parallel_loop3A_196 : i32 to index
      %parallel_loop3A_198 = tpu.vector_load %arg9[%parallel_loop3A_197] {strides = array<i32>} : memref<640xf32, #tpu.memory_space<vmem>>, vector<16xf32>,
      tpu.vector_store %arg9[%parallel_loop3A_197], %parallel_loop3A_194 {strides = array<i32>} : memref<640xf32, #tpu.memory_space<vmem>>, vector<16xf32>,
    } {sc.loop_unroll_factor = 4 : i64, sc.parallel_access}
    "tpu.region"() ({
      %run_scoped3A = tpu.sem_alloc : memref<!tpu.dma_semaphore, #tpu.memory_space<semaphore_mem>>
      %dma_start3A = tpu.memref_slice %arg3[%mul3A_0] : memref<10240xf32, #tpu.memory_space<hbm>> -> memref<640xf32, #tpu.memory_space<hbm>>
      %dma_start3A_75 = tpu.memref_slice %arg3[%mul3A_0] : memref<10240xf32, #tpu.memory_space<hbm>> -> memref<640xf32, #tpu.memory_space<hbm>>
      tpu.enqueue_dma source(%arg9 : memref<640xf32, #tpu.memory_space<vmem>>) target(%dma_start3A_75 : memref<640xf32, #tpu.memory_space<hbm>>) target_semaphore(%run_scoped3A : memref<!tpu.dma_semaphore, #tpu.memory_space<semaphore_mem>>)
      %dma_wait3A = tpu.memref_slice %arg3[%mul3A_0] : memref<10240xf32, #tpu.memory_space<hbm>> -> memref<640xf32, #tpu.memory_space<hbm>>
      %dma_wait3A_76 = tpu.memref_slice %arg3[%mul3A_0] : memref<10240xf32, #tpu.memory_space<hbm>> -> memref<640xf32, #tpu.memory_space<hbm>>
      tpu.wait_dma2 semaphore(%run_scoped3A : memref<!tpu.dma_semaphore, #tpu.memory_space<semaphore_mem>>) src(%arg9 : memref<640xf32, #tpu.memory_space<vmem>>) dst(%dma_wait3A_76 : memref<640xf32, #tpu.memory_space<hbm>>)
      tpu.yield
    }) : () -> ()
    return
  }
}

module attributes {stable_mosaic.version = 14 : i64} {
  func.func @_fin_body(%arg0: memref<1x10240xf32, #tpu.memory_space<vmem>>, %arg1: memref<64x10000xf32, #tpu.memory_space<vmem>>, %arg2: memref<64x1xf32, #tpu.memory_space<vmem>>, %arg3: memref<1x1xf32, #tpu.memory_space<vmem>>, %arg4: memref<1x1xf32, #tpu.memory_space<vmem>>) attributes {dimension_semantics = [], scalar_prefetch = 0 : i64, scratch_operands = 0 : i64, tpu.core_type = #tpu.core_type<tc>} {
    %get3A = arith.constant 0 : index
    %get3A_0 = arith.constant 0 : index
    %get3A_1 = vector.load %arg0[%get3A, %get3A_0] : memref<1x10240xf32, #tpu.memory_space<vmem>>, vector<1x10240xf32>
    %slice3A = vector.extract_strided_slice %get3A_1 {offsets = [0, 0], sizes = [1, 10000], strides = [1, 1]} : vector<1x10240xf32> to vector<1x10000xf32>
    %get3A_2 = arith.constant 0 : index
    %get3A_3 = arith.constant 0 : index
    %get3A_4 = vector.load %arg1[%get3A_2, %get3A_3] : memref<64x10000xf32, #tpu.memory_space<vmem>>, vector<64x10000xf32>
    %mul3A = vector.broadcast %slice3A : vector<1x10000xf32> to vector<64x10000xf32>
    %mul3A_5 = arith.mulf %get3A_4, %mul3A : vector<64x10000xf32>
    %reduce_sum3A = arith.constant dense<0.000000e+00> : vector<64xf32>
    %reduce_sum3A_6 = vector.multi_reduction <add>, %mul3A_5, %reduce_sum3A [1] : vector<64x10000xf32> to vector<64xf32>
    %broadcast_in_dim3A = vector.shape_cast %reduce_sum3A_6 : vector<64xf32> to vector<64x1xf32>
    %get3A_7 = arith.constant 0 : index
    %get3A_8 = arith.constant 0 : index
    %get3A_9 = vector.load %arg2[%get3A_7, %get3A_8] : memref<64x1xf32, #tpu.memory_space<vmem>>, vector<64x1xf32>
    %mul3A_10 = arith.mulf %broadcast_in_dim3A, %get3A_9 : vector<64x1xf32>
    %reduce_sum3A_11 = arith.constant dense<0.000000e+00> : vector<1xf32>
    %reduce_sum3A_12 = vector.multi_reduction <add>, %mul3A_10, %reduce_sum3A_11 [0] : vector<64x1xf32> to vector<1xf32>
    %broadcast_in_dim3A_13 = vector.shape_cast %reduce_sum3A_12 : vector<1xf32> to vector<1x1xf32>
    %get3A_14 = arith.constant 0 : index
    %get3A_15 = arith.constant 0 : index
    %get3A_16 = vector.load %arg3[%get3A_14, %get3A_15] : memref<1x1xf32, #tpu.memory_space<vmem>>, vector<1x1xf32>
    %add3A = arith.addf %broadcast_in_dim3A_13, %get3A_16 : vector<1x1xf32>
    %swap3A = arith.constant 0 : index
    %swap3A_17 = arith.constant 0 : index
    %swap3A_18 = vector.load %arg4[%swap3A, %swap3A_17] : memref<1x1xf32, #tpu.memory_space<vmem>>, vector<1x1xf32>
    tpu.vector_store %arg4[%swap3A, %swap3A_17], %add3A {strides = array<i32>} : memref<1x1xf32, #tpu.memory_space<vmem>>, vector<1x1xf32>,
    return
  }
}

module attributes {stable_mosaic.version = 14 : i64} {
  func.func @_enc_body(%arg0: memref<10000x128xf32, #tpu.memory_space<vmem>>, %arg1: memref<64x128xf32, #tpu.memory_space<vmem>>, %arg2: memref<64x1xf32, #tpu.memory_space<vmem>>, %arg3: memref<64x10000xf32, #tpu.memory_space<vmem>>) attributes {dimension_semantics = [], scalar_prefetch = 0 : i64, scratch_operands = 0 : i64, tpu.core_type = #tpu.core_type<tc>} {
    %get3A = arith.constant 0 : index
    %get3A_0 = arith.constant 0 : index
    %get3A_1 = vector.load %arg1[%get3A, %get3A_0] : memref<64x128xf32, #tpu.memory_space<vmem>>, vector<64x128xf32>
    %get3A_2 = arith.constant 0 : index
    %get3A_3 = arith.constant 0 : index
    %get3A_4 = vector.load %arg0[%get3A_2, %get3A_3] : memref<10000x128xf32, #tpu.memory_space<vmem>>, vector<10000x128xf32>
    %dot_general3A = arith.constant dense<0.000000e+00> : vector<64x10000xf32>
    %dot_general3A_5 = tpu.matmul %get3A_1, %get3A_4, %dot_general3A {dimension_numbers = #tpu.dot_dimension_numbers<[1], [1], [0], [0], [0, 0, 1, 0], [], []>, transpose_lhs_hint = false} : vector<64x128xf32>, vector<10000x128xf32>, vector<64x10000xf32> -> vector<64x10000xf32>
    %get3A_6 = arith.constant 0 : index
    %get3A_7 = arith.constant 0 : index
    %get3A_8 = vector.load %arg2[%get3A_6, %get3A_7] : memref<64x1xf32, #tpu.memory_space<vmem>>, vector<64x1xf32>
    %add3A = vector.broadcast %get3A_8 : vector<64x1xf32> to vector<64x10000xf32>
    %add3A_9 = arith.addf %dot_general3A_5, %add3A : vector<64x10000xf32>
    %max3A = arith.constant 0.000000e+00 : f32
    %max3A_10 = vector.broadcast %max3A : f32 to vector<64x10000xf32>
    %max3A_11 = arith.maximumf %add3A_9, %max3A_10 : vector<64x10000xf32>
    %swap3A = arith.constant 0 : index
    %swap3A_12 = arith.constant 0 : index
    %swap3A_13 = vector.load %arg3[%swap3A, %swap3A_12] : memref<64x10000xf32, #tpu.memory_space<vmem>>, vector<64x10000xf32>
    tpu.vector_store %arg3[%swap3A, %swap3A_12], %max3A_11 {strides = array<i32>} : memref<64x10000xf32, #tpu.memory_space<vmem>>, vector<64x10000xf32>,
    return
  }
}

</mosaic_0001>

<sc_bundles>
// kernel: kernel.5.cloned.1.call-start
scs
__scs_entry_jumppad:
0x0: {  	(pc) =	sbr.rel $0x88, $3  }
0x1: {  	(tag) =	ssettag $0x0;
	lr =	simm.s32 $0x1  }
0x2: {  	[smem:$0x3F9B] =	sst lr;
	_ =	strace $0xD0000000  }
0x3: {  	_ = 	snop  }
0x4: {  	_ = 	snop  }
0x5: {  	_ = 	snop  }
0x6: {  	_ = 	snop  }
0x7: {  	_ = 	snop  }
__scs_overlays_trampoline_lowered:
0x8: {  	[smem:$0x3FAA] =	sst s0  }
0x9: {  	[smem:$0x3FAB] =	sst s1  }
0xa: {  	[smem:$0x3FAC] =	sst s2  }
0xb: {  	[smem:$0x3FAD] =	sst s3  }
0xc: {  	[smem:$0x3FAE] =	sst s4  }
0xd: {  	[smem:$0x3FAF] =	sst s5  }
0xe: {  	[smem:$0x3FB0] =	sst s6  }
0xf: {  	[smem:$0x3FB1] =	sst s7  }
0x10: {  	[smem:$0x3FB2] =	sst s8  }
0x11: {  	[smem:$0x3FB3] =	sst s9;
	s0 =	simm.s32 @!p0 $0x0  }
0x12: {  	s1 =	sld [smem:$0x3F99];
	s0 =	simm.s32 @p0 $0x1  }
0x13: {  	[smem:$0x3FB4] =	sst s0;
	s0 =	simm.s32 @!p1 $0x0  }
0x14: {  	s2 =	sld [smem:$0x3F98];
	s0 =	simm.s32 @p1 $0x1  }
0x15: {  	[smem:$0x3FB5] =	sst s0;
	s0 =	simm.s32 @!p2 $0x0  }
0x16: {  	s3 =	sld [smem:$0x3FDB];
	s0 =	simm.s32 @p2 $0x1  }
0x17: {  	s4 =	simm.s32 $0x1BF5;
	[smem:$0x3FB7] =	sst s0  }
0x18: {  	s0 =	sld [smem:$0x3F9A];
	_ =	swait.ge [sflag:s4], $0x0  }
0x19: {  	s7 =	sld [smem:$0x3F9B]  }
0x1a: {  	s8 =	sadd.s32 $0xFFFFE003, lr  }
0x1b: {  	s9 =	sadd.s32 $0xFFFFFEF7, lr;
	s5 =	simm.s32 $0xFFFFFFFF;
	p2 =	slt.u32 s8, $0xFFFFF086  }
0x1c: {  	p1 =	slt.u32 s9, $0xF7A;
	s5 =	simm.s32 @!p2 $0x0  }
0x1d: {  	s5 =	simm.s32 @p1 $0x1;
	p0 =	seq.s32 s7, s2  }
0x1e: {  	s7 =	smul.u32 @!p0 $0xF7A, s2;
	p2 =	seq.s32 @!p0 s5, $0x0  }
0x1f: {  	s9 =	smul.u32 $0xF7A, s1;
	s8 =	simm.s32 @!p0 $0x1BF5;
	p2 =	por !p2, p0  }
0x20: {  	[sflag:s8] =	ssyncset.s32 @!p0 $0xFFFFF086;
	s6 =	sadd.s32 @!p0 s3, s7;
	s7 =	simm.s32 @!p0 $0x108  }
0x21: {  	s3 =	sadd.s32 s3, s9;
	s6 =	sadd.s32 @!p0 $0x88, s6;
	s7 =	simm.s32 @p2 $0x1082  }
0x22: {  	[simem:s7], [sflag:s8] =	dma.local @!p0 [hbm:s6], $0xF7A  }
0x23: {  	s9 =	sor.u32 $0xD0000000, s2;
	s6 =	simm.s32 $0x108;
	_ =	swait.ge @!p0 [sflag:s8], $0x0  }
0x24: {  	s3 =	sadd.s32 $0x88, s3;
	s6 =	simm.s32 @!p1 $0x1082;
	[sflag:s4] =	ssyncset.s32 $0xFFFFF086  }
0x25: {  	[simem:s6], [sflag:s4] =	dma.local [hbm:s3], $0xF7A  }
0x26: {  	[smem:$0x3F9B] =	sst s1;
	(tag) =	ssettag s2;
	_ =	strace s9  }
0x27: {  	s1 =	sld [smem:$0x3FAB]  }
0x28: {  	s2 =	sld [smem:$0x3FAC]  }
0x29: {  	s4 =	sld [smem:$0x3FAE]  }
0x2a: {  	p0 =	seq.s32 s5, $0x0;
	s5 =	sld [smem:$0x3FAF]  }
0x2b: {  	s6 =	sld [smem:$0x3FB0]  }
0x2c: {  	s7 =	sld [smem:$0x3FB1]  }
0x2d: {  	s3 =	simm.s32 $0x108;
	s8 =	sld [smem:$0x3FB2]  }
0x2e: {  	s3 =	simm.s32 @!p0 $0x1082;
	s9 =	sld [smem:$0x3FB3]  }
0x2f: {  	lr =	sadd.s32 s0, s3;
	s0 =	sld [smem:$0x3FAA]  }
0x30: {  	s3 =	sld [smem:$0x3FAD]  }
0x31: {  	[smem:$0x3FB6] =	sst s10  }
0x32: {  	s10 =	sld [smem:$0x3FB4];
	_ =	sdelay $0x3  }
0x33: {  	p0 =	seq.s32 s10, $0x1;
	s10 =	sld [smem:$0x3FB6];
	_ =	sdelay $0x3  }
0x34: {  	[smem:$0x3FB6] =	sst s10  }
0x35: {  	s10 =	sld [smem:$0x3FB5];
	_ =	sdelay $0x3  }
0x36: {  	p1 =	seq.s32 s10, $0x1;
	s10 =	sld [smem:$0x3FB6];
	_ =	sdelay $0x3  }
0x37: {  	[smem:$0x3FB6] =	sst s10  }
0x38: {  	s10 =	sld [smem:$0x3FB7]  }
0x39: {  	_ = 	snop;
	(pc) =	sbr.ind lr, $3  }
0x3a: {  	_ = 	snop  }
0x3b: {  	_ = 	snop  }
0x3c: {  	p2 =	seq.s32 s10, $0x1;
	s10 =	sld [smem:$0x3FB6]  }
0x3d: {  	_ =	shalt  }
0x3e: {  	_ =	shalt  }
0x3f: {  	_ =	shalt  }
0x40: {  	_ =	shalt  }
0x41: {  	_ =	shalt  }
0x42: {  	_ =	shalt  }
0x43: {  	_ =	shalt  }
0x44: {  	_ =	shalt  }
0x45: {  	_ =	shalt  }
0x46: {  	_ =	shalt  }
0x47: {  	_ =	shalt  }
0x48: {  	_ =	shalt  }
0x49: {  	_ =	shalt  }
0x4a: {  	_ =	shalt  }
0x4b: {  	_ =	shalt  }
0x4c: {  	_ =	shalt  }
0x4d: {  	_ =	shalt  }
0x4e: {  	_ =	shalt  }
0x4f: {  	_ =	shalt  }
0x50: {  	_ =	shalt  }
0x51: {  	_ =	shalt  }
0x52: {  	_ =	shalt  }
0x53: {  	_ =	shalt  }
0x54: {  	_ =	shalt  }
0x55: {  	_ =	shalt  }
0x56: {  	_ =	shalt  }
0x57: {  	_ =	shalt  }
0x58: {  	_ =	shalt  }
0x59: {  	_ =	shalt  }
0x5a: {  	_ =	shalt  }
0x5b: {  	_ =	shalt  }
0x5c: {  	_ =	shalt  }
0x5d: {  	_ =	shalt  }
0x5e: {  	_ =	shalt  }
0x5f: {  	_ =	shalt  }
0x60: {  	_ =	shalt  }
0x61: {  	_ =	shalt  }
0x62: {  	_ =	shalt  }
0x63: {  	_ =	shalt  }
0x64: {  	_ =	shalt  }
0x65: {  	_ =	shalt  }
0x66: {  	_ =	shalt  }
0x67: {  	_ =	shalt  }
0x68: {  	_ =	shalt  }
0x69: {  	_ =	shalt  }
0x6a: {  	_ =	shalt  }
0x6b: {  	_ =	shalt  }
0x6c: {  	_ =	shalt  }
0x6d: {  	_ =	shalt  }
0x6e: {  	_ =	shalt  }
0x6f: {  	_ =	shalt  }
0x70: {  	_ =	shalt  }
0x71: {  	_ =	shalt  }
0x72: {  	_ =	shalt  }
0x73: {  	_ =	shalt  }
0x74: {  	_ =	shalt  }
0x75: {  	_ =	shalt  }
0x76: {  	_ =	shalt  }
0x77: {  	_ =	shalt  }
0x78: {  	_ =	shalt  }
0x79: {  	_ =	shalt  }
0x7a: {  	_ =	shalt  }
0x7b: {  	_ =	shalt  }
0x7c: {  	_ =	shalt  }
0x7d: {  	_ =	shalt  }
0x7e: {  	_ =	shalt  }
0x7f: {  	_ =	shalt  }
0x80: {  	_ =	shalt  }
0x81: {  	_ =	shalt  }
0x82: {  	_ =	shalt  }
0x83: {  	_ =	shalt  }
0x84: {  	_ =	shalt  }
0x85: {  	_ =	shalt  }
0x86: {  	_ =	shalt  }
0x87: {  	_ =	shalt  }
.Lfunc_end0:
.L_simem_size_0:
called_computation_lowered:
.L_overlay_start_0:
0x88: {  	s0 =	sld [smem:$0x3FD9]  }
0x89: {  	s1 =	sld [smem:$0x3FFE];
	_ =	sdelay $0x3  }
0x8a: {  	s0 =	sadd.s32 s1, s0  }
0x8b: {  	[smem:$0x3FC2] =	sst s0  }
0x8c: {  	_ = 	snop  }
0x8d: {  	s0 =	sld [smem:$0x3FC8];
	(tm) =	ssettm $0x1  }
0x8e: {  	s16 =	sld [smem:$0x3FFB];
	_ =	sdelay $0x3  }
0x8f: {  	_ =	strace s16  }
0x90: {  	s1 =	sld [smem:$0x3FFC];
	_ =	sdelay $0x3  }
0x91: {  	_ =	strace s1  }
0x92: {  	s1 =	sld [smem:$0x3FFD];
	_ =	sdelay $0x3  }
0x93: {  	_ =	strace s1  }
0x94: {  	_ =	strace $0x8FFFFFFF  }
0x95: {  	s17 =	sld [smem:$0x3FDB];
	_ =	sdelay $0x1  }
0x96: {  	s2 =	simm.s32 $_scs_section_size  }
0x97: {  	s3 =	simm.s32 $_size__tile_overlayer_lowered;
	s4 =	simm.s32 $_tile_overlayer_lowered  }
0x98: {  	s20 =	simm.s32 $0x1BFF;
	s19 =	sshll.u32 s4, $0x1;
	s1 =	sadd.s32 s2, s17  }
0x99: {  	s5 =	simm.s32 $0x0;
	s18 =	sshll.u32 s3, $0x1;
	s3 =	sadd.s32 s19, s1  }
0x9a: {  	[timem:s5], [sflag:s20] =	dma.local [hbm:s3], s18  }
0x9b: {  	_ =	swait.ge [sflag:s20], s18  }
0x9c: {  	s2 =	ssub.s32 $0x0, s18;
	[sflag:s20] =	ssyncset.done $0x0  }
0x9d: {  	[sflag:s20] =	ssyncadd.s32 s2;
	_ =	sdelay $0x1  }
0x9e: {  	s21 =	simm.s32 $0x1B8B  }
0x9f: {  	_ =	swait.ge [sflag:s21], $0x1  }
0xa0: {  	[sflag:s21] =	ssyncset.done $0x0  }
0xa1: {  	s23 =	simm.s32 $0x1B8E;
	s22 =	sld [smem:$0x3FFE];
	[sflag:s21] =	ssyncadd.s32 $0xFFFFFFFF  }
0xa2: {  	s24 =	simm.s32 $execute0_lowered;
	[smem:$0x3FD2] =	sst s23  }
0xa3: {  	s3 =	sshll.u32 s24, $0x1;
	_ =	strace $0x80000046;
	[dreg:$0x1] =	wrdreg $0xFFFFFFFF  }
0xa4: {  	s25 =	simm.s32 $_size_execute0_lowered;
	s1 =	sadd.s32 s1, s3;
	[dreg:$0x0] =	wrdreg $0x0  }
0xa5: {  	s3 =	sshll.u32 s25, $0x1;
	[dreg:$0x2] =	wrdreg s1  }
0xa6: {  	[dreg:$0x3] =	wrdreg s3  }
0xa7: {  	[dreg:$0x4] =	wrdreg $0xC0  }
0xa8: {  	_ =	task [dreg:s5], $0x5FFFF  }
0xa9: {  	[dreg:$0x1] =	wrdreg $0xFFFFFFFF  }
0xaa: {  	[dreg:$0x0] =	wrdreg $0x60  }
0xab: {  	[dreg:$0x2] =	wrdreg s0  }
0xac: {  	[dreg:$0x3] =	wrdreg s22  }
0xad: {  	[dreg:$0x4] =	wrdreg $0x16F800  }
0xae: {  	[dreg:$0x5] =	wrdreg $0x197800  }
0xaf: {  	[dreg:$0x6] =	wrdreg $0x9  }
0xb0: {  	_ =	task.clear_ibuf [dreg:s5], $0x7FFFF;
	_ =	strace $0x90000046  }
0xb1: {  	s26 =	simm.s32 $0x9;
	_ =	strace $0x80000048  }
0xb2: {  	_ =	swait.ge [sflag:s26], $0x1  }
0xb3: {  	[sflag:s26] =	ssyncadd.s32 $0xFFFFFFFF  }
0xb4: {  	_ =	strace $0x90000048  }
0xb5: {  	_ =	sfence  }
0xb6: {  	s28 =	sld [smem:$0x0];
	_ =	sdelay $0x1  }
0xb7: {  	s29 =	srdreg.scid  }
0xb8: {  	s30 =	sshll.u32 s29, $0xD;
	s31 =	sshrl.u32 s29, $0x2  }
0xb9: {  	s2 =	sand.u32 $0x4000, s30;
	s1 =	sand.u32 $0x1, s29;
	s0 =	sadd.s32 s31, s28  }
0xba: {  	s1 =	sor.u32 s2, s1;
	s0 =	sshll.u32 s0, $0x11  }
0xbb: {  	s0 =	sor.u32 s0, s1  }
0xbc: {  	s0 =	sadd.s32 $0x8F2B, s0  }
0xbd: {  	[sflag:s0] =	ssyncadd.remote.s32 $0x1  }
0xbe: {  	_ =	sfence.sel $0xFFFF  }
0xbf: {  	[dreg:$0x0] =	wrdreg $0xFFFFFFFF;
	(pc) =	sbr.abs _section_cstart, $3  }
0xc0: {  	[dreg:$0x1] =	wrdreg $0xFFFFFFFF  }
0xc1: {  	_ =	task.clear_ibuf [dreg:s5], $0x2FFFF;
	_ =	strace $0x9FFFFFFF  }
0xc2: {  	(tm) =	ssettm $0x7FFFFFFF  }
0xc3: {  	_ =	shalt  }
tec
execute0_lowered:
.L_overlay_start_1:
0x0: {  	(tag) =	ssettag $0x1  }
0x1: {  	s0 =	rddreg [dreg:$0x0]  }
0x2: {  	s1 =	rddreg [dreg:$0x1]  }
0x3: {  	s2 =	rddreg [dreg:$0x2];
	s7 =	stileid.u32  }
0x4: {  	s9 =	rddreg [dreg:$0x3];
	s3 =	simm.s32 $0x0;
	s8 =	simm.s32 $0x320  }
0x5: {  	s18 =	smul.u32 $0x280, s7;
	[smem:$0x7FF] =	sst s3;
	s25 =	sshrl.u32 s7, $0x3  }
0x6: {  	p0 =	seq.s32 s7, $0xF;
	s4 =	smul.u32 $0x5000, s7;
	_ =	strace $0x80000047  }
0x7: {  	s3 =	smul.u32 $0x50000, s25;
	s5 =	sadd.s32 @p0 $0x12C00, s0;
	s6 =	simm.s32 @p0 $0x0  }
0x8: {  	[tilespmem:s6], [sflag:$0x1] =	stream.linear.gather @p0 [hbm4b:s5+s6], $0x6400, $0x38;
	[tilespmem:$0x19A00] =	vst v63  }
0x9: {  	s26 =	sshll.u32 s7, $0x7;
	s24 =	sshrl.u32 s18, $0x3;
	s6 =	smul.u32 @!p0 $0x1400, s7  }
0xa: {  	s5 =	sand.u32 $0x380, s26;
	s4 =	sshrl.u32 s4, $0x2;
	s30 =	sadd.s32 s18, s9  }
0xb: {  	s1 =	sadd.s32 s24, s1;
	s3 =	sshrl.u32 s3, $0x2;
	s29 =	sadd.s32 s4, s2  }
0xc: {  	[smem:$0x7FC] =	sst s30;
	s3 =	sadd.s32 s3, s2;
	s0 =	sadd.s32 @!p0 s0, s6  }
0xd: {  	s6 =	simm.s32 @!p0 $0x0;
	[smem:$0x7FB] =	sst s29;
	s31 =	sadd.s32 $0xE00, s1  }
0xe: {  	[tilespmem:s6], [sflag:$0x1] =	stream.linear.gather @!p0 [hbm4b:s0+s6], $0xA000, $0x38;
	[tilespmem:$0x19A00] =	vst v63  }
0xf: {  	s8 =	simm.s32 @!p0 $0x500;
	s28 =	sadd.s32 s5, s3;
	[smem:$0x7FD] =	sst s31  }
0x10: {  	v0 =	vimm.f32 $0.0e+00;
	s1 =	simm.s32 $0x200;
	s0 =	simm.s32 $0x0;
	[smem:$0x7FA] =	sst s28  }
.LBB2_1:
0x11: {  	p1 =	sne.s32 s1, $0x9E00;
	[tilespmem:s0+$0x11870] =	vst v0  }
0x12: {  	[tilespmem:s0+$0x11800] =	vst v0  }
0x13: {  	[tilespmem:s0+$0x11810] =	vst v0  }
.Ltmp0:
0x14: {  	[tilespmem:s0+$0x11820] =	vst v0;
	(pc) =	sbr.rel @p1 .LBB2_1-.Ltmp0, $4  }
0x15: {  	[tilespmem:s0+$0x11830] =	vst v0  }
0x16: {  	[tilespmem:s0+$0x11840] =	vst v0  }
0x17: {  	[tilespmem:s0+$0x11850] =	vst v0  }
0x18: {  	[tilespmem:s0+$0x11860] =	vst v0;
	s0 =	sshra.s32 s1, $0x2;
	s1 =	sadd.s32 $0x200, s1  }
0x19: {  	[tilespmem:s0+$0x11870] =	vst v0  }
0x1a: {  	[tilespmem:s0+$0x11800] =	vst v0  }
0x1b: {  	[tilespmem:s0+$0x11810] =	vst v0  }
0x1c: {  	[tilespmem:s0+$0x11820] =	vst v0  }
0x1d: {  	[tilespmem:s0+$0x11830] =	vst v0  }
0x1e: {  	[tilespmem:s0+$0x11840] =	vst v0  }
0x1f: {  	[tilespmem:s0+$0x11850] =	vst v0  }
0x20: {  	[tilespmem:s0+$0x11860] =	vst v0;
	s0 =	simm.s32 @p0 $0x1  }
0x21: {  	_ =	swait.ge @p0 [sflag:s0], $0x6400  }
0x22: {  	[sflag:s0] =	ssyncset.done @p0 $0x0  }
0x23: {  	[sflag:s0] =	ssyncadd.s32 @p0 $0xFFFF9C00;
	s0 =	simm.s32 @!p0 $0x1  }
0x24: {  	_ =	swait.ge @!p0 [sflag:s0], $0xA000  }
0x25: {  	[sflag:s0] =	ssyncset.done @!p0 $0x0  }
0x26: {  	s11 =	simm.s32 $0x100;
	[sflag:s0] =	ssyncadd.s32 @!p0 $0xFFFF6000  }
0x27: {  	v13 =	vld [tilespmem:s11+$0xFFFFFF20]  }
0x28: {  	v14 =	vld [tilespmem:s11+$0xFFFFFF10]  }
0x29: {  	v1 =	vld [tilespmem:s11+$0xFFFFFFA0]  }
0x2a: {  	v15 =	vld [tilespmem:s11+$0xFFFFFFC0]  }
0x2b: {  	v11 =	vld [tilespmem:s11+$0x20]  }
0x2c: {  	v12 =	vld [tilespmem:s11+$0x10]  }
0x2d: {  	v5 =	vld [tilespmem:s11+$0x80]  }
0x2e: {  	v16 =	vld [tilespmem:s11+$0x90]  }
0x2f: {  	v17 =	vld [tilespmem:s11+$0xA0]  }
0x30: {  	v2 =	vld [tilespmem:s11+$0xFFFFFF90]  }
0x31: {  	v23 =	vld [tilespmem:s11+$0xB0]  }
0x32: {  	v20 =	vld [tilespmem:s11+$0xC0]  }
0x33: {  	v18 =	vld [tilespmem:s11+$0xD0]  }
0x34: {  	v19 =	vld [tilespmem:s11+$0x50]  }
0x35: {  	v21 =	vld [tilespmem:s11+$0x40]  }
0x36: {  	v6 =	vld [tilespmem:s11+$0x60]  }
0x37: {  	v24 =	vld [tilespmem:s11+$0x30]  }
0x38: {  	v10 =	vld [tilespmem:s11+$0xFFFFFF00]  }
0x39: {  	v25 =	vld [tilespmem:s11+$0x0]  }
0x3a: {  	v27 =	vld [tilespmem:s11+$0xFFFFFFB0]  }
0x3b: {  	v26 =	vld [tilespmem:s11+$0xFFFFFF40]  }
0x3c: {  	v9 =	vld [tilespmem:s11+$0xE0]  }
0x3d: {  	v7 =	vld [tilespmem:s11+$0xF0]  }
0x3e: {  	v28 =	vld [tilespmem:s11+$0xFFFFFF70]  }
0x3f: {  	v22 =	vld [tilespmem:s11+$0xFFFFFF80]  }
0x40: {  	v8 =	vld [tilespmem:s11+$0x70]  }
0x41: {  	v29 =	vld [tilespmem:s11+$0xFFFFFFD0]  }
0x42: {  	v30 =	vld [tilespmem:s11+$0xFFFFFF50]  }
0x43: {  	v4 =	vld [tilespmem:s11+$0xFFFFFFF0]  }
0x44: {  	v3 =	vld [tilespmem:s11+$0xFFFFFFE0]  }
0x45: {  	v31 =	vld [tilespmem:s11+$0xFFFFFF60]  }
0x46: {  	v0 =	vimm.f32 $1.000000000e+00;
	s10 =	simm.s32 $0x11800;
	v32 =	vld [tilespmem:s11+$0xFFFFFF30]  }
0x47: {  	[tilespmem:v22+s10+$0x0] =	vst.idx.add.f32.msk $0xffff, v0  }
0x48: {  	[tilespmem:v7+s10+$0x0] =	vst.idx.add.f32.msk $0xffff, v0  }
0x49: {  	[tilespmem:v9+s10+$0x0] =	vst.idx.add.f32.msk $0xffff, v0  }
0x4a: {  	v33 =	vshll.u32 v18, $0x10;
	[tilespmem:v18+s10+$0x0] =	vst.idx.add.f32.msk $0xffff, v0  }
0x4b: {  	v34 =	vshll.u32 v23, $0x10;
	v35 =	vshll.u32 v17, $0x10;
	v60 =	vshll.u32 v16, $0x10;
	[tilespmem:v20+s10+$0x0] =	vst.idx.add.f32.msk $0xffff, v0  }
0x4c: {  	v36 =	vshll.u32 v5, $0x10;
	v61 =	vshll.u32 v3, $0x10;
	v62 =	vshll.u32 v29, $0x10;
	[tilespmem:v23+s10+$0x0] =	vst.idx.add.f32.msk $0xffff, v0  }
0x4d: {  	v63 =	vshll.u32 v1, $0x10;
	v19 =	vor.u32 v33, v19;
	v22 =	vshll.u32 v22, $0x10;
	[tilespmem:v17+s10+$0x0] =	vst.idx.add.f32.msk $0xffff, v0  }
0x4e: {  	p0 =	sgt.u32 s8, $0x10;
	v23 =	vor.u32 v36, v25;
	v17 =	vshll.u32 v27, $0x10;
	[tilespmem:v16+s10+$0x0] =	vst.idx.add.f32.msk $0xffff, v0;
	v16 =	vshll.u32 v2, $0x10  }
.Ltmp1:
0x4f: {  	[tilespmem:v29+s10+$0x0] =	vst.idx.add.f32.msk $0xffff, v0;
	v25 =	vor.u32 v62, v30;
	v10 =	vor.u32 v22, v10;
	v22 =	vshll.u32 v20, $0x10;
	(pc) =	sbr.rel @!p0 .LBB2_4-.Ltmp1, $4  }
0x50: {  	v20 =	vor.u32 v34, v24;
	v14 =	vor.u32 v16, v14;
	v18 =	vor.u32 v22, v21  }
0x51: {  	[tilespmem:v15+s10+$0x0] =	vst.idx.add.f32.msk $0xffff, v0;
	v22 =	vor.u32 v60, v12;
	v12 =	vshll.u32 v4, $0x10;
	v21 =	vor.u32 v35, v11  }
0x52: {  	[tilespmem:v27+s10+$0x0] =	vst.idx.add.f32.msk $0xffff, v0;
	v11 =	vor.u32 v12, v28;
	v12 =	vshll.u32 v15, $0x10;
	v15 =	vor.u32 v63, v13  }
0x53: {  	s9 =	simm.s32 $0xA080;
	s12 =	simm.s32 $0x10;
	s13 =	simm.s32 $0xA080;
	v24 =	vor.u32 v12, v26;
	v12 =	vor.u32 v61, v31;
	v26 =	vor.u32 v17, v32  }
.LBB2_3:
0x54: {  	s12 =	sadd.s32 $0x10, s12;
	[tilespmem:v5+s10+$0x0] =	vst.idx.add.f32.msk $0xffff, v0;
	s13 =	sadd.s32 $0x100, s13;
	s11 =	sadd.s32 $0x200, s11  }
0x55: {  	v13 =	vld [tilespmem:s11+$0xFFFFFF20];
	p0 =	slt.u32 s12, s8;
	[tilespmem:s9+$0x0] =	vst v23  }
0x56: {  	v16 =	vld [tilespmem:s11+$0xFFFFFF10];
	[tilespmem:s9+$0xFFFFFFD0] =	vst v25  }
0x57: {  	v5 =	vshll.u32 v9, $0x10;
	v23 =	vld [tilespmem:s11+$0xFFFFFFA0];
	[tilespmem:s9+$0xFFFFFFC0] =	vst v24  }
0x58: {  	v5 =	vor.u32 v5, v6;
	v17 =	vld [tilespmem:s11+$0xFFFFFFC0];
	[tilespmem:s9+$0xFFFFFFB0] =	vst v26  }
0x59: {  	v24 =	vld [tilespmem:s11+$0x20];
	[tilespmem:s9+$0x60] =	vst v5;
	v5 =	vshll.u32 v7, $0x10  }
0x5a: {  	v25 =	vld [tilespmem:s11+$0x10];
	[tilespmem:s9+$0x50] =	vst v19;
	v6 =	vor.u32 v5, v8  }
0x5b: {  	v5 =	vld [tilespmem:s11+$0x80];
	[tilespmem:s9+$0x70] =	vst v6  }
0x5c: {  	v26 =	vld [tilespmem:s11+$0x90];
	[tilespmem:s9+$0x10] =	vst v22  }
0x5d: {  	v27 =	vld [tilespmem:s11+$0xA0];
	[tilespmem:s9+$0x40] =	vst v18  }
0x5e: {  	v18 =	vld [tilespmem:s11+$0xFFFFFF90];
	[tilespmem:s9+$0x30] =	vst v20  }
0x5f: {  	v28 =	vld [tilespmem:s11+$0xB0];
	[tilespmem:s9+$0x20] =	vst v21  }
0x60: {  	v29 =	vld [tilespmem:s11+$0xC0];
	[tilespmem:s9+$0xFFFFFF80] =	vst v10  }
0x61: {  	v30 =	vld [tilespmem:s11+$0xD0]  }
0x62: {  	v19 =	vld [tilespmem:s11+$0x50]  }
0x63: {  	v20 =	vld [tilespmem:s11+$0x40]  }
0x64: {  	v6 =	vld [tilespmem:s11+$0x60]  }
0x65: {  	v21 =	vld [tilespmem:s11+$0x30]  }
0x66: {  	v10 =	vld [tilespmem:s11+$0xFFFFFF00]  }
0x67: {  	v31 =	vld [tilespmem:s11+$0x0]  }
0x68: {  	v32 =	vld [tilespmem:s11+$0xFFFFFFB0]  }
0x69: {  	v33 =	vld [tilespmem:s11+$0xFFFFFF40]  }
0x6a: {  	v9 =	vld [tilespmem:s11+$0xE0]  }
0x6b: {  	v7 =	vld [tilespmem:s11+$0xF0]  }
0x6c: {  	v34 =	vld [tilespmem:s11+$0xFFFFFF70]  }
0x6d: {  	v8 =	vld [tilespmem:s11+$0x70]  }
0x6e: {  	v35 =	vld [tilespmem:s11+$0xFFFFFFD0]  }
0x6f: {  	v22 =	vld [tilespmem:s11+$0xFFFFFF80]  }
0x70: {  	[tilespmem:v1+s10+$0x0] =	vst.idx.add.f32.msk $0xffff, v0;
	v1 =	vmov v23  }
0x71: {  	[tilespmem:v2+s10+$0x0] =	vst.idx.add.f32.msk $0xffff, v0;
	v2 =	vmov v18  }
0x72: {  	[tilespmem:v4+s10+$0x0] =	vst.idx.add.f32.msk $0xffff, v0  }
0x73: {  	v36 =	vld [tilespmem:s11+$0xFFFFFF50];
	[tilespmem:s9+$0xFFFFFFF0] =	vst v11  }
0x74: {  	v11 =	vshll.u32 v30, $0x10;
	v4 =	vshll.u32 v22, $0x10;
	[tilespmem:v3+s10+$0x0] =	vst.idx.add.f32.msk $0xffff, v0  }
0x75: {  	v18 =	vshll.u32 v29, $0x10;
	v10 =	vor.u32 v4, v10;
	v4 =	vld [tilespmem:s11+$0xFFFFFFF0];
	[tilespmem:s9+$0xFFFFFFE0] =	vst v12  }
0x76: {  	v12 =	vshll.u32 v28, $0x10;
	v3 =	vld [tilespmem:s11+$0xFFFFFFE0];
	[tilespmem:s9+$0xFFFFFF90] =	vst v14  }
0x77: {  	v23 =	vshll.u32 v27, $0x10;
	v19 =	vor.u32 v11, v19;
	v14 =	vld [tilespmem:s11+$0xFFFFFF60];
	[tilespmem:s9+$0xFFFFFFA0] =	vst v15;
	s9 =	smov.u32 s13  }
0x78: {  	v18 =	vor.u32 v18, v20;
	v11 =	vshll.u32 v26, $0x10;
	v15 =	vld [tilespmem:s11+$0xFFFFFF30]  }
0x79: {  	v37 =	vshll.u32 v5, $0x10;
	v20 =	vor.u32 v12, v21;
	[tilespmem:v22+s10+$0x0] =	vst.idx.add.f32.msk $0xffff, v0;
	v22 =	vor.u32 v11, v25  }
0x7a: {  	v21 =	vor.u32 v23, v24;
	v11 =	vshll.u32 v4, $0x10;
	[tilespmem:v7+s10+$0x0] =	vst.idx.add.f32.msk $0xffff, v0  }
0x7b: {  	v12 =	vshll.u32 v3, $0x10;
	v11 =	vor.u32 v11, v34;
	[tilespmem:v9+s10+$0x0] =	vst.idx.add.f32.msk $0xffff, v0  }
0x7c: {  	v23 =	vor.u32 v37, v31;
	v25 =	vshll.u32 v35, $0x10;
	[tilespmem:v30+s10+$0x0] =	vst.idx.add.f32.msk $0xffff, v0  }
0x7d: {  	v24 =	vshll.u32 v17, $0x10;
	[tilespmem:v29+s10+$0x0] =	vst.idx.add.f32.msk $0xffff, v0  }
0x7e: {  	v24 =	vor.u32 v24, v33;
	v12 =	vor.u32 v12, v14;
	v29 =	vshll.u32 v32, $0x10;
	[tilespmem:v28+s10+$0x0] =	vst.idx.add.f32.msk $0xffff, v0  }
.Ltmp2:
0x7f: {  	v25 =	vor.u32 v25, v36;
	v28 =	vshll.u32 v1, $0x10;
	[tilespmem:v27+s10+$0x0] =	vst.idx.add.f32.msk $0xffff, v0;
	(pc) =	sbr.rel @p0 .LBB2_3-.Ltmp2, $4  }
0x80: {  	v14 =	vshll.u32 v2, $0x10;
	[tilespmem:v26+s10+$0x0] =	vst.idx.add.f32.msk $0xffff, v0  }
0x81: {  	v14 =	vor.u32 v14, v16;
	[tilespmem:v35+s10+$0x0] =	vst.idx.add.f32.msk $0xffff, v0  }
0x82: {  	v26 =	vor.u32 v29, v15;
	[tilespmem:v17+s10+$0x0] =	vst.idx.add.f32.msk $0xffff, v0  }
0x83: {  	v15 =	vor.u32 v28, v13;
	[tilespmem:v32+s10+$0x0] =	vst.idx.add.f32.msk $0xffff, v0  }
.LBB2_4:
0x84: {  	_ =	sdelay $0x3  }
0x85: {  	[tilespmem:v5+s10+$0x0] =	vst.idx.add.f32.msk $0xffff, v0  }
0x86: {  	[tilespmem:s9+$0xFFFFFFD0] =	vst v25  }
0x87: {  	[tilespmem:s9+$0xFFFFFFC0] =	vst v24  }
0x88: {  	[tilespmem:s9+$0xFFFFFFB0] =	vst v26  }
0x89: {  	[tilespmem:s9+$0x50] =	vst v19  }
0x8a: {  	[tilespmem:s9+$0x10] =	vst v22  }
0x8b: {  	[tilespmem:s9+$0x40] =	vst v18  }
0x8c: {  	[tilespmem:s9+$0x30] =	vst v20  }
0x8d: {  	[tilespmem:s9+$0x20] =	vst v21  }
0x8e: {  	[tilespmem:s9+$0xFFFFFF80] =	vst v10  }
0x8f: {  	[tilespmem:v1+s10+$0x0] =	vst.idx.add.f32.msk $0xffff, v0  }
0x90: {  	[tilespmem:v2+s10+$0x0] =	vst.idx.add.f32.msk $0xffff, v0  }
0x91: {  	[tilespmem:v4+s10+$0x0] =	vst.idx.add.f32.msk $0xffff, v0  }
0x92: {  	[tilespmem:v3+s10+$0x0] =	vst.idx.add.f32.msk $0xffff, v0  }
0x93: {  	[tilespmem:s9+$0x0] =	vst v23  }
0x94: {  	[tilespmem:s9+$0xFFFFFFF0] =	vst v11  }
0x95: {  	v5 =	vshll.u32 v9, $0x10;
	[tilespmem:s9+$0xFFFFFFE0] =	vst v12  }
0x96: {  	v5 =	vor.u32 v5, v6;
	[tilespmem:s9+$0xFFFFFF90] =	vst v14  }
0x97: {  	[tilespmem:s9+$0x60] =	vst v5;
	v5 =	vshll.u32 v7, $0x10  }
0x98: {  	[tilespmem:s9+$0xFFFFFFA0] =	vst v15;
	v5 =	vor.u32 v5, v8  }
0x99: {  	[tilespmem:s9+$0x70] =	vst v5  }
0x9a: {  	s3 =	sld [smem:$0x7FA]  }
0x9b: {  	s0 =	simm.s32 $0x80;
	s1 =	simm.s32 $0x400  }
0x9c: {  	s2 =	simm.s32 $0x11800;
	s31 =	simm.s32 $0x2;
	[smem:$0x7F9] =	sst s8  }
0x9d: {  	[spmem:s3] =	stream.strided.scatter [tilespmem:s2], [sflag:$0x2], $0x2800, s1, s0, $0x38;
	[tilespmem:$0x19A00] =	vst v63  }
0x9e: {  	_ =	swait.ge [sflag:s31], $0x2800  }
0x9f: {  	[sflag:s31] =	ssyncset.done $0x0  }
0xa0: {  	[sflag:s31] =	ssyncadd.s32 $0xFFFFD800  }
0xa1: {  	[bflag:$0x0] =	sbarrier.arrive $0xFFFF  }
0xa2: {  	s6 =	sld [smem:$0x7FB];
	_ =	sdelay $0x1  }
0xa3: {  	s4 =	simm.s32 $0x1400;
	s5 =	simm.s32 $0x14000;
	s7 =	simm.s32 $0x0  }
0xa4: {  	[tilespmem:s5], [sflag:$0x2] =	stream.strided.gather [spmem:s6], $0x2800, s5, s4, $0x38;
	[tilespmem:$0x19A00] =	vst v63  }
0xa5: {  	s12 =	simm.s32 $0x30;
	s8 =	sand.u32 $0x1C00, s7;
	_ =	swait.ge [sflag:s31], $0x2800  }
0xa6: {  	s9 =	sand.u32 $0x70, s12;
	s7 =	sor.u32 $0x14000, s8;
	[sflag:s31] =	ssyncset.done $0x0  }
0xa7: {  	s15 =	sor.u32 s9, s7;
	[sflag:s31] =	ssyncadd.s32 $0xFFFFD800  }
0xa8: {  	v1 =	vld [tilespmem:s15+$0x0]  }
0xa9: {  	v2 =	vld [tilespmem:s15+$0x80]  }
0xaa: {  	v3 =	vld [tilespmem:s15+$0x100]  }
0xab: {  	v4 =	vld [tilespmem:s15+$0x180]  }
0xac: {  	v5 =	vld [tilespmem:s15+$0x200]  }
0xad: {  	v6 =	vld [tilespmem:s15+$0x280]  }
0xae: {  	s6 =	sadd.s32 $0x15400, s8;
	v7 =	vld [tilespmem:s15+$0x300]  }
0xaf: {  	s5 =	sadd.s32 $0x15480, s8;
	s16 =	sor.u32 s9, s6;
	v8 =	vld [tilespmem:s15+$0x380]  }
0xb0: {  	s4 =	sadd.s32 $0x15500, s8;
	s17 =	sor.u32 s9, s5;
	v9 =	vld [tilespmem:s16+$0x0]  }
0xb1: {  	s20 =	sadd.s32 $0x15580, s8;
	s19 =	sor.u32 s9, s4;
	v10 =	vld [tilespmem:s17+$0x0]  }
0xb2: {  	s22 =	sadd.s32 $0x15600, s8;
	s21 =	sor.u32 s9, s20;
	v11 =	vld [tilespmem:s19+$0x0]  }
0xb3: {  	s13 =	sor.u32 s9, s22;
	s0 =	sadd.s32 $0x15680, s8;
	v42 =	vld [tilespmem:s21+$0x0]  }
0xb4: {  	s14 =	sadd.s32 $0x15700, s8;
	s23 =	sor.u32 s9, s0;
	v13 =	vld [tilespmem:s13+$0x0]  }
0xb5: {  	s15 =	simm.s32 $0x10;
	v43 =	vld [tilespmem:s23+$0x0];
	s16 =	sor.u32 s9, s14;
	s13 =	sadd.s32 $0x15780, s8  }
0xb6: {  	s24 =	simm.s32 $0x0;
	s15 =	sand.u32 $0x50, s15;
	v44 =	vld [tilespmem:s16+$0x0];
	s8 =	sor.u32 s9, s13  }
0xb7: {  	s16 =	sand.u32 $0x40, s24;
	s17 =	sor.u32 s15, s7;
	v16 =	vld [tilespmem:s8+$0x0]  }
0xb8: {  	s1 =	sor.u32 s16, s7;
	v17 =	vld [tilespmem:s17+$0x0];
	v1 =	vadd.f32 v2, v1  }
0xb9: {  	v45 =	vld [tilespmem:s1+$0x0]  }
0xba: {  	v46 =	vld [tilespmem:s17+$0x80];
	v1 =	vadd.f32 v3, v1  }
0xbb: {  	v47 =	vld [tilespmem:s1+$0x180]  }
0xbc: {  	v48 =	vld [tilespmem:s1+$0x200];
	v1 =	vadd.f32 v4, v1  }
0xbd: {  	v49 =	vld [tilespmem:s1+$0x280]  }
0xbe: {  	v50 =	vld [tilespmem:s1+$0x380];
	v1 =	vadd.f32 v5, v1  }
0xbf: {  	v51 =	vld [tilespmem:s17+$0x300]  }
0xc0: {  	s28 =	sor.u32 s15, s6;
	v52 =	vld [tilespmem:s17+$0x380];
	v1 =	vadd.f32 v6, v1  }
0xc1: {  	s21 =	sor.u32 s16, s0;
	v57 =	vld [tilespmem:s28+$0x0]  }
0xc2: {  	v60 =	vld [tilespmem:s21+$0x0];
	v1 =	vadd.f32 v7, v1  }
0xc3: {  	v2 =	vld [tilespmem:s1+$0x80]  }
0xc4: {  	v3 =	vld [tilespmem:s1+$0x100];
	v1 =	vadd.f32 v8, v1  }
0xc5: {  	s25 =	simm.s32 $0x20;
	v4 =	vld [tilespmem:s17+$0x100]  }
0xc6: {  	v7 =	vld [tilespmem:s1+$0x300];
	s1 =	sand.u32 $0x60, s25;
	v1 =	vadd.f32 v9, v1  }
0xc7: {  	v5 =	vld [tilespmem:s17+$0x180];
	s7 =	sor.u32 s1, s7  }
0xc8: {  	v53 =	vld [tilespmem:s7+$0x80];
	v1 =	vadd.f32 v10, v1  }
0xc9: {  	v2 =	vadd.f32 v2, v45;
	v9 =	vld [tilespmem:s7+$0x0]  }
0xca: {  	v6 =	vld [tilespmem:s17+$0x200];
	v1 =	vadd.f32 v11, v1  }
0xcb: {  	v2 =	vadd.f32 v3, v2;
	v10 =	vld [tilespmem:s7+$0x100]  }
0xcc: {  	v8 =	vld [tilespmem:s17+$0x280];
	v1 =	vadd.f32 v42, v1  }
0xcd: {  	v17 =	vadd.f32 v46, v17;
	v2 =	vadd.f32 v47, v2;
	v11 =	vld [tilespmem:s7+$0x180]  }
0xce: {  	v54 =	vld [tilespmem:s7+$0x200];
	v9 =	vadd.f32 v53, v9;
	v1 =	vadd.f32 v13, v1  }
0xcf: {  	v4 =	vadd.f32 v4, v17;
	v2 =	vadd.f32 v48, v2;
	v55 =	vld [tilespmem:s7+$0x280]  }
0xd0: {  	v3 =	vld [tilespmem:s7+$0x300];
	v9 =	vadd.f32 v10, v9;
	v1 =	vadd.f32 v43, v1  }
0xd1: {  	v4 =	vadd.f32 v5, v4;
	s3 =	sor.u32 s1, s20;
	v56 =	vld [tilespmem:s7+$0x380];
	v2 =	vadd.f32 v49, v2  }
0xd2: {  	s31 =	sor.u32 s15, s5;
	v59 =	vld [tilespmem:s3+$0x0];
	v5 =	vadd.f32 v11, v9;
	v1 =	vadd.f32 v44, v1  }
0xd3: {  	s8 =	sor.u32 s15, s4;
	v4 =	vadd.f32 v6, v4;
	v6 =	vld [tilespmem:s31+$0x0];
	v2 =	vadd.f32 v7, v2  }
0xd4: {  	s26 =	sor.u32 s16, s6;
	v7 =	vld [tilespmem:s8+$0x0];
	v5 =	vadd.f32 v54, v5;
	v1 =	vadd.f32 v16, v1  }
0xd5: {  	s6 =	sor.u32 s1, s6;
	v4 =	vadd.f32 v8, v4;
	v10 =	vld [tilespmem:s26+$0x0]  }
0xd6: {  	s29 =	sor.u32 s16, s5;
	v9 =	vld [tilespmem:s6+$0x0];
	v5 =	vadd.f32 v55, v5;
	v1 =	vmax.f32 v1, $1.000000000e+00  }
0xd7: {  	s5 =	sor.u32 s1, s5;
	v4 =	vadd.f32 v51, v4;
	v11 =	vld [tilespmem:s29+$0x0];
	(erf) = vrcp.f32 v1  }
0xd8: {  	v8 =	vld [tilespmem:s5+$0x0];
	v2 =	vadd.f32 v50, v2;
	s7 =	sor.u32 s16, s4;
	v1 =	vadd.f32 v3, v5  }
0xd9: {  	s4 =	sor.u32 s1, s4;
	v58 =	vld [tilespmem:s7+$0x0];
	v4 =	vadd.f32 v52, v4  }
0xda: {  	s9 =	sor.u32 s16, s20;
	v2 =	vadd.f32 v10, v2;
	v3 =	vld [tilespmem:s4+$0x0];
	v1 =	vadd.f32 v56, v1  }
0xdb: {  	s17 =	sor.u32 s15, s20;
	v4 =	vadd.f32 v57, v4;
	v5 =	vld [tilespmem:s9+$0x0]  }
0xdc: {  	s19 =	sor.u32 s16, s22;
	v10 =	vld [tilespmem:s17+$0x0];
	v2 =	vadd.f32 v11, v2;
	v1 =	vadd.f32 v9, v1  }
0xdd: {  	s30 =	simm.s32 $0x16AA0;
	s10 =	simm.s32 $0x16820;
	s20 =	sor.u32 s15, s22;
	v4 =	vadd.f32 v6, v4;
	v9 =	vld [tilespmem:s19+$0x0]  }
0xde: {  	s11 =	simm.s32 $0x16D20;
	s2 =	sor.u32 s1, s22;
	s22 =	sadd.s32 $0x30, s18;
	v11 =	vld [tilespmem:s20+$0x0];
	v2 =	vadd.f32 v58, v2;
	v1 =	vadd.f32 v8, v1  }
0xdf: {  	v0 =	vimm.f32 $9.999999740e-05;
	s23 =	sor.u32 s15, s0;
	s0 =	sor.u32 s1, s0;
	p1 =	slt.u32 s22, $0x2710;
	v6 =	vadd.f32 v7, v4;
	v8 =	vld [tilespmem:s2+$0x0]  }
0xe0: {  	s21 =	sor.u32 s15, s13;
	s25 =	sor.u32 s16, s14;
	s24 =	sadd.s32 $0xFFFFFFD0, s22;
	v61 =	vpsel !p1, $0x0, v0;
	v4 =	vld [tilespmem:s0+$0x0];
	v2 =	vadd.f32 v5, v2;
	v1 =	vadd.f32 v3, v1;
	v3 =	vpop (erf)  }
0xe1: {  	s28 =	sadd.s32 $0xFFFFFFF0, s22;
	s26 =	sadd.s32 $0xFFFFFFE0, s22;
	s29 =	sor.u32 s15, s14;
	v7 =	vld [tilespmem:s25+$0x0];
	v10 =	vadd.f32 v10, v6;
	[tilespmem:s30+$0x10] =	vst v3;
	v62 =	vmul.f32 v3, v61  }
0xe2: {  	s31 =	sor.u32 s1, s14;
	p0 =	slt.u32 s24, $0x2710;
	p2 =	slt.u32 s26, $0x2710;
	v6 =	vld [tilespmem:s29+$0x0];
	v63 =	vadd.f32 v9, v2;
	v13 =	vadd.f32 v59, v1;
	[tilespmem:s10+$0x10] =	vst v61  }
0xe3: {  	p6 =	slt.u32 s28, $0x2710;
	s14 =	simm.s32 $0x200;
	s20 =	sor.u32 s1, s13;
	v10 =	vadd.f32 v11, v10;
	v5 =	vld [tilespmem:s23+$0x0];
	v2 =	vpsel !p2, $0x0, v0;
	v3 =	vpsel !p0, $0x0, v0;
	[tilespmem:s11+$0x10] =	vst v62  }
0xe4: {  	s23 =	sor.u32 s16, s13;
	s13 =	simm.s32 $0x0;
	v1 =	vpsel !p6, $0x0, v0;
	v11 =	vadd.f32 v60, v63;
	v9 =	vadd.f32 v8, v13;
	v8 =	vld [tilespmem:s31+$0x0];
	[dreg:$0x8] =	wrdreg s18  }
.LBB2_5:
0xe5: {  	s19 =	sand.u32 $0x1C00, s14;
	s12 =	sadd.s32 $0x40, s12  }
0xe6: {  	s0 =	sor.u32 $0x14000, s19;
	s18 =	sand.u32 $0x70, s12  }
0xe7: {  	v12 =	vld [tilespmem:s23+$0x0];
	s2 =	sor.u32 s18, s0  }
0xe8: {  	v55 =	vld [tilespmem:s2+$0x100]  }
0xe9: {  	v5 =	vadd.f32 v5, v10;
	v10 =	vld [tilespmem:s21+$0x0]  }
0xea: {  	v4 =	vadd.f32 v4, v9;
	v9 =	vld [tilespmem:s20+$0x0]  }
0xeb: {  	s7 =	sadd.s32 $0x15400, s19;
	v7 =	vadd.f32 v7, v11;
	v11 =	vld [tilespmem:s2+$0x0]  }
0xec: {  	s1 =	sadd.s32 $0xFFFFFFE0, s12;
	s23 =	sadd.s32 $0x15480, s19;
	s9 =	sor.u32 s18, s7;
	v5 =	vadd.f32 v6, v5;
	v6 =	vld [tilespmem:s2+$0x80]  }
0xed: {  	s24 =	sor.u32 s18, s23;
	v13 =	vld [tilespmem:s9+$0x0];
	s20 =	sand.u32 $0x50, s1;
	v7 =	vadd.f32 v12, v7  }
0xee: {  	s3 =	sadd.s32 $0xFFFFFFD0, s12;
	v57 =	vld [tilespmem:s24+$0x0];
	s15 =	sor.u32 s20, s0;
	v4 =	vadd.f32 v8, v4  }
0xef: {  	s21 =	sand.u32 $0x40, s3;
	v8 =	vld [tilespmem:s15+$0x0];
	v7 =	vmax.f32 v7, $1.000000000e+00;
	v5 =	vadd.f32 v10, v5  }
0xf0: {  	s17 =	sor.u32 s21, s0;
	v4 =	vadd.f32 v9, v4;
	v9 =	vld [tilespmem:s2+$0x180];
	(erf) = vrcp.f32 v7  }
0xf1: {  	v10 =	vld [tilespmem:s17+$0x0];
	v5 =	vmax.f32 v5, $1.000000000e+00;
	v6 =	vadd.f32 v6, v11  }
0xf2: {  	v4 =	vmax.f32 v4, $1.000000000e+00;
	(erf) = vrcp.f32 v5;
	v5 =	vld [tilespmem:s2+$0x200]  }
0xf3: {  	(erf) = vrcp.f32 v4;
	v4 =	vld [tilespmem:s15+$0x80];
	v6 =	vadd.f32 v55, v6  }
0xf4: {  	v11 =	vld [tilespmem:s2+$0x280]  }
0xf5: {  	v7 =	vld [tilespmem:s17+$0x80];
	v6 =	vadd.f32 v9, v6  }
0xf6: {  	s6 =	sadd.s32 $0xFFFFFFF0, s12;
	v9 =	vld [tilespmem:s2+$0x300]  }
0xf7: {  	s22 =	sand.u32 $0x60, s6;
	v5 =	vadd.f32 v5, v6;
	v6 =	vld [tilespmem:s2+$0x380]  }
0xf8: {  	s16 =	sor.u32 s22, s0;
	v4 =	vadd.f32 v4, v8;
	v8 =	vld [tilespmem:s17+$0x100]  }
0xf9: {  	s25 =	sadd.s32 $0x15500, s19;
	v56 =	vld [tilespmem:s16+$0x0];
	v5 =	vadd.f32 v11, v5;
	v11 =	vpop (erf)  }
0xfa: {  	s4 =	sadd.s32 $0x15580, s19;
	s31 =	sor.u32 s18, s25;
	s28 =	sor.u32 s22, s7;
	v15 =	vld [tilespmem:s15+$0x100];
	[tilespmem:s30+$0xFFFFFFE0] =	vst v11;
	v11 =	vmul.f32 v11, v3  }
0xfb: {  	s6 =	sor.u32 s22, s23;
	s5 =	sor.u32 s22, s25;
	s24 =	sor.u32 s18, s4;
	v16 =	vld [tilespmem:s16+$0x100];
	v7 =	vadd.f32 v7, v10;
	v5 =	vadd.f32 v9, v5;
	[tilespmem:s10+$0xFFFFFFE0] =	vst v3  }
0xfc: {  	s26 =	sor.u32 s21, s7;
	s8 =	sor.u32 s20, s7;
	s7 =	sor.u32 s20, s23;
	v10 =	vld [tilespmem:s16+$0x80];
	v14 =	vpop (erf);
	[tilespmem:s11+$0xFFFFFFE0] =	vst v11  }
0xfd: {  	s29 =	sor.u32 s20, s25;
	s9 =	sor.u32 s21, s4;
	[dreg:$0x15] =	wrdreg s8;
	v3 =	vmul.f32 v14, v2;
	[tilespmem:s30+$0xFFFFFFF0] =	vst v14;
	v5 =	vadd.f32 v6, v5;
	v6 =	vadd.f32 v8, v7;
	v7 =	vld [tilespmem:s31+$0x0]  }
0xfe: {  	s8 =	sor.u32 s21, s23;
	s2 =	sor.u32 s21, s25;
	s25 =	sadd.s32 $0x15600, s19;
	[tilespmem:s10+$0xFFFFFFF0] =	vst v2;
	v2 =	vld [tilespmem:s17+$0x180]  }
0xff: {  	s23 =	sor.u32 s20, s4;
	v9 =	vpop (erf);
	s31 =	sor.u32 s22, s4;
	s4 =	sor.u32 s18, s25;
	[tilespmem:s11+$0xFFFFFFF0] =	vst v3;
	v3 =	vadd.f32 v15, v4;
	v4 =	vld [tilespmem:s24+$0x0]  }
0x100: {  	v11 =	vmul.f32 v9, v1;
	[tilespmem:s30+$0x0] =	vst v9;
	v9 =	vld [tilespmem:s4+$0x0]  }
0x101: {  	v10 =	vadd.f32 v10, v56;
	[tilespmem:s10+$0x0] =	vst v1;
	v5 =	vadd.f32 v13, v5;
	v8 =	vld [tilespmem:s15+$0x180]  }
0x102: {  	[dreg:$0x11] =	wrdreg s5;
	s5 =	sadd.s32 $0x15680, s19;
	[tilespmem:s11+$0x0] =	vst v11;
	v58 =	vld [tilespmem:s29+$0x0]  }
0x103: {  	[dreg:$0x10] =	wrdreg s9;
	s9 =	sor.u32 s18, s5;
	v1 =	vadd.f32 v16, v10;
	v10 =	vld [tilespmem:s16+$0x180];
	v5 =	vadd.f32 v57, v5  }
0x104: {  	v2 =	vadd.f32 v2, v6;
	v6 =	vld [tilespmem:s9+$0x0]  }
0x105: {  	[dreg:$0xf] =	wrdreg s23;
	s23 =	sadd.s32 $0x15700, s19;
	v5 =	vadd.f32 v7, v5;
	v7 =	vld [tilespmem:s17+$0x200]  }
0x106: {  	s0 =	sor.u32 s18, s23;
	v3 =	vadd.f32 v8, v3;
	v8 =	vld [tilespmem:s15+$0x200]  }
0x107: {  	s9 =	sadd.s32 $0x15780, s19;
	v4 =	vadd.f32 v4, v5;
	v5 =	vld [tilespmem:s0+$0x0]  }
0x108: {  	s0 =	sor.u32 s18, s9;
	v1 =	vadd.f32 v10, v1;
	v10 =	vld [tilespmem:s16+$0x200]  }
0x109: {  	v4 =	vadd.f32 v9, v4;
	v9 =	vld [tilespmem:s0+$0x0]  }
0x10a: {  	v2 =	vadd.f32 v7, v2;
	v7 =	vld [tilespmem:s15+$0x280]  }
0x10b: {  	v4 =	vadd.f32 v6, v4;
	v6 =	vld [tilespmem:s17+$0x280]  }
0x10c: {  	v3 =	vadd.f32 v8, v3;
	v8 =	vld [tilespmem:s17+$0x300]  }
0x10d: {  	v1 =	vadd.f32 v10, v1;
	v10 =	vld [tilespmem:s17+$0x380];
	v4 =	vadd.f32 v5, v4  }
0x10e: {  	v5 =	vld [tilespmem:s16+$0x280]  }
0x10f: {  	v4 =	vadd.f32 v9, v4;
	v9 =	vld [tilespmem:s15+$0x300]  }
0x110: {  	v3 =	vadd.f32 v7, v3;
	v7 =	vld [tilespmem:s26+$0x0]  }
0x111: {  	v2 =	vadd.f32 v6, v2;
	v6 =	vld [tilespmem:s16+$0x300];
	v4 =	vmax.f32 v4, $1.000000000e+00  }
0x112: {  	(erf) = vrcp.f32 v4;
	v4 =	vld [tilespmem:s15+$0x380]  }
0x113: {  	v1 =	vadd.f32 v5, v1;
	v5 =	vld [tilespmem:s16+$0x380];
	s15 =	rddreg [dreg:$0x15]  }
0x114: {  	s1 =	sor.u32 s20, s25;
	v2 =	vadd.f32 v8, v2;
	v8 =	vld [tilespmem:s15+$0x0]  }
0x115: {  	[dreg:$0x16] =	wrdreg s1;
	v3 =	vadd.f32 v9, v3;
	v9 =	vld [tilespmem:s8+$0x0]  }
0x116: {  	s3 =	sor.u32 s22, s5;
	s1 =	sor.u32 s21, s23;
	[dreg:$0x12] =	wrdreg s31;
	v2 =	vadd.f32 v10, v2;
	v1 =	vadd.f32 v6, v1;
	v6 =	vld [tilespmem:s28+$0x0]  }
0x117: {  	s31 =	sor.u32 s21, s25;
	s25 =	sor.u32 s22, s25;
	s4 =	sor.u32 s21, s5;
	v3 =	vadd.f32 v4, v3;
	v4 =	vld [tilespmem:s7+$0x0]  }
0x118: {  	s24 =	sor.u32 s20, s5;
	s5 =	sor.u32 s20, s23;
	s19 =	sor.u32 s22, s23;
	v2 =	vadd.f32 v7, v2;
	v7 =	vld [tilespmem:s2+$0x0]  }
0x119: {  	s23 =	sor.u32 s21, s9;
	s21 =	sor.u32 s20, s9;
	s18 =	rddreg [dreg:$0x8];
	v1 =	vadd.f32 v5, v1;
	v5 =	vld [tilespmem:s6+$0x0]  }
0x11a: {  	v62 =	vld [tilespmem:s4+$0x0];
	s20 =	sor.u32 s22, s9;
	s22 =	rddreg [dreg:$0x11];
	s16 =	sadd.s32 s12, s18;
	v8 =	vadd.f32 v8, v3  }
0x11b: {  	s30 =	sadd.s32 $0x40, s30;
	v59 =	vld [tilespmem:s22+$0x0];
	p1 =	slt.u32 s16, $0x2710;
	s28 =	rddreg [dreg:$0xf];
	v9 =	vadd.f32 v9, v2;
	v11 =	vpop (erf)  }
0x11c: {  	s10 =	sadd.s32 $0x40, s10;
	s26 =	rddreg [dreg:$0x10];
	v10 =	vpsel !p1, $0x0, v0;
	v6 =	vadd.f32 v6, v1;
	[tilespmem:s30+$0x10] =	vst v11;
	v4 =	vadd.f32 v4, v8;
	v8 =	vld [tilespmem:s28+$0x0]  }
0x11d: {  	s29 =	rddreg [dreg:$0x12];
	v11 =	vmul.f32 v11, v10;
	[tilespmem:s10+$0x10] =	vst v10;
	v10 =	vld [tilespmem:s26+$0x0]  }
0x11e: {  	v5 =	vadd.f32 v5, v6;
	v6 =	vadd.f32 v7, v9;
	v7 =	vld [tilespmem:s29+$0x0]  }
0x11f: {  	s11 =	sadd.s32 $0x40, s11;
	v9 =	vld [tilespmem:s31+$0x0];
	s31 =	rddreg [dreg:$0x16]  }
0x120: {  	s13 =	sadd.s32 $0x4, s13;
	[tilespmem:s11+$0x10] =	vst v11;
	v11 =	vld [tilespmem:s31+$0x0]  }
0x121: {  	p0 =	slt.u32 s13, $0x24;
	v61 =	vld [tilespmem:s25+$0x0];
	v4 =	vadd.f32 v58, v4  }
.Ltmp3:
0x122: {  	v60 =	vadd.f32 v59, v5;
	v5 =	vld [tilespmem:s24+$0x0];
	v6 =	vadd.f32 v10, v6;
	(pc) =	sbr.rel @p0 .LBB2_5-.Ltmp3, $4  }
0x123: {  	s17 =	sadd.s32 $0xFFFFFFD0, s16;
	s18 =	sadd.s32 $0xFFFFFFE0, s16;
	v8 =	vadd.f32 v8, v4;
	v4 =	vld [tilespmem:s3+$0x0]  }
0x124: {  	s0 =	sadd.s32 $0xFFFFFFF0, s16;
	p2 =	slt.u32 s17, $0x2710;
	p5 =	slt.u32 s18, $0x2710;
	v12 =	vadd.f32 v7, v60;
	v7 =	vld [tilespmem:s1+$0x0];
	v63 =	vadd.f32 v9, v6  }
0x125: {  	p6 =	slt.u32 s0, $0x2710;
	v3 =	vpsel !p2, $0x0, v0;
	v2 =	vpsel !p5, $0x0, v0;
	v10 =	vadd.f32 v11, v8;
	v8 =	vld [tilespmem:s19+$0x0]  }
0x126: {  	s14 =	sadd.s32 $0x200, s14;
	v1 =	vpsel !p6, $0x0, v0;
	v6 =	vld [tilespmem:s5+$0x0];
	v9 =	vadd.f32 v61, v12;
	v11 =	vadd.f32 v62, v63  }
0x127: {  	v0 =	vld [tilespmem:s23+$0x0];
	_ =	sdelay $0x2  }
0x128: {  	v61 =	vld [tilespmem:s21+$0x0];
	v7 =	vadd.f32 v7, v11  }
0x129: {  	v5 =	vadd.f32 v5, v10  }
0x12a: {  	v0 =	vadd.f32 v0, v7  }
0x12b: {  	v62 =	vld [tilespmem:s20+$0x0];
	v5 =	vadd.f32 v6, v5  }
0x12c: {  	v4 =	vadd.f32 v4, v9;
	v0 =	vmax.f32 v0, $1.000000000e+00  }
0x12d: {  	v5 =	vadd.f32 v61, v5;
	(erf) = vrcp.f32 v0  }
0x12e: {  	v0 =	vadd.f32 v8, v4  }
0x12f: {  	v63 =	vmax.f32 v5, $1.000000000e+00  }
0x130: {  	(erf) = vrcp.f32 v63;
	v0 =	vadd.f32 v62, v0;
	_ =	sdelay $0x1  }
0x131: {  	v0 =	vmax.f32 v0, $1.000000000e+00  }
0x132: {  	(erf) = vrcp.f32 v0;
	_ =	sdelay $0x2  }
0x133: {  	v0 =	vpop (erf)  }
0x134: {  	[tilespmem:s30+$0xFFFFFFE0] =	vst v0;
	v0 =	vmul.f32 v0, v3  }
0x135: {  	[tilespmem:s10+$0xFFFFFFE0] =	vst v3  }
0x136: {  	v3 =	vpop (erf);
	[tilespmem:s11+$0xFFFFFFE0] =	vst v0  }
0x137: {  	v0 =	vmul.f32 v3, v2;
	[tilespmem:s30+$0xFFFFFFF0] =	vst v3  }
0x138: {  	[tilespmem:s10+$0xFFFFFFF0] =	vst v2  }
0x139: {  	v2 =	vpop (erf);
	[tilespmem:s11+$0xFFFFFFF0] =	vst v0  }
0x13a: {  	v0 =	vmul.f32 v2, v1;
	[tilespmem:s30+$0x0] =	vst v2  }
0x13b: {  	[tilespmem:s10+$0x0] =	vst v1  }
0x13c: {  	[tilespmem:s11+$0x0] =	vst v0  }
0x13d: {  	s1 =	sld [smem:$0x7FC];
	_ =	sdelay $0x1  }
0x13e: {  	s0 =	simm.s32 $0x16D00;
	s29 =	simm.s32 $0x2  }
0x13f: {  	[spmem:s1] =	stream.linear.scatter [tilespmem:s0], [sflag:$0x2], $0x280, $0x38;
	[tilespmem:$0x19A00] =	vst v63  }
0x140: {  	_ =	swait.ge [sflag:s29], $0x280  }
0x141: {  	[sflag:s29] =	ssyncset.done $0x0  }
0x142: {  	[sflag:s29] =	ssyncadd.s32 $0xFFFFFD80  }
0x143: {  	s30 =	simm.s32 $0xF000;
	[bflag:$0x0] =	sbarrier.arrive $0xFFFF  }
0x144: {  	s0 =	simm.s32 $0x0;
	s1 =	simm.s32 $0x200;
	s31 =	rddreg [dreg:$0x3]  }
0x145: {  	v0 =	vimm.f32 $0.0e+00;
	[tilespmem:s30], [sflag:$0x1] =	stream.linear.gather [spmem:s31], $0x2800, $0x38;
	[tilespmem:$0x19A00] =	vst v63  }
.LBB2_7:
0x146: {  	p0 =	sne.s32 s1, $0x9E00;
	[tilespmem:s0+$0x11870] =	vst v0  }
0x147: {  	[tilespmem:s0+$0x11800] =	vst v0  }
0x148: {  	[tilespmem:s0+$0x11810] =	vst v0  }
.Ltmp4:
0x149: {  	[tilespmem:s0+$0x11820] =	vst v0;
	(pc) =	sbr.rel @p0 .LBB2_7-.Ltmp4, $4  }
0x14a: {  	[tilespmem:s0+$0x11830] =	vst v0  }
0x14b: {  	[tilespmem:s0+$0x11840] =	vst v0  }
0x14c: {  	[tilespmem:s0+$0x11850] =	vst v0  }
0x14d: {  	[tilespmem:s0+$0x11860] =	vst v0;
	s0 =	sshra.s32 s1, $0x2;
	s1 =	sadd.s32 $0x200, s1  }
0x14e: {  	[tilespmem:s0+$0x11870] =	vst v0  }
0x14f: {  	[tilespmem:s0+$0x11800] =	vst v0  }
0x150: {  	[tilespmem:s0+$0x11810] =	vst v0  }
0x151: {  	[tilespmem:s0+$0x11820] =	vst v0  }
0x152: {  	[tilespmem:s0+$0x11830] =	vst v0  }
0x153: {  	[tilespmem:s0+$0x11840] =	vst v0  }
0x154: {  	[tilespmem:s0+$0x11850] =	vst v0  }
0x155: {  	[tilespmem:s0+$0x11860] =	vst v0;
	s31 =	simm.s32 $0x1  }
0x156: {  	_ =	swait.ge [sflag:s31], $0x2800  }
0x157: {  	[sflag:s31] =	ssyncset.done $0x0  }
0x158: {  	s10 =	simm.s32 $0xA080;
	[sflag:s31] =	ssyncadd.s32 $0xFFFFD800  }
0x159: {  	v14 =	vld [tilespmem:s10+$0xFFFFFF90]  }
0x15a: {  	v1 =	vld [tilespmem:s10+$0x0]  }
0x15b: {  	v3 =	vld [tilespmem:s10+$0x10]  }
0x15c: {  	v2 =	vld [tilespmem:s10+$0xFFFFFF80]  }
0x15d: {  	v4 =	vld [tilespmem:s10+$0x70]  }
0x15e: {  	v9 =	vld [tilespmem:s10+$0xFFFFFFA0]  }
0x15f: {  	v11 =	vld [tilespmem:s10+$0xFFFFFFB0]  }
0x160: {  	v0 =	vld [tilespmem:s10+$0xFFFFFFC0]  }
0x161: {  	v6 =	vld [tilespmem:s10+$0x60]  }
0x162: {  	v12 =	vld [tilespmem:s10+$0x30]  }
0x163: {  	v7 =	vld [tilespmem:s10+$0x50];
	v5 =	vshrl.u32 v2, $0x10  }
0x164: {  	v10 =	vld [tilespmem:s10+$0x40]  }
0x165: {  	v13 =	vld [tilespmem:s10+$0x20];
	v8 =	vshrl.u32 v4, $0x10  }
0x166: {  	v17 =	vld [tilespmem:s10+$0xFFFFFFF0];
	v15 =	vshrl.u32 v6, $0x10  }
0x167: {  	s9 =	simm.s32 $0xF000;
	v18 =	vld [tilespmem:s10+$0xFFFFFFE0];
	v22 =	vshrl.u32 v12, $0x10  }
0x168: {  	v2 =	vand.u32 $0xFFFF, v2;
	v5 =	vld.idx.msk [tilespmem:v5+s9+$0x0], $0xffff  }
0x169: {  	v19 =	vld [tilespmem:s10+$0xFFFFFFD0];
	v16 =	vshrl.u32 v7, $0x10  }
0x16a: {  	v4 =	vand.u32 $0xFFFF, v4;
	v8 =	vld.idx.msk [tilespmem:v8+s9+$0x0], $0xffff  }
0x16b: {  	v20 =	vshrl.u32 v13, $0x10;
	v15 =	vld.idx.msk [tilespmem:v15+s9+$0x0], $0xffff  }
0x16c: {  	s8 =	simm.s32 $0x11800;
	v21 =	vshrl.u32 v10, $0x10;
	v60 =	vld.idx.msk [tilespmem:v22+s9+$0x0], $0xffff  }
0x16d: {  	s0 =	sld [smem:$0x7F9];
	[tilespmem:v2+s8+$0x0] =	vst.idx.add.f32.msk $0xffff, v5;
	v2 =	vand.u32 $0xFFFF, v6  }
0x16e: {  	v5 =	vld.idx.msk [tilespmem:v16+s9+$0x0], $0xffff;
	v6 =	vshrl.u32 v1, $0x10  }
0x16f: {  	[tilespmem:v4+s8+$0x0] =	vst.idx.add.f32.msk $0xffff, v8;
	v4 =	vand.u32 $0xFFFF, v7  }
0x170: {  	v7 =	vld.idx.msk [tilespmem:v20+s9+$0x0], $0xffff;
	v8 =	vshrl.u32 v3, $0x10  }
0x171: {  	v10 =	vand.u32 $0xFFFF, v10;
	v16 =	vld.idx.msk [tilespmem:v21+s9+$0x0], $0xffff  }
0x172: {  	v61 =	vshrl.u32 v17, $0x10;
	[tilespmem:v2+s8+$0x0] =	vst.idx.add.f32.msk $0xffff, v15  }
0x173: {  	v2 =	vshrl.u32 v19, $0x10;
	v62 =	vld.idx.msk [tilespmem:v6+s9+$0x0], $0xffff  }
0x174: {  	v6 =	vand.u32 $0xFFFF, v13;
	[tilespmem:v4+s8+$0x0] =	vst.idx.add.f32.msk $0xffff, v5  }
0x175: {  	v13 =	vand.u32 $0xFFFF, v12;
	v12 =	vld.idx.msk [tilespmem:v8+s9+$0x0], $0xffff  }
0x176: {  	v8 =	vshrl.u32 v18, $0x10;
	[tilespmem:v10+s8+$0x0] =	vst.idx.add.f32.msk $0xffff, v16  }
0x177: {  	v16 =	vshrl.u32 v0, $0x10;
	v4 =	vld.idx.msk [tilespmem:v61+s9+$0x0], $0xffff  }
0x178: {  	p0 =	sgt.u32 s0, $0x10;
	v63 =	vand.u32 $0xFFFF, v1;
	v5 =	vld.idx.msk [tilespmem:v2+s9+$0x0], $0xffff  }
.Ltmp5:
0x179: {  	[tilespmem:v6+s8+$0x0] =	vst.idx.add.f32.msk $0xffff, v7;
	v6 =	vand.u32 $0xFFFF, v3;
	(pc) =	sbr.rel @!p0 .LBB2_10-.Ltmp5, $4  }
0x17a: {  	[tilespmem:v13+s8+$0x0] =	vst.idx.add.f32.msk $0xffff, v60;
	v2 =	vshrl.u32 v11, $0x10  }
0x17b: {  	v1 =	vand.u32 $0xFFFF, v18;
	v10 =	vshrl.u32 v14, $0x10;
	v15 =	vld.idx.msk [tilespmem:v8+s9+$0x0], $0xffff  }
0x17c: {  	v14 =	vand.u32 $0xFFFF, v14;
	v3 =	vshrl.u32 v9, $0x10;
	v7 =	vand.u32 $0xFFFF, v17;
	v13 =	vld.idx.msk [tilespmem:v16+s9+$0x0], $0xffff  }
0x17d: {  	s11 =	simm.s32 $0x10;
	v8 =	vand.u32 $0xFFFF, v19;
	v11 =	vand.u32 $0xFFFF, v11;
	v9 =	vand.u32 $0xFFFF, v9;
	[tilespmem:v63+s8+$0x0] =	vst.idx.add.f32.msk $0xffff, v62  }
.LBB2_9:
0x17e: {  	s11 =	sadd.s32 $0x10, s11;
	[tilespmem:v6+s8+$0x0] =	vst.idx.add.f32.msk $0xffff, v12;
	s10 =	sadd.s32 $0x100, s10  }
0x17f: {  	p0 =	slt.u32 s11, s0;
	v2 =	vld.idx.msk [tilespmem:v2+s9+$0x0], $0xffff  }
0x180: {  	v6 =	vld.idx.msk [tilespmem:v10+s9+$0x0], $0xffff  }
0x181: {  	v3 =	vld.idx.msk [tilespmem:v3+s9+$0x0], $0xffff  }
0x182: {  	v0 =	vand.u32 $0xFFFF, v0;
	[tilespmem:v7+s8+$0x0] =	vst.idx.add.f32.msk $0xffff, v4  }
0x183: {  	[tilespmem:v8+s8+$0x0] =	vst.idx.add.f32.msk $0xffff, v5  }
0x184: {  	[tilespmem:v1+s8+$0x0] =	vst.idx.add.f32.msk $0xffff, v15  }
0x185: {  	[tilespmem:v11+s8+$0x0] =	vst.idx.add.f32.msk $0xffff, v2  }
0x186: {  	[tilespmem:v14+s8+$0x0] =	vst.idx.add.f32.msk $0xffff, v6  }
0x187: {  	[tilespmem:v9+s8+$0x0] =	vst.idx.add.f32.msk $0xffff, v3  }
0x188: {  	[tilespmem:v0+s8+$0x0] =	vst.idx.add.f32.msk $0xffff, v13  }
0x189: {  	v13 =	vld [tilespmem:s10+$0xFFFFFF90]  }
0x18a: {  	v4 =	vld [tilespmem:s10+$0x0]  }
0x18b: {  	v3 =	vld [tilespmem:s10+$0x10]  }
0x18c: {  	v1 =	vld [tilespmem:s10+$0xFFFFFF80]  }
0x18d: {  	v2 =	vld [tilespmem:s10+$0x70]  }
0x18e: {  	v5 =	vld [tilespmem:s10+$0xFFFFFFA0]  }
0x18f: {  	v9 =	vld [tilespmem:s10+$0xFFFFFFB0]  }
0x190: {  	v0 =	vld [tilespmem:s10+$0xFFFFFFC0]  }
0x191: {  	v6 =	vshrl.u32 v1, $0x10;
	v7 =	vld [tilespmem:s10+$0x60]  }
0x192: {  	v8 =	vld [tilespmem:s10+$0x50];
	v10 =	vshrl.u32 v2, $0x10  }
0x193: {  	v11 =	vld [tilespmem:s10+$0x40]  }
0x194: {  	v12 =	vld [tilespmem:s10+$0x30]  }
0x195: {  	v14 =	vld [tilespmem:s10+$0x20]  }
0x196: {  	v6 =	vld.idx.msk [tilespmem:v6+s9+$0x0], $0xffff;
	v15 =	vshrl.u32 v7, $0x10  }
0x197: {  	v1 =	vand.u32 $0xFFFF, v1;
	v16 =	vshrl.u32 v8, $0x10;
	v10 =	vld.idx.msk [tilespmem:v10+s9+$0x0], $0xffff  }
0x198: {  	v2 =	vand.u32 $0xFFFF, v2;
	v17 =	vld [tilespmem:s10+$0xFFFFFFF0];
	v18 =	vshrl.u32 v11, $0x10  }
0x199: {  	v19 =	vld [tilespmem:s10+$0xFFFFFFE0]  }
0x19a: {  	v20 =	vld [tilespmem:s10+$0xFFFFFFD0];
	v21 =	vshrl.u32 v14, $0x10;
	v22 =	vand.u32 $0xFFFF, v14  }
0x19b: {  	v23 =	vshrl.u32 v12, $0x10;
	v14 =	vshrl.u32 v3, $0x10;
	v15 =	vld.idx.msk [tilespmem:v15+s9+$0x0], $0xffff  }
0x19c: {  	v24 =	vshrl.u32 v4, $0x10;
	v7 =	vand.u32 $0xFFFF, v7;
	[tilespmem:v1+s8+$0x0] =	vst.idx.add.f32.msk $0xffff, v6  }
0x19d: {  	v8 =	vand.u32 $0xFFFF, v8;
	v25 =	vshrl.u32 v17, $0x10;
	v16 =	vld.idx.msk [tilespmem:v16+s9+$0x0], $0xffff  }
0x19e: {  	v11 =	vand.u32 $0xFFFF, v11;
	v26 =	vshrl.u32 v19, $0x10;
	v1 =	vand.u32 $0xFFFF, v19;
	[tilespmem:v2+s8+$0x0] =	vst.idx.add.f32.msk $0xffff, v10  }
0x19f: {  	v19 =	vshrl.u32 v20, $0x10;
	v21 =	vld.idx.msk [tilespmem:v21+s9+$0x0], $0xffff  }
0x1a0: {  	v27 =	vshrl.u32 v0, $0x10;
	v18 =	vld.idx.msk [tilespmem:v18+s9+$0x0], $0xffff  }
0x1a1: {  	v6 =	vand.u32 $0xFFFF, v3;
	v2 =	vshrl.u32 v9, $0x10;
	v23 =	vld.idx.msk [tilespmem:v23+s9+$0x0], $0xffff  }
0x1a2: {  	v28 =	vand.u32 $0xFFFF, v4;
	v3 =	vshrl.u32 v5, $0x10;
	[tilespmem:v7+s8+$0x0] =	vst.idx.add.f32.msk $0xffff, v15  }
0x1a3: {  	v10 =	vshrl.u32 v13, $0x10;
	v24 =	vld.idx.msk [tilespmem:v24+s9+$0x0], $0xffff  }
0x1a4: {  	v7 =	vand.u32 $0xFFFF, v17;
	v15 =	vand.u32 $0xFFFF, v12;
	[tilespmem:v8+s8+$0x0] =	vst.idx.add.f32.msk $0xffff, v16  }
0x1a5: {  	v8 =	vand.u32 $0xFFFF, v20;
	v12 =	vld.idx.msk [tilespmem:v14+s9+$0x0], $0xffff  }
0x1a6: {  	[tilespmem:v11+s8+$0x0] =	vst.idx.add.f32.msk $0xffff, v18  }
0x1a7: {  	v11 =	vand.u32 $0xFFFF, v9;
	v4 =	vld.idx.msk [tilespmem:v25+s9+$0x0], $0xffff  }
0x1a8: {  	v9 =	vand.u32 $0xFFFF, v5;
	v5 =	vld.idx.msk [tilespmem:v19+s9+$0x0], $0xffff  }
.Ltmp6:
0x1a9: {  	v14 =	vand.u32 $0xFFFF, v13;
	[tilespmem:v22+s8+$0x0] =	vst.idx.add.f32.msk $0xffff, v21;
	(pc) =	sbr.rel @p0 .LBB2_9-.Ltmp6, $4  }
0x1aa: {  	[tilespmem:v15+s8+$0x0] =	vst.idx.add.f32.msk $0xffff, v23  }
0x1ab: {  	v15 =	vld.idx.msk [tilespmem:v26+s9+$0x0], $0xffff  }
0x1ac: {  	v13 =	vld.idx.msk [tilespmem:v27+s9+$0x0], $0xffff  }
0x1ad: {  	[tilespmem:v28+s8+$0x0] =	vst.idx.add.f32.msk $0xffff, v24  }
.LBB2_10:
0x1ae: {  	_ =	sdelay $0x3  }
0x1af: {  	[tilespmem:v6+s8+$0x0] =	vst.idx.add.f32.msk $0xffff, v12  }
0x1b0: {  	v2 =	vld.idx.msk [tilespmem:v2+s9+$0x0], $0xffff  }
0x1b1: {  	v6 =	vld.idx.msk [tilespmem:v10+s9+$0x0], $0xffff  }
0x1b2: {  	v3 =	vld.idx.msk [tilespmem:v3+s9+$0x0], $0xffff  }
0x1b3: {  	[tilespmem:v7+s8+$0x0] =	vst.idx.add.f32.msk $0xffff, v4  }
0x1b4: {  	v0 =	vand.u32 $0xFFFF, v0;
	[tilespmem:v8+s8+$0x0] =	vst.idx.add.f32.msk $0xffff, v5  }
0x1b5: {  	[tilespmem:v1+s8+$0x0] =	vst.idx.add.f32.msk $0xffff, v15  }
0x1b6: {  	[tilespmem:v11+s8+$0x0] =	vst.idx.add.f32.msk $0xffff, v2  }
0x1b7: {  	[tilespmem:v14+s8+$0x0] =	vst.idx.add.f32.msk $0xffff, v6  }
0x1b8: {  	[tilespmem:v9+s8+$0x0] =	vst.idx.add.f32.msk $0xffff, v3  }
0x1b9: {  	[tilespmem:v0+s8+$0x0] =	vst.idx.add.f32.msk $0xffff, v13  }
0x1ba: {  	s3 =	sld [smem:$0x7FA]  }
0x1bb: {  	s0 =	simm.s32 $0x80  }
0x1bc: {  	s1 =	simm.s32 $0x400;
	s2 =	simm.s32 $0x11800;
	s26 =	simm.s32 $0x2  }
0x1bd: {  	[spmem:s3] =	stream.strided.scatter [tilespmem:s2], [sflag:$0x2], $0x2800, s1, s0, $0x38;
	[tilespmem:$0x19A00] =	vst v63  }
0x1be: {  	_ =	swait.ge [sflag:s26], $0x2800  }
0x1bf: {  	[sflag:s26] =	ssyncset.done $0x0  }
0x1c0: {  	[sflag:s26] =	ssyncadd.s32 $0xFFFFD800  }
0x1c1: {  	[bflag:$0x0] =	sbarrier.arrive $0xFFFF  }
0x1c2: {  	s31 =	sld [smem:$0x7FB];
	_ =	sdelay $0x1  }
0x1c3: {  	s29 =	simm.s32 $0x1400;
	s30 =	simm.s32 $0x14000;
	s8 =	simm.s32 $0x0  }
0x1c4: {  	[tilespmem:s30], [sflag:$0x2] =	stream.strided.gather [spmem:s31], $0x2800, s30, s29, $0x38;
	[tilespmem:$0x19A00] =	vst v63  }
0x1c5: {  	s4 =	simm.s32 $0x1;
	s0 =	sand.u32 $0x1C00, s8;
	_ =	swait.ge [sflag:s26], $0x2800  }
0x1c6: {  	s10 =	sand.u32 $0x40, s8;
	s5 =	sor.u32 $0x14000, s0;
	[sflag:s26] =	ssyncset.done $0x0  }
0x1c7: {  	s6 =	sor.u32 s10, s5;
	[dreg:$0x5] =	wrdreg s4;
	[sflag:s26] =	ssyncadd.s32 $0xFFFFD800  }
0x1c8: {  	s12 =	sor.u32 $0x10, s10;
	v0 =	vld [tilespmem:s6+$0x0]  }
0x1c9: {  	s11 =	sor.u32 s12, s5;
	v1 =	vld [tilespmem:s6+$0x80]  }
0x1ca: {  	v2 =	vld [tilespmem:s11+$0x0]  }
0x1cb: {  	v3 =	vld [tilespmem:s6+$0x100]  }
0x1cc: {  	s13 =	sor.u32 $0x20, s10;
	v4 =	vld [tilespmem:s11+$0x80]  }
0x1cd: {  	s15 =	sor.u32 s13, s5;
	v5 =	vld [tilespmem:s6+$0x180]  }
0x1ce: {  	s14 =	sor.u32 $0x30, s10;
	v6 =	vld [tilespmem:s15+$0x0]  }
0x1cf: {  	s1 =	sor.u32 s14, s5;
	v8 =	vld [tilespmem:s15+$0x80]  }
0x1d0: {  	s18 =	sor.u32 s8, s8;
	v39 =	vld [tilespmem:s1+$0x0]  }
0x1d1: {  	s2 =	sor.u32 $0x380, s18;
	v41 =	vld [tilespmem:s1+$0x80]  }
0x1d2: {  	v42 =	vld [tilespmem:s2+$0x14000]  }
0x1d3: {  	v43 =	vld [tilespmem:s11+$0x100]  }
0x1d4: {  	s5 =	sadd.s32 $0x15500, s0;
	v16 =	vld [tilespmem:s15+$0x100]  }
0x1d5: {  	s23 =	sor.u32 s10, s5;
	v18 =	vld [tilespmem:s1+$0x100]  }
0x1d6: {  	s4 =	sadd.s32 $0x15580, s0;
	v19 =	vld [tilespmem:s23+$0x0]  }
0x1d7: {  	s24 =	sor.u32 s10, s4;
	v20 =	vld [tilespmem:s11+$0x180]  }
0x1d8: {  	v21 =	vld [tilespmem:s24+$0x0]  }
0x1d9: {  	p0 =	por $0x0, $0x0;
	v22 =	vld [tilespmem:s15+$0x180]  }
0x1da: {  	s3 =	rddreg [dreg:$0x5];
	s6 =	sadd.s32 $0x15480, s0;
	v24 =	vld [tilespmem:s1+$0x180];
	s15 =	sor.u32 s12, s5  }
0x1db: {  	s3 =	simm.s32 @!p0 $0x0;
	s1 =	sadd.s32 $0x15700, s0;
	s22 =	sor.u32 s10, s6;
	v53 =	vld [tilespmem:s15+$0x0]  }
0x1dc: {  	s3 =	sshll.u32 s3, $0x6;
	s31 =	sor.u32 s10, s1;
	v17 =	vld [tilespmem:s22+$0x0]  }
0x1dd: {  	s16 =	sadd.s32 $0x0, s3;
	s11 =	sor.u32 s13, s6;
	v26 =	vld [tilespmem:s31+$0x0]  }
0x1de: {  	s7 =	sor.u32 $0x200, s16;
	v51 =	vld [tilespmem:s11+$0x0]  }
0x1df: {  	s9 =	sor.u32 $0x280, s16;
	v7 =	vld [tilespmem:s7+$0x14000]  }
0x1e0: {  	s3 =	sadd.s32 $0x15600, s0;
	s17 =	sor.u32 $0x300, s16;
	v38 =	vld [tilespmem:s9+$0x14000]  }
0x1e1: {  	s25 =	sor.u32 s10, s3;
	s26 =	sadd.s32 $0x10, s16;
	v40 =	vld [tilespmem:s17+$0x14000];
	v0 =	vadd.f32 v1, v0  }
0x1e2: {  	v23 =	vld [tilespmem:s25+$0x0];
	s17 =	sor.u32 $0x200, s26  }
0x1e3: {  	s30 =	sadd.s32 $0x20, s16;
	s16 =	sadd.s32 $0x30, s16;
	s18 =	sor.u32 $0x280, s26;
	v25 =	vld [tilespmem:s17+$0x14000];
	v0 =	vadd.f32 v3, v0  }
0x1e4: {  	s22 =	sor.u32 $0x280, s16;
	v28 =	vld [tilespmem:s18+$0x14000]  }
0x1e5: {  	s23 =	sor.u32 $0x300, s26;
	v29 =	vld [tilespmem:s22+$0x14000];
	v0 =	vadd.f32 v5, v0  }
0x1e6: {  	s24 =	sor.u32 $0x300, s30;
	v45 =	vld [tilespmem:s23+$0x14000]  }
0x1e7: {  	s25 =	sor.u32 $0x300, s16;
	v30 =	vld [tilespmem:s24+$0x14000];
	v0 =	vadd.f32 v7, v0  }
0x1e8: {  	s7 =	sadd.s32 $0x15400, s0;
	s26 =	sor.u32 $0x380, s26;
	v46 =	vld [tilespmem:s25+$0x14000]  }
0x1e9: {  	s2 =	sadd.s32 $0x15680, s0;
	s19 =	sor.u32 s10, s7;
	v31 =	vld [tilespmem:s26+$0x14000];
	v0 =	vadd.f32 v38, v0  }
0x1ea: {  	s29 =	sor.u32 s10, s2;
	s0 =	sadd.s32 $0x15780, s0;
	v44 =	vld [tilespmem:s19+$0x0]  }
0x1eb: {  	s10 =	sor.u32 s10, s0;
	v1 =	vld [tilespmem:s29+$0x0];
	v0 =	vadd.f32 v40, v0  }
0x1ec: {  	s31 =	sor.u32 s12, s7;
	v27 =	vld [tilespmem:s10+$0x0]  }
0x1ed: {  	s22 =	sor.u32 s13, s3;
	v2 =	vadd.f32 v4, v2;
	v4 =	vld [tilespmem:s31+$0x0];
	v0 =	vadd.f32 v42, v0  }
0x1ee: {  	s24 =	sor.u32 s13, s2;
	v57 =	vld [tilespmem:s22+$0x0]  }
0x1ef: {  	s23 =	sor.u32 s12, s2;
	s2 =	sor.u32 s14, s2;
	v58 =	vld [tilespmem:s24+$0x0];
	v0 =	vadd.f32 v44, v0  }
0x1f0: {  	s17 =	sor.u32 $0x200, s16;
	v6 =	vadd.f32 v8, v6;
	v8 =	vadd.f32 v41, v39;
	v59 =	vld [tilespmem:s2+$0x0]  }
0x1f1: {  	s9 =	sor.u32 $0x200, s30;
	v5 =	vld [tilespmem:s17+$0x14000];
	v0 =	vadd.f32 v17, v0  }
0x1f2: {  	s25 =	sor.u32 s12, s1;
	v3 =	vld [tilespmem:s9+$0x14000];
	v2 =	vadd.f32 v43, v2;
	v8 =	vadd.f32 v18, v8  }
0x1f3: {  	s19 =	sor.u32 $0x280, s30;
	v60 =	vld [tilespmem:s25+$0x0];
	v6 =	vadd.f32 v16, v6;
	v0 =	vadd.f32 v19, v0  }
0x1f4: {  	s29 =	sor.u32 $0x380, s30;
	v2 =	vadd.f32 v20, v2;
	v8 =	vadd.f32 v24, v8;
	v7 =	vld [tilespmem:s19+$0x14000]  }
0x1f5: {  	s30 =	sor.u32 $0x380, s16;
	v47 =	vld [tilespmem:s29+$0x14000];
	v6 =	vadd.f32 v22, v6;
	v0 =	vadd.f32 v21, v0  }
0x1f6: {  	s10 =	sor.u32 s12, s6;
	v32 =	vld [tilespmem:s30+$0x14000];
	v2 =	vadd.f32 v25, v2;
	v5 =	vadd.f32 v5, v8  }
0x1f7: {  	s6 =	sor.u32 s14, s6;
	v50 =	vld [tilespmem:s10+$0x0];
	v3 =	vadd.f32 v3, v6;
	v0 =	vadd.f32 v23, v0  }
0x1f8: {  	v52 =	vld [tilespmem:s6+$0x0];
	s9 =	sor.u32 s13, s7;
	v2 =	vadd.f32 v28, v2;
	v5 =	vadd.f32 v29, v5  }
0x1f9: {  	s7 =	sor.u32 s14, s7;
	v48 =	vld [tilespmem:s9+$0x0];
	v0 =	vadd.f32 v1, v0;
	v1 =	vadd.f32 v7, v3  }
0x1fa: {  	s28 =	simm.s32 $0x16800;
	v49 =	vld [tilespmem:s7+$0x0];
	v2 =	vadd.f32 v45, v2  }
0x1fb: {  	s16 =	sor.u32 s13, s5;
	v5 =	vadd.f32 v46, v5;
	v7 =	vld [tilespmem:s28+$0x0];
	v1 =	vadd.f32 v30, v1  }
0x1fc: {  	s18 =	sor.u32 s13, s4;
	v54 =	vld [tilespmem:s16+$0x0];
	s17 =	sor.u32 s12, s4;
	s4 =	sor.u32 s14, s4;
	v2 =	vadd.f32 v31, v2;
	v0 =	vadd.f32 v26, v0  }
0x1fd: {  	s5 =	sor.u32 s14, s5;
	v55 =	vld [tilespmem:s4+$0x0];
	v5 =	vadd.f32 v32, v5;
	v1 =	vadd.f32 v47, v1  }
0x1fe: {  	v6 =	vld [tilespmem:s5+$0x0];
	v2 =	vadd.f32 v4, v2;
	v0 =	vadd.f32 v27, v0  }
0x1ff: {  	v5 =	vadd.f32 v49, v5;
	v3 =	vld [tilespmem:s17+$0x0];
	v1 =	vadd.f32 v48, v1  }
0x200: {  	s19 =	sor.u32 s12, s3;
	v8 =	vld [tilespmem:s18+$0x0];
	v2 =	vadd.f32 v50, v2;
	v0 =	vadd.f32 v0, v7  }
0x201: {  	s3 =	sor.u32 s14, s3;
	v56 =	vld [tilespmem:s19+$0x0];
	v5 =	vadd.f32 v52, v5;
	v1 =	vadd.f32 v51, v1  }
0x202: {  	v4 =	vld [tilespmem:s3+$0x0];
	v2 =	vadd.f32 v53, v2;
	v0 =	vmul.f32 $5.000000000e-01, v0  }
0x203: {  	s26 =	sor.u32 s13, s1;
	v5 =	vadd.f32 v6, v5;
	v7 =	vld [tilespmem:s23+$0x0];
	v1 =	vadd.f32 v54, v1  }
0x204: {  	s20 =	simm.s32 $0x16A80;
	v61 =	vld [tilespmem:s26+$0x0];
	v2 =	vadd.f32 v3, v2;
	[tilespmem:s28+$0x0] =	vst v0  }
0x205: {  	s1 =	sor.u32 s14, s1;
	v3 =	vadd.f32 v55, v5;
	v6 =	vld [tilespmem:s20+$0x0];
	v1 =	vadd.f32 v8, v1  }
0x206: {  	s29 =	sor.u32 s12, s0;
	v5 =	vld [tilespmem:s1+$0x0];
	v2 =	vadd.f32 v56, v2  }
0x207: {  	s31 =	sand.u32 $0x380, s8;
	s30 =	sor.u32 s13, s0;
	s0 =	sor.u32 s14, s0;
	v4 =	vadd.f32 v4, v3;
	v8 =	vld [tilespmem:s29+$0x0];
	v1 =	vadd.f32 v57, v1  }
0x208: {  	s12 =	sor.u32 s31, s12;
	v3 =	vld [tilespmem:s0+$0x0];
	v7 =	vadd.f32 v7, v2  }
0x209: {  	v62 =	vadd.f32 v59, v4;
	v4 =	vld [tilespmem:s12+$0x16800];
	v1 =	vadd.f32 v58, v1  }
0x20a: {  	s16 =	sor.u32 s31, s13;
	v2 =	vld [tilespmem:s30+$0x0];
	v63 =	vadd.f32 v60, v7;
	v6 =	vmul.f32 v0, v6  }
0x20b: {  	s21 =	simm.s32 $0x16D00;
	s14 =	sor.u32 s31, s14;
	v0 =	vld [tilespmem:s16+$0x16800];
	v7 =	vadd.f32 v61, v1  }
0x20c: {  	s15 =	simm.s32 $0x200;
	s13 =	simm.s32 $0x0;
	[tilespmem:s21+$0x0] =	vst v6;
	v6 =	vadd.f32 v5, v62;
	v5 =	vadd.f32 v8, v63;
	v1 =	vld [tilespmem:s14+$0x16800]  }
.LBB2_11:
0x20d: {  	s18 =	sand.u32 $0x1C00, s15;
	s8 =	sadd.s32 $0x40, s8  }
0x20e: {  	s17 =	sand.u32 $0x40, s8;
	s1 =	sor.u32 $0x14000, s18  }
0x20f: {  	v8 =	vld [tilespmem:s12+$0x16A80];
	s2 =	sor.u32 s17, s1  }
0x210: {  	[dreg:$0xb] =	wrdreg s21;
	v9 =	vld [tilespmem:s2+$0x100];
	v2 =	vadd.f32 v2, v7  }
0x211: {  	[dreg:$0x9] =	wrdreg s20;
	v7 =	vld [tilespmem:s16+$0x16A80];
	v4 =	vadd.f32 v5, v4  }
0x212: {  	s3 =	rddreg [dreg:$0x5];
	p0 =	por !p0, !p0;
	v3 =	vadd.f32 v3, v6;
	v5 =	vld [tilespmem:s14+$0x16A80];
	v0 =	vadd.f32 v2, v0  }
0x213: {  	s30 =	sand.u32 $0x380, s8;
	s3 =	simm.s32 @!p0 $0x0;
	s19 =	sor.u32 $0x10, s17;
	v6 =	vld [tilespmem:s2+$0x0];
	v4 =	vmul.f32 $5.000000000e-01, v4  }
0x214: {  	s21 =	sor.u32 $0x20, s17;
	s20 =	sor.u32 $0x30, s17;
	s0 =	sor.u32 s19, s1;
	v2 =	vld [tilespmem:s2+$0x80];
	v1 =	vadd.f32 v3, v1;
	v0 =	vmul.f32 $5.000000000e-01, v0  }
0x215: {  	s3 =	sshll.u32 s3, $0x6;
	s26 =	sor.u32 s21, s1;
	s22 =	sor.u32 s20, s1;
	v3 =	vld [tilespmem:s0+$0x0];
	[tilespmem:s12+$0x16800] =	vst v4;
	v4 =	vmul.f32 v4, v8  }
0x216: {  	s4 =	sor.u32 s30, s19;
	s5 =	sor.u32 s30, s21;
	s31 =	sadd.s32 s3, s15;
	v1 =	vmul.f32 $5.000000000e-01, v1;
	v8 =	vld [tilespmem:s0+$0x80];
	[tilespmem:s16+$0x16800] =	vst v0  }
0x217: {  	s6 =	sor.u32 s30, s20;
	s23 =	sor.u32 $0x200, s31;
	s24 =	sor.u32 $0x280, s31;
	v0 =	vmul.f32 v0, v7;
	v7 =	vld [tilespmem:s2+$0x180];
	[tilespmem:s12+$0x16D00] =	vst v4  }
0x218: {  	s7 =	sadd.s32 $0x10, s31;
	s10 =	sadd.s32 $0x20, s31;
	s11 =	sadd.s32 $0x30, s31;
	v4 =	vmul.f32 v1, v5;
	[tilespmem:s14+$0x16800] =	vst v1;
	v1 =	vld [tilespmem:s24+$0x14000]  }
0x219: {  	s1 =	sor.u32 $0x200, s7;
	s25 =	sor.u32 $0x280, s7;
	s9 =	sor.u32 $0x300, s7;
	v2 =	vadd.f32 v2, v6;
	v5 =	vld [tilespmem:s26+$0x0]  }
0x21a: {  	[smem:$0x7EE] =	sst s25;
	s2 =	sor.u32 $0x300, s31;
	s31 =	sor.u32 $0x300, s11;
	[tilespmem:s16+$0x16D00] =	vst v0;
	v0 =	vld [tilespmem:s23+$0x14000]  }
0x21b: {  	s7 =	sor.u32 $0x380, s7;
	[smem:$0x7F1] =	sst s31;
	s31 =	sadd.s32 $0x15480, s18;
	[tilespmem:s14+$0x16D00] =	vst v4;
	v2 =	vadd.f32 v9, v2;
	v4 =	vld [tilespmem:s26+$0x80]  }
0x21c: {  	s3 =	sor.u32 $0x200, s11;
	[smem:$0x7F2] =	sst s7;
	s7 =	sor.u32 s17, s31;
	v6 =	vld [tilespmem:s22+$0x0]  }
0x21d: {  	s29 =	sor.u32 $0x280, s11;
	[dreg:$0x1c] =	wrdreg s9;
	s9 =	sor.u32 s15, s8;
	v58 =	vld [tilespmem:s7+$0x0];
	v2 =	vadd.f32 v7, v2  }
0x21e: {  	s30 =	sor.u32 $0x300, s10;
	[smem:$0x7EF] =	sst s29;
	v7 =	vld [tilespmem:s2+$0x14000];
	s2 =	sor.u32 $0x380, s9  }
0x21f: {  	[smem:$0x7F0] =	sst s30;
	s12 =	smov.u32 s4;
	s24 =	sadd.s32 $0x15400, s18;
	v3 =	vadd.f32 v8, v3;
	v8 =	vld [tilespmem:s2+$0x14000];
	v0 =	vadd.f32 v0, v2  }
0x220: {  	s4 =	sor.u32 $0x200, s10;
	s25 =	sor.u32 s17, s24;
	s29 =	sor.u32 s19, s24;
	v2 =	vld [tilespmem:s22+$0x80]  }
0x221: {  	s30 =	sor.u32 s21, s24;
	s7 =	sadd.s32 $0x15600, s18;
	s9 =	sor.u32 s21, s31;
	v4 =	vadd.f32 v4, v5;
	v5 =	vld [tilespmem:s25+$0x0];
	v0 =	vadd.f32 v1, v0  }
0x222: {  	s23 =	sor.u32 $0x280, s10;
	[smem:$0x7F5] =	sst s9;
	s9 =	sor.u32 s17, s7;
	v1 =	vld [tilespmem:s0+$0x100]  }
0x223: {  	s14 =	sor.u32 $0x380, s10;
	s16 =	sor.u32 $0x380, s11;
	[smem:$0x7F3] =	sst s30;
	v59 =	vld [tilespmem:s9+$0x0];
	v0 =	vadd.f32 v7, v0  }
0x224: {  	s30 =	sor.u32 s19, s31;
	s10 =	sadd.s32 $0x15500, s18;
	[dreg:$0x1d] =	wrdreg s14;
	v7 =	vld [tilespmem:s26+$0x100]  }
0x225: {  	[dreg:$0x1e] =	wrdreg s16;
	s16 =	smov.u32 s5;
	s11 =	sor.u32 s17, s10;
	v2 =	vadd.f32 v2, v6;
	v6 =	vld [tilespmem:s22+$0x100];
	v0 =	vadd.f32 v8, v0  }
0x226: {  	s14 =	smov.u32 s6;
	s2 =	sor.u32 s20, s24;
	s25 =	sadd.s32 $0x15580, s18;
	v8 =	vld [tilespmem:s11+$0x0]  }
0x227: {  	s24 =	sor.u32 s21, s10;
	[smem:$0x7F4] =	sst s2;
	s6 =	sor.u32 s17, s25;
	v1 =	vadd.f32 v1, v3;
	v3 =	vld [tilespmem:s0+$0x180];
	v0 =	vadd.f32 v5, v0  }
0x228: {  	s5 =	sor.u32 s20, s31;
	s31 =	sor.u32 s19, s10;
	[smem:$0x7F7] =	sst s24;
	v5 =	vld [tilespmem:s6+$0x0]  }
0x229: {  	s2 =	sor.u32 s20, s10;
	s9 =	sadd.s32 $0x15680, s18;
	s10 =	sor.u32 s19, s25;
	v4 =	vadd.f32 v7, v4;
	v7 =	vld [tilespmem:s26+$0x180];
	v0 =	vadd.f32 v58, v0  }
0x22a: {  	s24 =	sor.u32 s21, s25;
	s11 =	sor.u32 s20, s25;
	s25 =	sor.u32 s17, s9;
	v2 =	vadd.f32 v6, v2;
	v6 =	vld [tilespmem:s22+$0x180]  }
0x22b: {  	s22 =	sadd.s32 $0x15700, s18;
	v0 =	vadd.f32 v8, v0;
	v8 =	vld [tilespmem:s25+$0x0]  }
0x22c: {  	s0 =	sor.u32 s19, s22;
	v1 =	vadd.f32 v3, v1;
	v3 =	vld [tilespmem:s1+$0x14000]  }
0x22d: {  	s25 =	sor.u32 s17, s22;
	v63 =	vld [tilespmem:s0+$0x0]  }
0x22e: {  	[smem:$0x7F8] =	sst s2;
	s2 =	sor.u32 s19, s9;
	s1 =	sor.u32 s21, s22;
	v0 =	vadd.f32 v5, v0;
	v5 =	vld [tilespmem:s25+$0x0]  }
0x22f: {  	s25 =	sadd.s32 $0x15780, s18;
	v4 =	vadd.f32 v7, v4;
	s18 =	sor.u32 s20, s22;
	v7 =	vld [tilespmem:s4+$0x14000];
	s22 =	sld [smem:$0x7EE]  }
0x230: {  	s6 =	sor.u32 s19, s7;
	s17 =	sor.u32 s17, s25;
	s19 =	sor.u32 s19, s25;
	v2 =	vadd.f32 v6, v2;
	v6 =	vld [tilespmem:s3+$0x14000];
	v0 =	vadd.f32 v59, v0  }
0x231: {  	s4 =	sor.u32 s21, s25;
	v60 =	vld [tilespmem:s17+$0x0];
	s17 =	sor.u32 s20, s25;
	s25 =	sld [smem:$0x7EF]  }
0x232: {  	s28 =	sadd.s32 $0x40, s28;
	v1 =	vadd.f32 v3, v1;
	v3 =	vld [tilespmem:s22+$0x14000];
	v0 =	vadd.f32 v8, v0  }
0x233: {  	s22 =	rddreg [dreg:$0x1c];
	v8 =	vld [tilespmem:s28+$0x0]  }
0x234: {  	v4 =	vadd.f32 v7, v4;
	v7 =	vld [tilespmem:s25+$0x14000];
	s25 =	sld [smem:$0x7F1];
	v0 =	vadd.f32 v5, v0  }
0x235: {  	v5 =	vld [tilespmem:s23+$0x14000];
	s23 =	sld [smem:$0x7F0]  }
0x236: {  	v61 =	vld [tilespmem:s22+$0x14000];
	s22 =	sld [smem:$0x7F2];
	v0 =	vadd.f32 v60, v0  }
0x237: {  	[smem:$0x7F6] =	sst s5;
	v1 =	vadd.f32 v3, v1;
	v3 =	vld [tilespmem:s25+$0x14000]  }
0x238: {  	v2 =	vadd.f32 v6, v2;
	s25 =	rddreg [dreg:$0x1e];
	v6 =	vld [tilespmem:s23+$0x14000];
	v0 =	vadd.f32 v0, v8  }
0x239: {  	v8 =	vld [tilespmem:s22+$0x14000];
	s22 =	sld [smem:$0x7F3]  }
0x23a: {  	s5 =	sor.u32 s20, s7;
	s26 =	sor.u32 s21, s7;
	s23 =	rddreg [dreg:$0x1d];
	v2 =	vadd.f32 v7, v2;
	v7 =	vld [tilespmem:s25+$0x14000];
	v0 =	vmul.f32 $5.000000000e-01, v0  }
0x23b: {  	s7 =	sor.u32 s21, s9;
	s9 =	sor.u32 s20, s9;
	s20 =	rddreg [dreg:$0x9];
	v4 =	vadd.f32 v5, v4;
	v5 =	vld [tilespmem:s23+$0x14000]  }
0x23c: {  	s20 =	sadd.s32 $0x40, s20;
	v2 =	vadd.f32 v3, v2;
	v3 =	vld [tilespmem:s22+$0x0];
	[tilespmem:s28+$0x0] =	vst v0  }
0x23d: {  	v1 =	vadd.f32 v61, v1;
	s25 =	sld [smem:$0x7F5];
	v62 =	vld [tilespmem:s20+$0x0]  }
0x23e: {  	s23 =	sld [smem:$0x7F4];
	v4 =	vadd.f32 v6, v4;
	v6 =	vld [tilespmem:s29+$0x0]  }
0x23f: {  	v1 =	vadd.f32 v8, v1;
	v8 =	vld [tilespmem:s30+$0x0];
	s30 =	sld [smem:$0x7F7]  }
0x240: {  	s29 =	sld [smem:$0x7F6];
	v2 =	vadd.f32 v7, v2;
	v7 =	vld [tilespmem:s25+$0x0];
	v4 =	vadd.f32 v5, v4  }
0x241: {  	v5 =	vld [tilespmem:s23+$0x0]  }
0x242: {  	s21 =	rddreg [dreg:$0xb];
	v3 =	vadd.f32 v3, v4;
	v4 =	vld [tilespmem:s30+$0x0];
	v0 =	vmul.f32 v0, v62  }
0x243: {  	s21 =	sadd.s32 $0x40, s21;
	v1 =	vadd.f32 v6, v1;
	v6 =	vld [tilespmem:s29+$0x0]  }
0x244: {  	[tilespmem:s21+$0x0] =	vst v0;
	v0 =	vld [tilespmem:s31+$0x0];
	s31 =	sld [smem:$0x7F8]  }
0x245: {  	v3 =	vadd.f32 v7, v3;
	v7 =	vld [tilespmem:s24+$0x0]  }
0x246: {  	v1 =	vadd.f32 v8, v1;
	v8 =	vld [tilespmem:s10+$0x0]  }
0x247: {  	v2 =	vadd.f32 v5, v2;
	v5 =	vld [tilespmem:s31+$0x0]  }
0x248: {  	v3 =	vadd.f32 v4, v3;
	v4 =	vld [tilespmem:s26+$0x0]  }
0x249: {  	v2 =	vadd.f32 v6, v2;
	v6 =	vld [tilespmem:s6+$0x0];
	v0 =	vadd.f32 v0, v1  }
0x24a: {  	v1 =	vld [tilespmem:s11+$0x0]  }
0x24b: {  	v0 =	vadd.f32 v8, v0;
	v8 =	vld [tilespmem:s2+$0x0]  }
0x24c: {  	v2 =	vadd.f32 v5, v2;
	v5 =	vld [tilespmem:s5+$0x0]  }
0x24d: {  	v10 =	vld [tilespmem:s1+$0x0]  }
0x24e: {  	v3 =	vadd.f32 v7, v3;
	v7 =	vld [tilespmem:s7+$0x0];
	v0 =	vadd.f32 v6, v0  }
0x24f: {  	v6 =	vld [tilespmem:s9+$0x0];
	v1 =	vadd.f32 v1, v2  }
0x250: {  	s13 =	sadd.s32 $0x4, s13;
	v0 =	vadd.f32 v8, v0;
	v8 =	vld [tilespmem:s19+$0x0]  }
0x251: {  	p1 =	slt.u32 s13, $0x24;
	v2 =	vadd.f32 v4, v3;
	v1 =	vadd.f32 v5, v1;
	v5 =	vld [tilespmem:s18+$0x0]  }
.Ltmp7:
0x252: {  	v3 =	vld [tilespmem:s17+$0x0];
	(pc) =	sbr.rel @p1 .LBB2_11-.Ltmp7, $4  }
0x253: {  	v4 =	vld [tilespmem:s12+$0x16800];
	v7 =	vadd.f32 v7, v2  }
0x254: {  	v2 =	vld [tilespmem:s4+$0x0];
	v9 =	vadd.f32 v63, v0;
	v1 =	vadd.f32 v6, v1  }
0x255: {  	v7 =	vadd.f32 v10, v7;
	v0 =	vld [tilespmem:s16+$0x16800]  }
0x256: {  	s15 =	sadd.s32 $0x200, s15;
	v6 =	vadd.f32 v5, v1;
	v5 =	vadd.f32 v8, v9;
	v1 =	vld [tilespmem:s14+$0x16800]  }
0x257: {  	_ =	sdelay $0x1  }
0x258: {  	v8 =	vld [tilespmem:s12+$0x16A80];
	v2 =	vadd.f32 v2, v7  }
0x259: {  	v4 =	vadd.f32 v5, v4  }
0x25a: {  	v62 =	vld [tilespmem:s16+$0x16A80];
	v3 =	vadd.f32 v3, v6;
	v0 =	vadd.f32 v2, v0  }
0x25b: {  	v63 =	vld [tilespmem:s14+$0x16A80];
	v2 =	vmul.f32 $5.000000000e-01, v4  }
0x25c: {  	v1 =	vadd.f32 v3, v1;
	v0 =	vmul.f32 $5.000000000e-01, v0  }
0x25d: {  	[tilespmem:s12+$0x16800] =	vst v2;
	v2 =	vmul.f32 v2, v8  }
0x25e: {  	v1 =	vmul.f32 $5.000000000e-01, v1;
	[tilespmem:s16+$0x16800] =	vst v0  }
0x25f: {  	v0 =	vmul.f32 v0, v62;
	[tilespmem:s12+$0x16D00] =	vst v2  }
0x260: {  	v2 =	vmul.f32 v1, v63;
	[tilespmem:s14+$0x16800] =	vst v1  }
0x261: {  	[tilespmem:s16+$0x16D00] =	vst v0  }
0x262: {  	[tilespmem:s14+$0x16D00] =	vst v2  }
0x263: {  	s1 =	sld [smem:$0x7FC];
	_ =	sdelay $0x1  }
0x264: {  	s0 =	simm.s32 $0x16D00;
	s29 =	simm.s32 $0x2  }
0x265: {  	[spmem:s1] =	stream.linear.scatter [tilespmem:s0], [sflag:$0x2], $0x280, $0x38;
	[tilespmem:$0x19A00] =	vst v63  }
0x266: {  	_ =	swait.ge [sflag:s29], $0x280  }
0x267: {  	[sflag:s29] =	ssyncset.done $0x0  }
0x268: {  	[sflag:s29] =	ssyncadd.s32 $0xFFFFFD80  }
0x269: {  	s30 =	simm.s32 $0xF000;
	[bflag:$0x0] =	sbarrier.arrive $0xFFFF  }
0x26a: {  	s0 =	simm.s32 $0x0;
	s1 =	simm.s32 $0x200;
	s31 =	rddreg [dreg:$0x3]  }
0x26b: {  	v0 =	vimm.f32 $0.0e+00;
	[tilespmem:s30], [sflag:$0x1] =	stream.linear.gather [spmem:s31], $0x2800, $0x38;
	[tilespmem:$0x19A00] =	vst v63  }
.LBB2_13:
0x26c: {  	p0 =	sne.s32 s1, $0x9E00;
	[tilespmem:s0+$0x11870] =	vst v0  }
0x26d: {  	[tilespmem:s0+$0x11800] =	vst v0  }
0x26e: {  	[tilespmem:s0+$0x11810] =	vst v0  }
.Ltmp8:
0x26f: {  	[tilespmem:s0+$0x11820] =	vst v0;
	(pc) =	sbr.rel @p0 .LBB2_13-.Ltmp8, $4  }
0x270: {  	[tilespmem:s0+$0x11830] =	vst v0  }
0x271: {  	[tilespmem:s0+$0x11840] =	vst v0  }
0x272: {  	[tilespmem:s0+$0x11850] =	vst v0  }
0x273: {  	[tilespmem:s0+$0x11860] =	vst v0;
	s0 =	sshra.s32 s1, $0x2;
	s1 =	sadd.s32 $0x200, s1  }
0x274: {  	[tilespmem:s0+$0x11870] =	vst v0  }
0x275: {  	[tilespmem:s0+$0x11800] =	vst v0  }
0x276: {  	[tilespmem:s0+$0x11810] =	vst v0  }
0x277: {  	[tilespmem:s0+$0x11820] =	vst v0  }
0x278: {  	[tilespmem:s0+$0x11830] =	vst v0  }
0x279: {  	[tilespmem:s0+$0x11840] =	vst v0  }
0x27a: {  	[tilespmem:s0+$0x11850] =	vst v0  }
0x27b: {  	[tilespmem:s0+$0x11860] =	vst v0;
	s31 =	simm.s32 $0x1  }
0x27c: {  	_ =	swait.ge [sflag:s31], $0x2800  }
0x27d: {  	[sflag:s31] =	ssyncset.done $0x0  }
0x27e: {  	s10 =	simm.s32 $0xA080;
	[sflag:s31] =	ssyncadd.s32 $0xFFFFD800  }
0x27f: {  	v14 =	vld [tilespmem:s10+$0xFFFFFF90]  }
0x280: {  	v1 =	vld [tilespmem:s10+$0x0]  }
0x281: {  	v3 =	vld [tilespmem:s10+$0x10]  }
0x282: {  	v2 =	vld [tilespmem:s10+$0xFFFFFF80]  }
0x283: {  	v4 =	vld [tilespmem:s10+$0x70]  }
0x284: {  	v9 =	vld [tilespmem:s10+$0xFFFFFFA0]  }
0x285: {  	v11 =	vld [tilespmem:s10+$0xFFFFFFB0]  }
0x286: {  	v0 =	vld [tilespmem:s10+$0xFFFFFFC0]  }
0x287: {  	v6 =	vld [tilespmem:s10+$0x60]  }
0x288: {  	v12 =	vld [tilespmem:s10+$0x30]  }
0x289: {  	v7 =	vld [tilespmem:s10+$0x50];
	v5 =	vshrl.u32 v2, $0x10  }
0x28a: {  	v10 =	vld [tilespmem:s10+$0x40]  }
0x28b: {  	v13 =	vld [tilespmem:s10+$0x20];
	v8 =	vshrl.u32 v4, $0x10  }
0x28c: {  	v17 =	vld [tilespmem:s10+$0xFFFFFFF0];
	v15 =	vshrl.u32 v6, $0x10  }
0x28d: {  	s9 =	simm.s32 $0xF000;
	v18 =	vld [tilespmem:s10+$0xFFFFFFE0];
	v22 =	vshrl.u32 v12, $0x10  }
0x28e: {  	v2 =	vand.u32 $0xFFFF, v2;
	v5 =	vld.idx.msk [tilespmem:v5+s9+$0x0], $0xffff  }
0x28f: {  	v19 =	vld [tilespmem:s10+$0xFFFFFFD0];
	v16 =	vshrl.u32 v7, $0x10  }
0x290: {  	v4 =	vand.u32 $0xFFFF, v4;
	v8 =	vld.idx.msk [tilespmem:v8+s9+$0x0], $0xffff  }
0x291: {  	v20 =	vshrl.u32 v13, $0x10;
	v15 =	vld.idx.msk [tilespmem:v15+s9+$0x0], $0xffff  }
0x292: {  	s8 =	simm.s32 $0x11800;
	v21 =	vshrl.u32 v10, $0x10;
	v60 =	vld.idx.msk [tilespmem:v22+s9+$0x0], $0xffff  }
0x293: {  	s0 =	sld [smem:$0x7F9];
	[tilespmem:v2+s8+$0x0] =	vst.idx.add.f32.msk $0xffff, v5;
	v2 =	vand.u32 $0xFFFF, v6  }
0x294: {  	v5 =	vld.idx.msk [tilespmem:v16+s9+$0x0], $0xffff;
	v6 =	vshrl.u32 v1, $0x10  }
0x295: {  	[tilespmem:v4+s8+$0x0] =	vst.idx.add.f32.msk $0xffff, v8;
	v4 =	vand.u32 $0xFFFF, v7  }
0x296: {  	v7 =	vld.idx.msk [tilespmem:v20+s9+$0x0], $0xffff;
	v8 =	vshrl.u32 v3, $0x10  }
0x297: {  	v10 =	vand.u32 $0xFFFF, v10;
	v16 =	vld.idx.msk [tilespmem:v21+s9+$0x0], $0xffff  }
0x298: {  	v61 =	vshrl.u32 v17, $0x10;
	[tilespmem:v2+s8+$0x0] =	vst.idx.add.f32.msk $0xffff, v15  }
0x299: {  	v2 =	vshrl.u32 v19, $0x10;
	v62 =	vld.idx.msk [tilespmem:v6+s9+$0x0], $0xffff  }
0x29a: {  	v6 =	vand.u32 $0xFFFF, v13;
	[tilespmem:v4+s8+$0x0] =	vst.idx.add.f32.msk $0xffff, v5  }
0x29b: {  	v13 =	vand.u32 $0xFFFF, v12;
	v12 =	vld.idx.msk [tilespmem:v8+s9+$0x0], $0xffff  }
0x29c: {  	v8 =	vshrl.u32 v18, $0x10;
	[tilespmem:v10+s8+$0x0] =	vst.idx.add.f32.msk $0xffff, v16  }
0x29d: {  	v16 =	vshrl.u32 v0, $0x10;
	v4 =	vld.idx.msk [tilespmem:v61+s9+$0x0], $0xffff  }
0x29e: {  	p0 =	sgt.u32 s0, $0x10;
	v63 =	vand.u32 $0xFFFF, v1;
	v5 =	vld.idx.msk [tilespmem:v2+s9+$0x0], $0xffff  }
.Ltmp9:
0x29f: {  	[tilespmem:v6+s8+$0x0] =	vst.idx.add.f32.msk $0xffff, v7;
	v6 =	vand.u32 $0xFFFF, v3;
	(pc) =	sbr.rel @!p0 .LBB2_16-.Ltmp9, $4  }
0x2a0: {  	[tilespmem:v13+s8+$0x0] =	vst.idx.add.f32.msk $0xffff, v60;
	v2 =	vshrl.u32 v11, $0x10  }
0x2a1: {  	v1 =	vand.u32 $0xFFFF, v18;
	v10 =	vshrl.u32 v14, $0x10;
	v15 =	vld.idx.msk [tilespmem:v8+s9+$0x0], $0xffff  }
0x2a2: {  	v14 =	vand.u32 $0xFFFF, v14;
	v3 =	vshrl.u32 v9, $0x10;
	v7 =	vand.u32 $0xFFFF, v17;
	v13 =	vld.idx.msk [tilespmem:v16+s9+$0x0], $0xffff  }
0x2a3: {  	s11 =	simm.s32 $0x10;
	v8 =	vand.u32 $0xFFFF, v19;
	v11 =	vand.u32 $0xFFFF, v11;
	v9 =	vand.u32 $0xFFFF, v9;
	[tilespmem:v63+s8+$0x0] =	vst.idx.add.f32.msk $0xffff, v62  }
.LBB2_15:
0x2a4: {  	s11 =	sadd.s32 $0x10, s11;
	[tilespmem:v6+s8+$0x0] =	vst.idx.add.f32.msk $0xffff, v12;
	s10 =	sadd.s32 $0x100, s10  }
0x2a5: {  	p0 =	slt.u32 s11, s0;
	v2 =	vld.idx.msk [tilespmem:v2+s9+$0x0], $0xffff  }
0x2a6: {  	v6 =	vld.idx.msk [tilespmem:v10+s9+$0x0], $0xffff  }
0x2a7: {  	v3 =	vld.idx.msk [tilespmem:v3+s9+$0x0], $0xffff  }
0x2a8: {  	v0 =	vand.u32 $0xFFFF, v0;
	[tilespmem:v7+s8+$0x0] =	vst.idx.add.f32.msk $0xffff, v4  }
0x2a9: {  	[tilespmem:v8+s8+$0x0] =	vst.idx.add.f32.msk $0xffff, v5  }
0x2aa: {  	[tilespmem:v1+s8+$0x0] =	vst.idx.add.f32.msk $0xffff, v15  }
0x2ab: {  	[tilespmem:v11+s8+$0x0] =	vst.idx.add.f32.msk $0xffff, v2  }
0x2ac: {  	[tilespmem:v14+s8+$0x0] =	vst.idx.add.f32.msk $0xffff, v6  }
0x2ad: {  	[tilespmem:v9+s8+$0x0] =	vst.idx.add.f32.msk $0xffff, v3  }
0x2ae: {  	[tilespmem:v0+s8+$0x0] =	vst.idx.add.f32.msk $0xffff, v13  }
0x2af: {  	v13 =	vld [tilespmem:s10+$0xFFFFFF90]  }
0x2b0: {  	v4 =	vld [tilespmem:s10+$0x0]  }
0x2b1: {  	v3 =	vld [tilespmem:s10+$0x10]  }
0x2b2: {  	v1 =	vld [tilespmem:s10+$0xFFFFFF80]  }
0x2b3: {  	v2 =	vld [tilespmem:s10+$0x70]  }
0x2b4: {  	v5 =	vld [tilespmem:s10+$0xFFFFFFA0]  }
0x2b5: {  	v9 =	vld [tilespmem:s10+$0xFFFFFFB0]  }
0x2b6: {  	v0 =	vld [tilespmem:s10+$0xFFFFFFC0]  }
0x2b7: {  	v6 =	vshrl.u32 v1, $0x10;
	v7 =	vld [tilespmem:s10+$0x60]  }
0x2b8: {  	v8 =	vld [tilespmem:s10+$0x50];
	v10 =	vshrl.u32 v2, $0x10  }
0x2b9: {  	v11 =	vld [tilespmem:s10+$0x40]  }
0x2ba: {  	v12 =	vld [tilespmem:s10+$0x30]  }
0x2bb: {  	v14 =	vld [tilespmem:s10+$0x20]  }
0x2bc: {  	v6 =	vld.idx.msk [tilespmem:v6+s9+$0x0], $0xffff;
	v15 =	vshrl.u32 v7, $0x10  }
0x2bd: {  	v1 =	vand.u32 $0xFFFF, v1;
	v16 =	vshrl.u32 v8, $0x10;
	v10 =	vld.idx.msk [tilespmem:v10+s9+$0x0], $0xffff  }
0x2be: {  	v2 =	vand.u32 $0xFFFF, v2;
	v17 =	vld [tilespmem:s10+$0xFFFFFFF0];
	v18 =	vshrl.u32 v11, $0x10  }
0x2bf: {  	v19 =	vld [tilespmem:s10+$0xFFFFFFE0]  }
0x2c0: {  	v20 =	vld [tilespmem:s10+$0xFFFFFFD0];
	v21 =	vshrl.u32 v14, $0x10;
	v22 =	vand.u32 $0xFFFF, v14  }
0x2c1: {  	v23 =	vshrl.u32 v12, $0x10;
	v14 =	vshrl.u32 v3, $0x10;
	v15 =	vld.idx.msk [tilespmem:v15+s9+$0x0], $0xffff  }
0x2c2: {  	v24 =	vshrl.u32 v4, $0x10;
	v7 =	vand.u32 $0xFFFF, v7;
	[tilespmem:v1+s8+$0x0] =	vst.idx.add.f32.msk $0xffff, v6  }
0x2c3: {  	v8 =	vand.u32 $0xFFFF, v8;
	v25 =	vshrl.u32 v17, $0x10;
	v16 =	vld.idx.msk [tilespmem:v16+s9+$0x0], $0xffff  }
0x2c4: {  	v11 =	vand.u32 $0xFFFF, v11;
	v26 =	vshrl.u32 v19, $0x10;
	v1 =	vand.u32 $0xFFFF, v19;
	[tilespmem:v2+s8+$0x0] =	vst.idx.add.f32.msk $0xffff, v10  }
0x2c5: {  	v19 =	vshrl.u32 v20, $0x10;
	v21 =	vld.idx.msk [tilespmem:v21+s9+$0x0], $0xffff  }
0x2c6: {  	v27 =	vshrl.u32 v0, $0x10;
	v18 =	vld.idx.msk [tilespmem:v18+s9+$0x0], $0xffff  }
0x2c7: {  	v6 =	vand.u32 $0xFFFF, v3;
	v2 =	vshrl.u32 v9, $0x10;
	v23 =	vld.idx.msk [tilespmem:v23+s9+$0x0], $0xffff  }
0x2c8: {  	v28 =	vand.u32 $0xFFFF, v4;
	v3 =	vshrl.u32 v5, $0x10;
	[tilespmem:v7+s8+$0x0] =	vst.idx.add.f32.msk $0xffff, v15  }
0x2c9: {  	v10 =	vshrl.u32 v13, $0x10;
	v24 =	vld.idx.msk [tilespmem:v24+s9+$0x0], $0xffff  }
0x2ca: {  	v7 =	vand.u32 $0xFFFF, v17;
	v15 =	vand.u32 $0xFFFF, v12;
	[tilespmem:v8+s8+$0x0] =	vst.idx.add.f32.msk $0xffff, v16  }
0x2cb: {  	v8 =	vand.u32 $0xFFFF, v20;
	v12 =	vld.idx.msk [tilespmem:v14+s9+$0x0], $0xffff  }
0x2cc: {  	[tilespmem:v11+s8+$0x0] =	vst.idx.add.f32.msk $0xffff, v18  }
0x2cd: {  	v11 =	vand.u32 $0xFFFF, v9;
	v4 =	vld.idx.msk [tilespmem:v25+s9+$0x0], $0xffff  }
0x2ce: {  	v9 =	vand.u32 $0xFFFF, v5;
	v5 =	vld.idx.msk [tilespmem:v19+s9+$0x0], $0xffff  }
.Ltmp10:
0x2cf: {  	v14 =	vand.u32 $0xFFFF, v13;
	[tilespmem:v22+s8+$0x0] =	vst.idx.add.f32.msk $0xffff, v21;
	(pc) =	sbr.rel @p0 .LBB2_15-.Ltmp10, $4  }
0x2d0: {  	[tilespmem:v15+s8+$0x0] =	vst.idx.add.f32.msk $0xffff, v23  }
0x2d1: {  	v15 =	vld.idx.msk [tilespmem:v26+s9+$0x0], $0xffff  }
0x2d2: {  	v13 =	vld.idx.msk [tilespmem:v27+s9+$0x0], $0xffff  }
0x2d3: {  	[tilespmem:v28+s8+$0x0] =	vst.idx.add.f32.msk $0xffff, v24  }
.LBB2_16:
0x2d4: {  	_ =	sdelay $0x3  }
0x2d5: {  	[tilespmem:v6+s8+$0x0] =	vst.idx.add.f32.msk $0xffff, v12  }
0x2d6: {  	v2 =	vld.idx.msk [tilespmem:v2+s9+$0x0], $0xffff  }
0x2d7: {  	v6 =	vld.idx.msk [tilespmem:v10+s9+$0x0], $0xffff  }
0x2d8: {  	v3 =	vld.idx.msk [tilespmem:v3+s9+$0x0], $0xffff  }
0x2d9: {  	[tilespmem:v7+s8+$0x0] =	vst.idx.add.f32.msk $0xffff, v4  }
0x2da: {  	v0 =	vand.u32 $0xFFFF, v0;
	[tilespmem:v8+s8+$0x0] =	vst.idx.add.f32.msk $0xffff, v5  }
0x2db: {  	[tilespmem:v1+s8+$0x0] =	vst.idx.add.f32.msk $0xffff, v15  }
0x2dc: {  	[tilespmem:v11+s8+$0x0] =	vst.idx.add.f32.msk $0xffff, v2  }
0x2dd: {  	[tilespmem:v14+s8+$0x0] =	vst.idx.add.f32.msk $0xffff, v6  }
0x2de: {  	[tilespmem:v9+s8+$0x0] =	vst.idx.add.f32.msk $0xffff, v3  }
0x2df: {  	[tilespmem:v0+s8+$0x0] =	vst.idx.add.f32.msk $0xffff, v13  }
0x2e0: {  	s3 =	sld [smem:$0x7FA]  }
0x2e1: {  	s0 =	simm.s32 $0x80  }
0x2e2: {  	s1 =	simm.s32 $0x400;
	s2 =	simm.s32 $0x11800;
	s26 =	simm.s32 $0x2  }
0x2e3: {  	[spmem:s3] =	stream.strided.scatter [tilespmem:s2], [sflag:$0x2], $0x2800, s1, s0, $0x38;
	[tilespmem:$0x19A00] =	vst v63  }
0x2e4: {  	_ =	swait.ge [sflag:s26], $0x2800  }
0x2e5: {  	[sflag:s26] =	ssyncset.done $0x0  }
0x2e6: {  	[sflag:s26] =	ssyncadd.s32 $0xFFFFD800  }
0x2e7: {  	[bflag:$0x0] =	sbarrier.arrive $0xFFFF  }
0x2e8: {  	s31 =	sld [smem:$0x7FB];
	_ =	sdelay $0x1  }
0x2e9: {  	s29 =	simm.s32 $0x1400;
	s30 =	simm.s32 $0x14000;
	s8 =	simm.s32 $0x0  }
0x2ea: {  	[tilespmem:s30], [sflag:$0x2] =	stream.strided.gather [spmem:s31], $0x2800, s30, s29, $0x38;
	[tilespmem:$0x19A00] =	vst v63  }
0x2eb: {  	s4 =	simm.s32 $0x1;
	s0 =	sand.u32 $0x1C00, s8;
	_ =	swait.ge [sflag:s26], $0x2800  }
0x2ec: {  	s10 =	sand.u32 $0x40, s8;
	s5 =	sor.u32 $0x14000, s0;
	[sflag:s26] =	ssyncset.done $0x0  }
0x2ed: {  	s6 =	sor.u32 s10, s5;
	[dreg:$0x6] =	wrdreg s4;
	[sflag:s26] =	ssyncadd.s32 $0xFFFFD800  }
0x2ee: {  	s12 =	sor.u32 $0x10, s10;
	v0 =	vld [tilespmem:s6+$0x0]  }
0x2ef: {  	s11 =	sor.u32 s12, s5;
	v1 =	vld [tilespmem:s6+$0x80]  }
0x2f0: {  	v2 =	vld [tilespmem:s11+$0x0]  }
0x2f1: {  	v3 =	vld [tilespmem:s6+$0x100]  }
0x2f2: {  	s13 =	sor.u32 $0x20, s10;
	v4 =	vld [tilespmem:s11+$0x80]  }
0x2f3: {  	s15 =	sor.u32 s13, s5;
	v5 =	vld [tilespmem:s6+$0x180]  }
0x2f4: {  	s14 =	sor.u32 $0x30, s10;
	v6 =	vld [tilespmem:s15+$0x0]  }
0x2f5: {  	s1 =	sor.u32 s14, s5;
	v8 =	vld [tilespmem:s15+$0x80]  }
0x2f6: {  	s18 =	sor.u32 s8, s8;
	v39 =	vld [tilespmem:s1+$0x0]  }
0x2f7: {  	s2 =	sor.u32 $0x380, s18;
	v41 =	vld [tilespmem:s1+$0x80]  }
0x2f8: {  	v42 =	vld [tilespmem:s2+$0x14000]  }
0x2f9: {  	v43 =	vld [tilespmem:s11+$0x100]  }
0x2fa: {  	s5 =	sadd.s32 $0x15500, s0;
	v16 =	vld [tilespmem:s15+$0x100]  }
0x2fb: {  	s23 =	sor.u32 s10, s5;
	v18 =	vld [tilespmem:s1+$0x100]  }
0x2fc: {  	s4 =	sadd.s32 $0x15580, s0;
	v19 =	vld [tilespmem:s23+$0x0]  }
0x2fd: {  	s24 =	sor.u32 s10, s4;
	v20 =	vld [tilespmem:s11+$0x180]  }
0x2fe: {  	v21 =	vld [tilespmem:s24+$0x0]  }
0x2ff: {  	p0 =	por $0x0, $0x0;
	v22 =	vld [tilespmem:s15+$0x180]  }
0x300: {  	s3 =	rddreg [dreg:$0x6];
	s6 =	sadd.s32 $0x15480, s0;
	v24 =	vld [tilespmem:s1+$0x180];
	s15 =	sor.u32 s12, s5  }
0x301: {  	s3 =	simm.s32 @!p0 $0x0;
	s1 =	sadd.s32 $0x15700, s0;
	s22 =	sor.u32 s10, s6;
	v53 =	vld [tilespmem:s15+$0x0]  }
0x302: {  	s3 =	sshll.u32 s3, $0x6;
	s31 =	sor.u32 s10, s1;
	v17 =	vld [tilespmem:s22+$0x0]  }
0x303: {  	s16 =	sadd.s32 $0x0, s3;
	s11 =	sor.u32 s13, s6;
	v26 =	vld [tilespmem:s31+$0x0]  }
0x304: {  	s7 =	sor.u32 $0x200, s16;
	v51 =	vld [tilespmem:s11+$0x0]  }
0x305: {  	s9 =	sor.u32 $0x280, s16;
	v7 =	vld [tilespmem:s7+$0x14000]  }
0x306: {  	s3 =	sadd.s32 $0x15600, s0;
	s17 =	sor.u32 $0x300, s16;
	v38 =	vld [tilespmem:s9+$0x14000]  }
0x307: {  	s25 =	sor.u32 s10, s3;
	s26 =	sadd.s32 $0x10, s16;
	v40 =	vld [tilespmem:s17+$0x14000];
	v0 =	vadd.f32 v1, v0  }
0x308: {  	v23 =	vld [tilespmem:s25+$0x0];
	s17 =	sor.u32 $0x200, s26  }
0x309: {  	s30 =	sadd.s32 $0x20, s16;
	s16 =	sadd.s32 $0x30, s16;
	s18 =	sor.u32 $0x280, s26;
	v25 =	vld [tilespmem:s17+$0x14000];
	v0 =	vadd.f32 v3, v0  }
0x30a: {  	s22 =	sor.u32 $0x280, s16;
	v28 =	vld [tilespmem:s18+$0x14000]  }
0x30b: {  	s23 =	sor.u32 $0x300, s26;
	v29 =	vld [tilespmem:s22+$0x14000];
	v0 =	vadd.f32 v5, v0  }
0x30c: {  	s24 =	sor.u32 $0x300, s30;
	v45 =	vld [tilespmem:s23+$0x14000]  }
0x30d: {  	s25 =	sor.u32 $0x300, s16;
	v30 =	vld [tilespmem:s24+$0x14000];
	v0 =	vadd.f32 v7, v0  }
0x30e: {  	s7 =	sadd.s32 $0x15400, s0;
	s26 =	sor.u32 $0x380, s26;
	v46 =	vld [tilespmem:s25+$0x14000]  }
0x30f: {  	s2 =	sadd.s32 $0x15680, s0;
	s19 =	sor.u32 s10, s7;
	v31 =	vld [tilespmem:s26+$0x14000];
	v0 =	vadd.f32 v38, v0  }
0x310: {  	s29 =	sor.u32 s10, s2;
	s0 =	sadd.s32 $0x15780, s0;
	v44 =	vld [tilespmem:s19+$0x0]  }
0x311: {  	s10 =	sor.u32 s10, s0;
	v1 =	vld [tilespmem:s29+$0x0];
	v0 =	vadd.f32 v40, v0  }
0x312: {  	s31 =	sor.u32 s12, s7;
	v27 =	vld [tilespmem:s10+$0x0]  }
0x313: {  	s22 =	sor.u32 s13, s3;
	v2 =	vadd.f32 v4, v2;
	v4 =	vld [tilespmem:s31+$0x0];
	v0 =	vadd.f32 v42, v0  }
0x314: {  	s24 =	sor.u32 s13, s2;
	v57 =	vld [tilespmem:s22+$0x0]  }
0x315: {  	s23 =	sor.u32 s12, s2;
	s2 =	sor.u32 s14, s2;
	v58 =	vld [tilespmem:s24+$0x0];
	v0 =	vadd.f32 v44, v0  }
0x316: {  	s17 =	sor.u32 $0x200, s16;
	v6 =	vadd.f32 v8, v6;
	v8 =	vadd.f32 v41, v39;
	v59 =	vld [tilespmem:s2+$0x0]  }
0x317: {  	s9 =	sor.u32 $0x200, s30;
	v5 =	vld [tilespmem:s17+$0x14000];
	v0 =	vadd.f32 v17, v0  }
0x318: {  	s25 =	sor.u32 s12, s1;
	v3 =	vld [tilespmem:s9+$0x14000];
	v2 =	vadd.f32 v43, v2;
	v8 =	vadd.f32 v18, v8  }
0x319: {  	s19 =	sor.u32 $0x280, s30;
	v60 =	vld [tilespmem:s25+$0x0];
	v6 =	vadd.f32 v16, v6;
	v0 =	vadd.f32 v19, v0  }
0x31a: {  	s29 =	sor.u32 $0x380, s30;
	v2 =	vadd.f32 v20, v2;
	v8 =	vadd.f32 v24, v8;
	v7 =	vld [tilespmem:s19+$0x14000]  }
0x31b: {  	s30 =	sor.u32 $0x380, s16;
	v47 =	vld [tilespmem:s29+$0x14000];
	v6 =	vadd.f32 v22, v6;
	v0 =	vadd.f32 v21, v0  }
0x31c: {  	s10 =	sor.u32 s12, s6;
	v32 =	vld [tilespmem:s30+$0x14000];
	v2 =	vadd.f32 v25, v2;
	v5 =	vadd.f32 v5, v8  }
0x31d: {  	s6 =	sor.u32 s14, s6;
	v50 =	vld [tilespmem:s10+$0x0];
	v3 =	vadd.f32 v3, v6;
	v0 =	vadd.f32 v23, v0  }
0x31e: {  	v52 =	vld [tilespmem:s6+$0x0];
	s9 =	sor.u32 s13, s7;
	v2 =	vadd.f32 v28, v2;
	v5 =	vadd.f32 v29, v5  }
0x31f: {  	s7 =	sor.u32 s14, s7;
	v48 =	vld [tilespmem:s9+$0x0];
	v0 =	vadd.f32 v1, v0;
	v1 =	vadd.f32 v7, v3  }
0x320: {  	s28 =	simm.s32 $0x16800;
	v49 =	vld [tilespmem:s7+$0x0];
	v2 =	vadd.f32 v45, v2  }
0x321: {  	s16 =	sor.u32 s13, s5;
	v5 =	vadd.f32 v46, v5;
	v7 =	vld [tilespmem:s28+$0x0];
	v1 =	vadd.f32 v30, v1  }
0x322: {  	s18 =	sor.u32 s13, s4;
	v54 =	vld [tilespmem:s16+$0x0];
	s17 =	sor.u32 s12, s4;
	s4 =	sor.u32 s14, s4;
	v2 =	vadd.f32 v31, v2;
	v0 =	vadd.f32 v26, v0  }
0x323: {  	s5 =	sor.u32 s14, s5;
	v55 =	vld [tilespmem:s4+$0x0];
	v5 =	vadd.f32 v32, v5;
	v1 =	vadd.f32 v47, v1  }
0x324: {  	v6 =	vld [tilespmem:s5+$0x0];
	v2 =	vadd.f32 v4, v2;
	v0 =	vadd.f32 v27, v0  }
0x325: {  	v5 =	vadd.f32 v49, v5;
	v3 =	vld [tilespmem:s17+$0x0];
	v1 =	vadd.f32 v48, v1  }
0x326: {  	s19 =	sor.u32 s12, s3;
	v8 =	vld [tilespmem:s18+$0x0];
	v2 =	vadd.f32 v50, v2;
	v0 =	vadd.f32 v0, v7  }
0x327: {  	s3 =	sor.u32 s14, s3;
	v56 =	vld [tilespmem:s19+$0x0];
	v5 =	vadd.f32 v52, v5;
	v1 =	vadd.f32 v51, v1  }
0x328: {  	v4 =	vld [tilespmem:s3+$0x0];
	v2 =	vadd.f32 v53, v2;
	v0 =	vmul.f32 $5.000000000e-01, v0  }
0x329: {  	s26 =	sor.u32 s13, s1;
	v5 =	vadd.f32 v6, v5;
	v7 =	vld [tilespmem:s23+$0x0];
	v1 =	vadd.f32 v54, v1  }
0x32a: {  	s20 =	simm.s32 $0x16A80;
	v61 =	vld [tilespmem:s26+$0x0];
	v2 =	vadd.f32 v3, v2;
	[tilespmem:s28+$0x0] =	vst v0  }
0x32b: {  	s1 =	sor.u32 s14, s1;
	v3 =	vadd.f32 v55, v5;
	v6 =	vld [tilespmem:s20+$0x0];
	v1 =	vadd.f32 v8, v1  }
0x32c: {  	s29 =	sor.u32 s12, s0;
	v5 =	vld [tilespmem:s1+$0x0];
	v2 =	vadd.f32 v56, v2  }
0x32d: {  	s31 =	sand.u32 $0x380, s8;
	s30 =	sor.u32 s13, s0;
	s0 =	sor.u32 s14, s0;
	v4 =	vadd.f32 v4, v3;
	v8 =	vld [tilespmem:s29+$0x0];
	v1 =	vadd.f32 v57, v1  }
0x32e: {  	s12 =	sor.u32 s31, s12;
	v3 =	vld [tilespmem:s0+$0x0];
	v7 =	vadd.f32 v7, v2  }
0x32f: {  	v62 =	vadd.f32 v59, v4;
	v4 =	vld [tilespmem:s12+$0x16800];
	v1 =	vadd.f32 v58, v1  }
0x330: {  	s16 =	sor.u32 s31, s13;
	v2 =	vld [tilespmem:s30+$0x0];
	v63 =	vadd.f32 v60, v7;
	v6 =	vmul.f32 v0, v6  }
0x331: {  	s21 =	simm.s32 $0x16D00;
	s14 =	sor.u32 s31, s14;
	v0 =	vld [tilespmem:s16+$0x16800];
	v7 =	vadd.f32 v61, v1  }
0x332: {  	s15 =	simm.s32 $0x200;
	s13 =	simm.s32 $0x0;
	[tilespmem:s21+$0x0] =	vst v6;
	v6 =	vadd.f32 v5, v62;
	v5 =	vadd.f32 v8, v63;
	v1 =	vld [tilespmem:s14+$0x16800]  }
.LBB2_17:
0x333: {  	s18 =	sand.u32 $0x1C00, s15;
	s8 =	sadd.s32 $0x40, s8  }
0x334: {  	s17 =	sand.u32 $0x40, s8;
	s1 =	sor.u32 $0x14000, s18  }
0x335: {  	v8 =	vld [tilespmem:s12+$0x16A80];
	s2 =	sor.u32 s17, s1  }
0x336: {  	[dreg:$0xc] =	wrdreg s21;
	v9 =	vld [tilespmem:s2+$0x100];
	v2 =	vadd.f32 v2, v7  }
0x337: {  	[dreg:$0xa] =	wrdreg s20;
	v7 =	vld [tilespmem:s16+$0x16A80];
	v4 =	vadd.f32 v5, v4  }
0x338: {  	s3 =	rddreg [dreg:$0x6];
	p0 =	por !p0, !p0;
	v3 =	vadd.f32 v3, v6;
	v5 =	vld [tilespmem:s14+$0x16A80];
	v0 =	vadd.f32 v2, v0  }
0x339: {  	s30 =	sand.u32 $0x380, s8;
	s3 =	simm.s32 @!p0 $0x0;
	s19 =	sor.u32 $0x10, s17;
	v6 =	vld [tilespmem:s2+$0x0];
	v4 =	vmul.f32 $5.000000000e-01, v4  }
0x33a: {  	s21 =	sor.u32 $0x20, s17;
	s20 =	sor.u32 $0x30, s17;
	s0 =	sor.u32 s19, s1;
	v2 =	vld [tilespmem:s2+$0x80];
	v1 =	vadd.f32 v3, v1;
	v0 =	vmul.f32 $5.000000000e-01, v0  }
0x33b: {  	s3 =	sshll.u32 s3, $0x6;
	s26 =	sor.u32 s21, s1;
	s22 =	sor.u32 s20, s1;
	v3 =	vld [tilespmem:s0+$0x0];
	[tilespmem:s12+$0x16800] =	vst v4;
	v4 =	vmul.f32 v4, v8  }
0x33c: {  	s4 =	sor.u32 s30, s19;
	s5 =	sor.u32 s30, s21;
	s31 =	sadd.s32 s3, s15;
	v1 =	vmul.f32 $5.000000000e-01, v1;
	v8 =	vld [tilespmem:s0+$0x80];
	[tilespmem:s16+$0x16800] =	vst v0  }
0x33d: {  	s6 =	sor.u32 s30, s20;
	s23 =	sor.u32 $0x200, s31;
	s24 =	sor.u32 $0x280, s31;
	v0 =	vmul.f32 v0, v7;
	v7 =	vld [tilespmem:s2+$0x180];
	[tilespmem:s12+$0x16D00] =	vst v4  }
0x33e: {  	s7 =	sadd.s32 $0x10, s31;
	s10 =	sadd.s32 $0x20, s31;
	s11 =	sadd.s32 $0x30, s31;
	v4 =	vmul.f32 v1, v5;
	[tilespmem:s14+$0x16800] =	vst v1;
	v1 =	vld [tilespmem:s24+$0x14000]  }
0x33f: {  	s1 =	sor.u32 $0x200, s7;
	s25 =	sor.u32 $0x280, s7;
	s9 =	sor.u32 $0x300, s7;
	v2 =	vadd.f32 v2, v6;
	v5 =	vld [tilespmem:s26+$0x0]  }
0x340: {  	[smem:$0x7E1] =	sst s25;
	s2 =	sor.u32 $0x300, s31;
	s31 =	sor.u32 $0x300, s11;
	[tilespmem:s16+$0x16D00] =	vst v0;
	v0 =	vld [tilespmem:s23+$0x14000]  }
0x341: {  	s7 =	sor.u32 $0x380, s7;
	[smem:$0x7E4] =	sst s31;
	s31 =	sadd.s32 $0x15480, s18;
	[tilespmem:s14+$0x16D00] =	vst v4;
	v2 =	vadd.f32 v9, v2;
	v4 =	vld [tilespmem:s26+$0x80]  }
0x342: {  	s3 =	sor.u32 $0x200, s11;
	[smem:$0x7E5] =	sst s7;
	s7 =	sor.u32 s17, s31;
	v6 =	vld [tilespmem:s22+$0x0]  }
0x343: {  	s29 =	sor.u32 $0x280, s11;
	[dreg:$0x1f] =	wrdreg s9;
	s9 =	sor.u32 s15, s8;
	v58 =	vld [tilespmem:s7+$0x0];
	v2 =	vadd.f32 v7, v2  }
0x344: {  	s30 =	sor.u32 $0x300, s10;
	[smem:$0x7E2] =	sst s29;
	v7 =	vld [tilespmem:s2+$0x14000];
	s2 =	sor.u32 $0x380, s9  }
0x345: {  	[smem:$0x7E3] =	sst s30;
	s12 =	smov.u32 s4;
	s24 =	sadd.s32 $0x15400, s18;
	v3 =	vadd.f32 v8, v3;
	v8 =	vld [tilespmem:s2+$0x14000];
	v0 =	vadd.f32 v0, v2  }
0x346: {  	s4 =	sor.u32 $0x200, s10;
	s25 =	sor.u32 s17, s24;
	s29 =	sor.u32 s19, s24;
	v2 =	vld [tilespmem:s22+$0x80]  }
0x347: {  	s30 =	sor.u32 s21, s24;
	s7 =	sadd.s32 $0x15600, s18;
	s9 =	sor.u32 s21, s31;
	v4 =	vadd.f32 v4, v5;
	v5 =	vld [tilespmem:s25+$0x0];
	v0 =	vadd.f32 v1, v0  }
0x348: {  	s23 =	sor.u32 $0x280, s10;
	[smem:$0x7EA] =	sst s9;
	s9 =	sor.u32 s17, s7;
	v1 =	vld [tilespmem:s0+$0x100]  }
0x349: {  	s14 =	sor.u32 $0x380, s10;
	s16 =	sor.u32 $0x380, s11;
	[smem:$0x7E8] =	sst s30;
	v59 =	vld [tilespmem:s9+$0x0];
	v0 =	vadd.f32 v7, v0  }
0x34a: {  	s30 =	sor.u32 s19, s31;
	s10 =	sadd.s32 $0x15500, s18;
	[smem:$0x7E6] =	sst s14;
	v7 =	vld [tilespmem:s26+$0x100]  }
0x34b: {  	[smem:$0x7E7] =	sst s16;
	s16 =	smov.u32 s5;
	s11 =	sor.u32 s17, s10;
	v2 =	vadd.f32 v2, v6;
	v6 =	vld [tilespmem:s22+$0x100];
	v0 =	vadd.f32 v8, v0  }
0x34c: {  	s14 =	smov.u32 s6;
	s2 =	sor.u32 s20, s24;
	s25 =	sadd.s32 $0x15580, s18;
	v8 =	vld [tilespmem:s11+$0x0]  }
0x34d: {  	s24 =	sor.u32 s21, s10;
	[smem:$0x7E9] =	sst s2;
	s6 =	sor.u32 s17, s25;
	v1 =	vadd.f32 v1, v3;
	v3 =	vld [tilespmem:s0+$0x180];
	v0 =	vadd.f32 v5, v0  }
0x34e: {  	s5 =	sor.u32 s20, s31;
	s31 =	sor.u32 s19, s10;
	[smem:$0x7EC] =	sst s24;
	v5 =	vld [tilespmem:s6+$0x0]  }
0x34f: {  	s2 =	sor.u32 s20, s10;
	s9 =	sadd.s32 $0x15680, s18;
	s10 =	sor.u32 s19, s25;
	v4 =	vadd.f32 v7, v4;
	v7 =	vld [tilespmem:s26+$0x180];
	v0 =	vadd.f32 v58, v0  }
0x350: {  	s24 =	sor.u32 s21, s25;
	s11 =	sor.u32 s20, s25;
	s25 =	sor.u32 s17, s9;
	v2 =	vadd.f32 v6, v2;
	v6 =	vld [tilespmem:s22+$0x180]  }
0x351: {  	s22 =	sadd.s32 $0x15700, s18;
	v0 =	vadd.f32 v8, v0;
	v8 =	vld [tilespmem:s25+$0x0]  }
0x352: {  	[smem:$0x7ED] =	sst s2;
	v1 =	vadd.f32 v3, v1;
	s25 =	sor.u32 s17, s22;
	v3 =	vld [tilespmem:s1+$0x14000]  }
0x353: {  	s2 =	sor.u32 s19, s9;
	s0 =	sor.u32 s19, s22;
	s1 =	sor.u32 s21, s22;
	v0 =	vadd.f32 v5, v0;
	v5 =	vld [tilespmem:s25+$0x0]  }
0x354: {  	s25 =	sadd.s32 $0x15780, s18;
	v4 =	vadd.f32 v7, v4;
	s18 =	sor.u32 s20, s22;
	v7 =	vld [tilespmem:s4+$0x14000];
	s22 =	sld [smem:$0x7E1]  }
0x355: {  	s6 =	sor.u32 s19, s7;
	s17 =	sor.u32 s17, s25;
	s19 =	sor.u32 s19, s25;
	v2 =	vadd.f32 v6, v2;
	v6 =	vld [tilespmem:s3+$0x14000]  }
0x356: {  	s4 =	sor.u32 s21, s25;
	v0 =	vadd.f32 v59, v0;
	v60 =	vld [tilespmem:s17+$0x0];
	s17 =	sor.u32 s20, s25;
	s25 =	sld [smem:$0x7E2]  }
0x357: {  	s28 =	sadd.s32 $0x40, s28;
	v1 =	vadd.f32 v3, v1;
	v3 =	vld [tilespmem:s22+$0x14000]  }
0x358: {  	s22 =	rddreg [dreg:$0x1f];
	v0 =	vadd.f32 v8, v0;
	v8 =	vld [tilespmem:s28+$0x0]  }
0x359: {  	v4 =	vadd.f32 v7, v4;
	v7 =	vld [tilespmem:s25+$0x14000];
	s25 =	sld [smem:$0x7E4]  }
0x35a: {  	v0 =	vadd.f32 v5, v0;
	v5 =	vld [tilespmem:s23+$0x14000];
	s23 =	sld [smem:$0x7E3]  }
0x35b: {  	v61 =	vld [tilespmem:s22+$0x14000]  }
0x35c: {  	s22 =	sld [smem:$0x7E5];
	v0 =	vadd.f32 v60, v0;
	v1 =	vadd.f32 v3, v1;
	v3 =	vld [tilespmem:s25+$0x14000]  }
0x35d: {  	v2 =	vadd.f32 v6, v2;
	s25 =	sld [smem:$0x7E7];
	v6 =	vld [tilespmem:s23+$0x14000]  }
0x35e: {  	v63 =	vld [tilespmem:s0+$0x0];
	s23 =	sld [smem:$0x7E6];
	v0 =	vadd.f32 v0, v8  }
0x35f: {  	[smem:$0x7EB] =	sst s5;
	s5 =	sor.u32 s20, s7;
	s26 =	sor.u32 s21, s7;
	v8 =	vld [tilespmem:s22+$0x14000]  }
0x360: {  	s7 =	sor.u32 s21, s9;
	s9 =	sor.u32 s20, s9;
	s20 =	rddreg [dreg:$0xa];
	v2 =	vadd.f32 v7, v2;
	v4 =	vadd.f32 v5, v4;
	v7 =	vld [tilespmem:s25+$0x14000];
	v0 =	vmul.f32 $5.000000000e-01, v0  }
0x361: {  	s22 =	sld [smem:$0x7E8];
	v5 =	vld [tilespmem:s23+$0x14000]  }
0x362: {  	s20 =	sadd.s32 $0x40, s20;
	[tilespmem:s28+$0x0] =	vst v0;
	v4 =	vadd.f32 v6, v4;
	v6 =	vld [tilespmem:s29+$0x0]  }
0x363: {  	v1 =	vadd.f32 v61, v1;
	s25 =	sld [smem:$0x7EA];
	v62 =	vld [tilespmem:s20+$0x0]  }
0x364: {  	s23 =	sld [smem:$0x7E9];
	v2 =	vadd.f32 v3, v2;
	v3 =	vld [tilespmem:s22+$0x0]  }
0x365: {  	s29 =	sld [smem:$0x7EB];
	v1 =	vadd.f32 v8, v1;
	v8 =	vld [tilespmem:s30+$0x0]  }
0x366: {  	s30 =	sld [smem:$0x7EC];
	v2 =	vadd.f32 v7, v2;
	v7 =	vld [tilespmem:s25+$0x0]  }
0x367: {  	v4 =	vadd.f32 v5, v4;
	v5 =	vld [tilespmem:s23+$0x0]  }
0x368: {  	s21 =	rddreg [dreg:$0xc];
	v1 =	vadd.f32 v6, v1;
	v6 =	vld [tilespmem:s29+$0x0];
	v0 =	vmul.f32 v0, v62  }
0x369: {  	s21 =	sadd.s32 $0x40, s21;
	v3 =	vadd.f32 v3, v4;
	v4 =	vld [tilespmem:s30+$0x0]  }
0x36a: {  	[tilespmem:s21+$0x0] =	vst v0;
	v0 =	vld [tilespmem:s31+$0x0];
	s31 =	sld [smem:$0x7ED]  }
0x36b: {  	v1 =	vadd.f32 v8, v1;
	v8 =	vld [tilespmem:s10+$0x0]  }
0x36c: {  	v3 =	vadd.f32 v7, v3;
	v7 =	vld [tilespmem:s24+$0x0];
	v2 =	vadd.f32 v5, v2  }
0x36d: {  	v5 =	vld [tilespmem:s31+$0x0]  }
0x36e: {  	v2 =	vadd.f32 v6, v2;
	v6 =	vld [tilespmem:s6+$0x0]  }
0x36f: {  	v3 =	vadd.f32 v4, v3;
	v4 =	vld [tilespmem:s26+$0x0];
	v0 =	vadd.f32 v0, v1  }
0x370: {  	v1 =	vld [tilespmem:s11+$0x0]  }
0x371: {  	v0 =	vadd.f32 v8, v0;
	v8 =	vld [tilespmem:s2+$0x0]  }
0x372: {  	v2 =	vadd.f32 v5, v2;
	v5 =	vld [tilespmem:s5+$0x0]  }
0x373: {  	v10 =	vld [tilespmem:s1+$0x0]  }
0x374: {  	v3 =	vadd.f32 v7, v3;
	v7 =	vld [tilespmem:s7+$0x0];
	v0 =	vadd.f32 v6, v0  }
0x375: {  	v6 =	vld [tilespmem:s9+$0x0];
	v1 =	vadd.f32 v1, v2  }
0x376: {  	s13 =	sadd.s32 $0x4, s13;
	v0 =	vadd.f32 v8, v0;
	v8 =	vld [tilespmem:s19+$0x0]  }
0x377: {  	p1 =	slt.u32 s13, $0x24;
	v2 =	vadd.f32 v4, v3;
	v1 =	vadd.f32 v5, v1;
	v5 =	vld [tilespmem:s18+$0x0]  }
.Ltmp11:
0x378: {  	v3 =	vld [tilespmem:s17+$0x0];
	(pc) =	sbr.rel @p1 .LBB2_17-.Ltmp11, $4  }
0x379: {  	v4 =	vld [tilespmem:s12+$0x16800];
	v7 =	vadd.f32 v7, v2  }
0x37a: {  	v2 =	vld [tilespmem:s4+$0x0];
	v9 =	vadd.f32 v63, v0;
	v1 =	vadd.f32 v6, v1  }
0x37b: {  	v7 =	vadd.f32 v10, v7;
	v0 =	vld [tilespmem:s16+$0x16800]  }
0x37c: {  	s15 =	sadd.s32 $0x200, s15;
	v6 =	vadd.f32 v5, v1;
	v5 =	vadd.f32 v8, v9;
	v1 =	vld [tilespmem:s14+$0x16800]  }
0x37d: {  	_ =	sdelay $0x1  }
0x37e: {  	v8 =	vld [tilespmem:s12+$0x16A80];
	v2 =	vadd.f32 v2, v7  }
0x37f: {  	v4 =	vadd.f32 v5, v4  }
0x380: {  	v62 =	vld [tilespmem:s16+$0x16A80];
	v3 =	vadd.f32 v3, v6;
	v0 =	vadd.f32 v2, v0  }
0x381: {  	v63 =	vld [tilespmem:s14+$0x16A80];
	v2 =	vmul.f32 $5.000000000e-01, v4  }
0x382: {  	v1 =	vadd.f32 v3, v1;
	v0 =	vmul.f32 $5.000000000e-01, v0  }
0x383: {  	[tilespmem:s12+$0x16800] =	vst v2;
	v2 =	vmul.f32 v2, v8  }
0x384: {  	v1 =	vmul.f32 $5.000000000e-01, v1;
	[tilespmem:s16+$0x16800] =	vst v0  }
0x385: {  	v0 =	vmul.f32 v0, v62;
	[tilespmem:s12+$0x16D00] =	vst v2  }
0x386: {  	v2 =	vmul.f32 v1, v63;
	[tilespmem:s14+$0x16800] =	vst v1  }
0x387: {  	[tilespmem:s16+$0x16D00] =	vst v0  }
0x388: {  	[tilespmem:s14+$0x16D00] =	vst v2  }
0x389: {  	s1 =	sld [smem:$0x7FC];
	_ =	sdelay $0x1  }
0x38a: {  	s0 =	simm.s32 $0x16D00;
	s29 =	simm.s32 $0x2  }
0x38b: {  	[spmem:s1] =	stream.linear.scatter [tilespmem:s0], [sflag:$0x2], $0x280, $0x38;
	[tilespmem:$0x19A00] =	vst v63  }
0x38c: {  	_ =	swait.ge [sflag:s29], $0x280  }
0x38d: {  	[sflag:s29] =	ssyncset.done $0x0  }
0x38e: {  	[sflag:s29] =	ssyncadd.s32 $0xFFFFFD80  }
0x38f: {  	s30 =	simm.s32 $0xF000;
	[bflag:$0x0] =	sbarrier.arrive $0xFFFF  }
0x390: {  	s0 =	simm.s32 $0x0;
	s1 =	simm.s32 $0x200;
	s31 =	rddreg [dreg:$0x3]  }
0x391: {  	v0 =	vimm.f32 $0.0e+00;
	[tilespmem:s30], [sflag:$0x1] =	stream.linear.gather [spmem:s31], $0x2800, $0x38;
	[tilespmem:$0x19A00] =	vst v63  }
.LBB2_19:
0x392: {  	p0 =	sne.s32 s1, $0x9E00;
	[tilespmem:s0+$0x11870] =	vst v0  }
0x393: {  	[tilespmem:s0+$0x11800] =	vst v0  }
0x394: {  	[tilespmem:s0+$0x11810] =	vst v0  }
.Ltmp12:
0x395: {  	[tilespmem:s0+$0x11820] =	vst v0;
	(pc) =	sbr.rel @p0 .LBB2_19-.Ltmp12, $4  }
0x396: {  	[tilespmem:s0+$0x11830] =	vst v0  }
0x397: {  	[tilespmem:s0+$0x11840] =	vst v0  }
0x398: {  	[tilespmem:s0+$0x11850] =	vst v0  }
0x399: {  	[tilespmem:s0+$0x11860] =	vst v0;
	s0 =	sshra.s32 s1, $0x2;
	s1 =	sadd.s32 $0x200, s1  }
0x39a: {  	[tilespmem:s0+$0x11870] =	vst v0  }
0x39b: {  	[tilespmem:s0+$0x11800] =	vst v0  }
0x39c: {  	[tilespmem:s0+$0x11810] =	vst v0  }
0x39d: {  	[tilespmem:s0+$0x11820] =	vst v0  }
0x39e: {  	[tilespmem:s0+$0x11830] =	vst v0  }
0x39f: {  	[tilespmem:s0+$0x11840] =	vst v0  }
0x3a0: {  	[tilespmem:s0+$0x11850] =	vst v0  }
0x3a1: {  	[tilespmem:s0+$0x11860] =	vst v0;
	s31 =	simm.s32 $0x1  }
0x3a2: {  	_ =	swait.ge [sflag:s31], $0x2800  }
0x3a3: {  	[sflag:s31] =	ssyncset.done $0x0  }
0x3a4: {  	s8 =	simm.s32 $0xA080;
	[sflag:s31] =	ssyncadd.s32 $0xFFFFD800  }
0x3a5: {  	v14 =	vld [tilespmem:s8+$0xFFFFFF90]  }
0x3a6: {  	v1 =	vld [tilespmem:s8+$0x0]  }
0x3a7: {  	v3 =	vld [tilespmem:s8+$0x10]  }
0x3a8: {  	v2 =	vld [tilespmem:s8+$0xFFFFFF80]  }
0x3a9: {  	v4 =	vld [tilespmem:s8+$0x70]  }
0x3aa: {  	v9 =	vld [tilespmem:s8+$0xFFFFFFA0]  }
0x3ab: {  	v11 =	vld [tilespmem:s8+$0xFFFFFFB0]  }
0x3ac: {  	v0 =	vld [tilespmem:s8+$0xFFFFFFC0]  }
0x3ad: {  	v6 =	vld [tilespmem:s8+$0x60]  }
0x3ae: {  	v12 =	vld [tilespmem:s8+$0x30]  }
0x3af: {  	v7 =	vld [tilespmem:s8+$0x50];
	v5 =	vshrl.u32 v2, $0x10  }
0x3b0: {  	v10 =	vld [tilespmem:s8+$0x40]  }
0x3b1: {  	v13 =	vld [tilespmem:s8+$0x20];
	v8 =	vshrl.u32 v4, $0x10  }
0x3b2: {  	v17 =	vld [tilespmem:s8+$0xFFFFFFF0];
	v15 =	vshrl.u32 v6, $0x10  }
0x3b3: {  	s7 =	simm.s32 $0xF000;
	v18 =	vld [tilespmem:s8+$0xFFFFFFE0];
	v22 =	vshrl.u32 v12, $0x10  }
0x3b4: {  	v2 =	vand.u32 $0xFFFF, v2;
	v5 =	vld.idx.msk [tilespmem:v5+s7+$0x0], $0xffff  }
0x3b5: {  	v19 =	vld [tilespmem:s8+$0xFFFFFFD0];
	v16 =	vshrl.u32 v7, $0x10  }
0x3b6: {  	v4 =	vand.u32 $0xFFFF, v4;
	v8 =	vld.idx.msk [tilespmem:v8+s7+$0x0], $0xffff  }
0x3b7: {  	v20 =	vshrl.u32 v13, $0x10;
	v15 =	vld.idx.msk [tilespmem:v15+s7+$0x0], $0xffff  }
0x3b8: {  	s6 =	simm.s32 $0x11800;
	v21 =	vshrl.u32 v10, $0x10;
	v60 =	vld.idx.msk [tilespmem:v22+s7+$0x0], $0xffff  }
0x3b9: {  	s0 =	sld [smem:$0x7F9];
	[tilespmem:v2+s6+$0x0] =	vst.idx.add.f32.msk $0xffff, v5;
	v2 =	vand.u32 $0xFFFF, v6  }
0x3ba: {  	v5 =	vld.idx.msk [tilespmem:v16+s7+$0x0], $0xffff;
	v6 =	vshrl.u32 v1, $0x10  }
0x3bb: {  	[tilespmem:v4+s6+$0x0] =	vst.idx.add.f32.msk $0xffff, v8;
	v4 =	vand.u32 $0xFFFF, v7  }
0x3bc: {  	v7 =	vld.idx.msk [tilespmem:v20+s7+$0x0], $0xffff;
	v8 =	vshrl.u32 v3, $0x10  }
0x3bd: {  	v10 =	vand.u32 $0xFFFF, v10;
	v16 =	vld.idx.msk [tilespmem:v21+s7+$0x0], $0xffff  }
0x3be: {  	v61 =	vshrl.u32 v17, $0x10;
	[tilespmem:v2+s6+$0x0] =	vst.idx.add.f32.msk $0xffff, v15  }
0x3bf: {  	v2 =	vshrl.u32 v19, $0x10;
	v62 =	vld.idx.msk [tilespmem:v6+s7+$0x0], $0xffff  }
0x3c0: {  	v6 =	vand.u32 $0xFFFF, v13;
	[tilespmem:v4+s6+$0x0] =	vst.idx.add.f32.msk $0xffff, v5  }
0x3c1: {  	v13 =	vand.u32 $0xFFFF, v12;
	v12 =	vld.idx.msk [tilespmem:v8+s7+$0x0], $0xffff  }
0x3c2: {  	v8 =	vshrl.u32 v18, $0x10;
	[tilespmem:v10+s6+$0x0] =	vst.idx.add.f32.msk $0xffff, v16  }
0x3c3: {  	v16 =	vshrl.u32 v0, $0x10;
	v4 =	vld.idx.msk [tilespmem:v61+s7+$0x0], $0xffff  }
0x3c4: {  	p0 =	sgt.u32 s0, $0x10;
	v63 =	vand.u32 $0xFFFF, v1;
	v5 =	vld.idx.msk [tilespmem:v2+s7+$0x0], $0xffff  }
.Ltmp13:
0x3c5: {  	[tilespmem:v6+s6+$0x0] =	vst.idx.add.f32.msk $0xffff, v7;
	v6 =	vand.u32 $0xFFFF, v3;
	(pc) =	sbr.rel @!p0 .LBB2_22-.Ltmp13, $4  }
0x3c6: {  	[tilespmem:v13+s6+$0x0] =	vst.idx.add.f32.msk $0xffff, v60;
	v2 =	vshrl.u32 v11, $0x10  }
0x3c7: {  	v1 =	vand.u32 $0xFFFF, v18;
	v10 =	vshrl.u32 v14, $0x10;
	v15 =	vld.idx.msk [tilespmem:v8+s7+$0x0], $0xffff  }
0x3c8: {  	v14 =	vand.u32 $0xFFFF, v14;
	v3 =	vshrl.u32 v9, $0x10;
	v7 =	vand.u32 $0xFFFF, v17;
	v13 =	vld.idx.msk [tilespmem:v16+s7+$0x0], $0xffff  }
0x3c9: {  	s9 =	simm.s32 $0x10;
	v8 =	vand.u32 $0xFFFF, v19;
	v11 =	vand.u32 $0xFFFF, v11;
	v9 =	vand.u32 $0xFFFF, v9;
	[tilespmem:v63+s6+$0x0] =	vst.idx.add.f32.msk $0xffff, v62  }
.LBB2_21:
0x3ca: {  	s9 =	sadd.s32 $0x10, s9;
	[tilespmem:v6+s6+$0x0] =	vst.idx.add.f32.msk $0xffff, v12;
	s8 =	sadd.s32 $0x100, s8  }
0x3cb: {  	p0 =	slt.u32 s9, s0;
	v2 =	vld.idx.msk [tilespmem:v2+s7+$0x0], $0xffff  }
0x3cc: {  	v6 =	vld.idx.msk [tilespmem:v10+s7+$0x0], $0xffff  }
0x3cd: {  	v3 =	vld.idx.msk [tilespmem:v3+s7+$0x0], $0xffff  }
0x3ce: {  	v0 =	vand.u32 $0xFFFF, v0;
	[tilespmem:v7+s6+$0x0] =	vst.idx.add.f32.msk $0xffff, v4  }
0x3cf: {  	[tilespmem:v8+s6+$0x0] =	vst.idx.add.f32.msk $0xffff, v5  }
0x3d0: {  	[tilespmem:v1+s6+$0x0] =	vst.idx.add.f32.msk $0xffff, v15  }
0x3d1: {  	[tilespmem:v11+s6+$0x0] =	vst.idx.add.f32.msk $0xffff, v2  }
0x3d2: {  	[tilespmem:v14+s6+$0x0] =	vst.idx.add.f32.msk $0xffff, v6  }
0x3d3: {  	[tilespmem:v9+s6+$0x0] =	vst.idx.add.f32.msk $0xffff, v3  }
0x3d4: {  	[tilespmem:v0+s6+$0x0] =	vst.idx.add.f32.msk $0xffff, v13  }
0x3d5: {  	v13 =	vld [tilespmem:s8+$0xFFFFFF90]  }
0x3d6: {  	v4 =	vld [tilespmem:s8+$0x0]  }
0x3d7: {  	v3 =	vld [tilespmem:s8+$0x10]  }
0x3d8: {  	v1 =	vld [tilespmem:s8+$0xFFFFFF80]  }
0x3d9: {  	v2 =	vld [tilespmem:s8+$0x70]  }
0x3da: {  	v5 =	vld [tilespmem:s8+$0xFFFFFFA0]  }
0x3db: {  	v9 =	vld [tilespmem:s8+$0xFFFFFFB0]  }
0x3dc: {  	v0 =	vld [tilespmem:s8+$0xFFFFFFC0]  }
0x3dd: {  	v6 =	vshrl.u32 v1, $0x10;
	v7 =	vld [tilespmem:s8+$0x60]  }
0x3de: {  	v8 =	vld [tilespmem:s8+$0x50];
	v10 =	vshrl.u32 v2, $0x10  }
0x3df: {  	v11 =	vld [tilespmem:s8+$0x40]  }
0x3e0: {  	v12 =	vld [tilespmem:s8+$0x30]  }
0x3e1: {  	v14 =	vld [tilespmem:s8+$0x20]  }
0x3e2: {  	v6 =	vld.idx.msk [tilespmem:v6+s7+$0x0], $0xffff;
	v15 =	vshrl.u32 v7, $0x10  }
0x3e3: {  	v1 =	vand.u32 $0xFFFF, v1;
	v16 =	vshrl.u32 v8, $0x10;
	v10 =	vld.idx.msk [tilespmem:v10+s7+$0x0], $0xffff  }
0x3e4: {  	v2 =	vand.u32 $0xFFFF, v2;
	v17 =	vld [tilespmem:s8+$0xFFFFFFF0];
	v18 =	vshrl.u32 v11, $0x10  }
0x3e5: {  	v19 =	vld [tilespmem:s8+$0xFFFFFFE0]  }
0x3e6: {  	v20 =	vld [tilespmem:s8+$0xFFFFFFD0];
	v21 =	vshrl.u32 v14, $0x10;
	v22 =	vand.u32 $0xFFFF, v14  }
0x3e7: {  	v23 =	vshrl.u32 v12, $0x10;
	v14 =	vshrl.u32 v3, $0x10;
	v15 =	vld.idx.msk [tilespmem:v15+s7+$0x0], $0xffff  }
0x3e8: {  	v24 =	vshrl.u32 v4, $0x10;
	v7 =	vand.u32 $0xFFFF, v7;
	[tilespmem:v1+s6+$0x0] =	vst.idx.add.f32.msk $0xffff, v6  }
0x3e9: {  	v8 =	vand.u32 $0xFFFF, v8;
	v25 =	vshrl.u32 v17, $0x10;
	v16 =	vld.idx.msk [tilespmem:v16+s7+$0x0], $0xffff  }
0x3ea: {  	v11 =	vand.u32 $0xFFFF, v11;
	v26 =	vshrl.u32 v19, $0x10;
	v1 =	vand.u32 $0xFFFF, v19;
	[tilespmem:v2+s6+$0x0] =	vst.idx.add.f32.msk $0xffff, v10  }
0x3eb: {  	v19 =	vshrl.u32 v20, $0x10;
	v21 =	vld.idx.msk [tilespmem:v21+s7+$0x0], $0xffff  }
0x3ec: {  	v27 =	vshrl.u32 v0, $0x10;
	v18 =	vld.idx.msk [tilespmem:v18+s7+$0x0], $0xffff  }
0x3ed: {  	v6 =	vand.u32 $0xFFFF, v3;
	v2 =	vshrl.u32 v9, $0x10;
	v23 =	vld.idx.msk [tilespmem:v23+s7+$0x0], $0xffff  }
0x3ee: {  	v28 =	vand.u32 $0xFFFF, v4;
	v3 =	vshrl.u32 v5, $0x10;
	[tilespmem:v7+s6+$0x0] =	vst.idx.add.f32.msk $0xffff, v15  }
0x3ef: {  	v10 =	vshrl.u32 v13, $0x10;
	v24 =	vld.idx.msk [tilespmem:v24+s7+$0x0], $0xffff  }
0x3f0: {  	v7 =	vand.u32 $0xFFFF, v17;
	v15 =	vand.u32 $0xFFFF, v12;
	[tilespmem:v8+s6+$0x0] =	vst.idx.add.f32.msk $0xffff, v16  }
0x3f1: {  	v8 =	vand.u32 $0xFFFF, v20;
	v12 =	vld.idx.msk [tilespmem:v14+s7+$0x0], $0xffff  }
0x3f2: {  	[tilespmem:v11+s6+$0x0] =	vst.idx.add.f32.msk $0xffff, v18  }
0x3f3: {  	v11 =	vand.u32 $0xFFFF, v9;
	v4 =	vld.idx.msk [tilespmem:v25+s7+$0x0], $0xffff  }
0x3f4: {  	v9 =	vand.u32 $0xFFFF, v5;
	v5 =	vld.idx.msk [tilespmem:v19+s7+$0x0], $0xffff  }
.Ltmp14:
0x3f5: {  	v14 =	vand.u32 $0xFFFF, v13;
	[tilespmem:v22+s6+$0x0] =	vst.idx.add.f32.msk $0xffff, v21;
	(pc) =	sbr.rel @p0 .LBB2_21-.Ltmp14, $4  }
0x3f6: {  	[tilespmem:v15+s6+$0x0] =	vst.idx.add.f32.msk $0xffff, v23  }
0x3f7: {  	v15 =	vld.idx.msk [tilespmem:v26+s7+$0x0], $0xffff  }
0x3f8: {  	v13 =	vld.idx.msk [tilespmem:v27+s7+$0x0], $0xffff  }
0x3f9: {  	[tilespmem:v28+s6+$0x0] =	vst.idx.add.f32.msk $0xffff, v24  }
.LBB2_22:
0x3fa: {  	_ =	sdelay $0x3  }
0x3fb: {  	[tilespmem:v6+s6+$0x0] =	vst.idx.add.f32.msk $0xffff, v12  }
0x3fc: {  	v2 =	vld.idx.msk [tilespmem:v2+s7+$0x0], $0xffff  }
0x3fd: {  	v6 =	vld.idx.msk [tilespmem:v10+s7+$0x0], $0xffff  }
0x3fe: {  	v3 =	vld.idx.msk [tilespmem:v3+s7+$0x0], $0xffff  }
0x3ff: {  	[tilespmem:v7+s6+$0x0] =	vst.idx.add.f32.msk $0xffff, v4  }
0x400: {  	v0 =	vand.u32 $0xFFFF, v0;
	[tilespmem:v8+s6+$0x0] =	vst.idx.add.f32.msk $0xffff, v5  }
0x401: {  	[tilespmem:v1+s6+$0x0] =	vst.idx.add.f32.msk $0xffff, v15  }
0x402: {  	[tilespmem:v11+s6+$0x0] =	vst.idx.add.f32.msk $0xffff, v2  }
0x403: {  	[tilespmem:v14+s6+$0x0] =	vst.idx.add.f32.msk $0xffff, v6  }
0x404: {  	[tilespmem:v9+s6+$0x0] =	vst.idx.add.f32.msk $0xffff, v3  }
0x405: {  	[tilespmem:v0+s6+$0x0] =	vst.idx.add.f32.msk $0xffff, v13  }
0x406: {  	s3 =	sld [smem:$0x7FA]  }
0x407: {  	s0 =	simm.s32 $0x80  }
0x408: {  	s1 =	simm.s32 $0x400;
	s2 =	simm.s32 $0x11800;
	s12 =	simm.s32 $0x2  }
0x409: {  	[spmem:s3] =	stream.strided.scatter [tilespmem:s2], [sflag:$0x2], $0x2800, s1, s0, $0x38;
	[tilespmem:$0x19A00] =	vst v63  }
0x40a: {  	_ =	swait.ge [sflag:s12], $0x2800  }
0x40b: {  	[sflag:s12] =	ssyncset.done $0x0  }
0x40c: {  	[sflag:s12] =	ssyncadd.s32 $0xFFFFD800  }
0x40d: {  	[bflag:$0x0] =	sbarrier.arrive $0xFFFF  }
0x40e: {  	s15 =	sld [smem:$0x7FB]  }
0x40f: {  	s13 =	simm.s32 $0x1400  }
0x410: {  	s14 =	simm.s32 $0x14000;
	s16 =	simm.s32 $0x1;
	s7 =	simm.s32 $0x0  }
0x411: {  	[tilespmem:s14], [sflag:$0x2] =	stream.strided.gather [spmem:s15], $0x2800, s14, s13, $0x38;
	[tilespmem:$0x19A00] =	vst v63  }
0x412: {  	s4 =	sand.u32 $0x40, s7;
	s0 =	sand.u32 $0x1C00, s7;
	_ =	swait.ge [sflag:s12], $0x2800  }
0x413: {  	s8 =	sor.u32 $0x30, s4;
	s17 =	sor.u32 $0x14000, s0;
	[sflag:s12] =	ssyncset.done $0x0  }
0x414: {  	s18 =	sor.u32 s8, s17;
	[dreg:$0x7] =	wrdreg s16;
	[sflag:s12] =	ssyncadd.s32 $0xFFFFD800  }
0x415: {  	v0 =	vld [tilespmem:s18+$0x0]  }
0x416: {  	s14 =	sor.u32 s4, s17;
	v1 =	vld [tilespmem:s18+$0x80]  }
0x417: {  	v2 =	vld [tilespmem:s14+$0x0]  }
0x418: {  	v3 =	vld [tilespmem:s18+$0x100]  }
0x419: {  	s5 =	sor.u32 $0x10, s4;
	v4 =	vld [tilespmem:s14+$0x80]  }
0x41a: {  	s20 =	sor.u32 s5, s17;
	v5 =	vld [tilespmem:s18+$0x180]  }
0x41b: {  	s6 =	sor.u32 $0x20, s4;
	v6 =	vld [tilespmem:s20+$0x0]  }
0x41c: {  	s1 =	sor.u32 s6, s17;
	v8 =	vld [tilespmem:s20+$0x80]  }
0x41d: {  	v10 =	vld [tilespmem:s1+$0x0]  }
0x41e: {  	v52 =	vld [tilespmem:s1+$0x80]  }
0x41f: {  	s11 =	sadd.s32 $0x15480, s0;
	v54 =	vld [tilespmem:s14+$0x100]  }
0x420: {  	s25 =	sor.u32 s8, s11;
	v16 =	vld [tilespmem:s20+$0x100]  }
0x421: {  	s10 =	sadd.s32 $0x15500, s0;
	v17 =	vld [tilespmem:s25+$0x0]  }
0x422: {  	s26 =	sor.u32 s8, s10;
	v18 =	vld [tilespmem:s1+$0x100]  }
0x423: {  	v19 =	vld [tilespmem:s26+$0x0]  }
0x424: {  	p0 =	por $0x0, $0x0;
	s2 =	rddreg [dreg:$0x7];
	v20 =	vld [tilespmem:s14+$0x180]  }
0x425: {  	s2 =	simm.s32 @!p0 $0x0;
	s12 =	sadd.s32 $0x15400, s0;
	v22 =	vld [tilespmem:s20+$0x180]  }
0x426: {  	s2 =	sshll.u32 s2, $0x6;
	s24 =	sor.u32 s8, s12;
	v24 =	vld [tilespmem:s1+$0x180];
	s1 =	sadd.s32 $0x15700, s0  }
0x427: {  	s13 =	sadd.s32 $0x0, s2;
	v55 =	vld [tilespmem:s24+$0x0];
	s2 =	sadd.s32 $0x15680, s0;
	s17 =	sor.u32 s8, s1  }
0x428: {  	s15 =	sor.u32 s8, s2;
	v27 =	vld [tilespmem:s17+$0x0]  }
0x429: {  	s21 =	sadd.s32 $0x30, s13;
	s17 =	sor.u32 s4, s10;
	v25 =	vld [tilespmem:s15+$0x0]  }
0x42a: {  	s22 =	sor.u32 $0x200, s21;
	v58 =	vld [tilespmem:s17+$0x0]  }
0x42b: {  	s9 =	sor.u32 $0x280, s21;
	v7 =	vld [tilespmem:s22+$0x14000]  }
0x42c: {  	s23 =	sor.u32 $0x300, s21;
	v9 =	vld [tilespmem:s9+$0x14000]  }
0x42d: {  	s30 =	sadd.s32 $0x10, s13;
	s3 =	sor.u32 $0x380, s21;
	v11 =	vld [tilespmem:s23+$0x14000]  }
0x42e: {  	s31 =	sadd.s32 $0x20, s13;
	s16 =	sor.u32 $0x200, s30;
	v53 =	vld [tilespmem:s3+$0x14000]  }
0x42f: {  	s18 =	sor.u32 $0x200, s31;
	v26 =	vld [tilespmem:s16+$0x14000]  }
0x430: {  	s25 =	sor.u32 $0x300, s30;
	v28 =	vld [tilespmem:s18+$0x14000]  }
0x431: {  	s24 =	sor.u32 $0x280, s13;
	s21 =	sor.u32 $0x200, s13;
	s13 =	sor.u32 $0x300, s13;
	v32 =	vld [tilespmem:s25+$0x14000]  }
0x432: {  	s15 =	sor.u32 s4, s11;
	v33 =	vld [tilespmem:s13+$0x14000]  }
0x433: {  	v56 =	vld [tilespmem:s15+$0x0];
	v0 =	vadd.f32 v1, v0  }
0x434: {  	s22 =	sor.u32 $0x280, s30;
	v1 =	vld [tilespmem:s21+$0x14000]  }
0x435: {  	s23 =	sor.u32 $0x280, s31;
	v30 =	vld [tilespmem:s22+$0x14000];
	v0 =	vadd.f32 v3, v0  }
0x436: {  	s16 =	sor.u32 s5, s11;
	v31 =	vld [tilespmem:s23+$0x14000]  }
0x437: {  	s9 =	sadd.s32 $0x15580, s0;
	s18 =	sor.u32 s5, s10;
	v57 =	vld [tilespmem:s16+$0x0];
	v0 =	vadd.f32 v5, v0  }
0x438: {  	s3 =	sadd.s32 $0x15600, s0;
	s28 =	sor.u32 s8, s9;
	v59 =	vld [tilespmem:s18+$0x0]  }
0x439: {  	s0 =	sadd.s32 $0x15780, s0;
	s29 =	sor.u32 s8, s3;
	v21 =	vld [tilespmem:s28+$0x0];
	v0 =	vadd.f32 v7, v0  }
0x43a: {  	s20 =	sor.u32 s8, s0;
	v23 =	vld [tilespmem:s29+$0x0]  }
0x43b: {  	s21 =	sor.u32 s5, s9;
	v29 =	vld [tilespmem:s20+$0x0];
	v0 =	vadd.f32 v9, v0  }
0x43c: {  	v2 =	vadd.f32 v4, v2;
	v61 =	vld [tilespmem:s21+$0x0]  }
0x43d: {  	v6 =	vadd.f32 v8, v6;
	s28 =	sor.u32 $0x380, s30;
	s30 =	sor.u32 $0x380, s31;
	v3 =	vld [tilespmem:s24+$0x14000];
	v0 =	vadd.f32 v11, v0  }
0x43e: {  	s26 =	sor.u32 $0x300, s31;
	v10 =	vadd.f32 v52, v10;
	s31 =	sor.u32 s4, s12;
	v34 =	vld [tilespmem:s30+$0x14000];
	v2 =	vadd.f32 v54, v2  }
0x43f: {  	s29 =	sor.u32 s7, s7;
	s20 =	sor.u32 s4, s9;
	v8 =	vld [tilespmem:s31+$0x0];
	v6 =	vadd.f32 v16, v6;
	v0 =	vadd.f32 v53, v0  }
0x440: {  	s13 =	sor.u32 $0x380, s29;
	v10 =	vadd.f32 v18, v10;
	v60 =	vld [tilespmem:s20+$0x0];
	v2 =	vadd.f32 v20, v2  }
0x441: {  	v4 =	vld [tilespmem:s13+$0x14000];
	v6 =	vadd.f32 v22, v6;
	v0 =	vadd.f32 v55, v0  }
0x442: {  	v5 =	vld [tilespmem:s26+$0x14000];
	v10 =	vadd.f32 v24, v10;
	s26 =	sor.u32 s5, s2;
	v1 =	vadd.f32 v1, v2  }
0x443: {  	v62 =	vld [tilespmem:s26+$0x0];
	v6 =	vadd.f32 v26, v6;
	v0 =	vadd.f32 v17, v0  }
0x444: {  	s11 =	sor.u32 s6, s11;
	v7 =	vld [tilespmem:s28+$0x14000];
	v10 =	vadd.f32 v28, v10;
	v1 =	vadd.f32 v3, v1  }
0x445: {  	s14 =	sor.u32 s5, s12;
	v2 =	vld [tilespmem:s11+$0x0];
	v3 =	vadd.f32 v30, v6;
	v0 =	vadd.f32 v19, v0  }
0x446: {  	s12 =	sor.u32 s6, s12;
	v9 =	vld [tilespmem:s14+$0x0];
	v10 =	vadd.f32 v31, v10;
	v1 =	vadd.f32 v33, v1  }
0x447: {  	s28 =	sor.u32 s4, s1;
	v11 =	vld [tilespmem:s12+$0x0];
	v3 =	vadd.f32 v32, v3;
	v0 =	vadd.f32 v21, v0  }
0x448: {  	s10 =	sor.u32 s6, s10;
	v63 =	vld [tilespmem:s28+$0x0];
	v5 =	vadd.f32 v5, v10;
	v1 =	vadd.f32 v4, v1  }
0x449: {  	s22 =	sor.u32 s4, s3;
	s7 =	sand.u32 $0x380, s7;
	v6 =	vld [tilespmem:s10+$0x0];
	v3 =	vadd.f32 v7, v3;
	v0 =	vadd.f32 v23, v0  }
0x44a: {  	s9 =	sor.u32 s6, s9;
	s7 =	sor.u32 $0x16800, s7;
	v10 =	vld [tilespmem:s22+$0x0];
	v5 =	vadd.f32 v34, v5;
	v1 =	vadd.f32 v8, v1  }
0x44b: {  	s24 =	sor.u32 s8, s7;
	v4 =	vld [tilespmem:s9+$0x0];
	v3 =	vadd.f32 v9, v3;
	v0 =	vadd.f32 v25, v0  }
0x44c: {  	s23 =	sor.u32 s5, s3;
	v9 =	vld [tilespmem:s24+$0x0];
	v5 =	vadd.f32 v11, v5;
	v1 =	vadd.f32 v56, v1  }
0x44d: {  	s3 =	sor.u32 s6, s3;
	v7 =	vld [tilespmem:s23+$0x0];
	v3 =	vadd.f32 v57, v3;
	v0 =	vadd.f32 v27, v0  }
0x44e: {  	s25 =	sor.u32 s4, s2;
	v8 =	vld [tilespmem:s3+$0x0];
	v2 =	vadd.f32 v2, v5;
	v1 =	vadd.f32 v58, v1  }
0x44f: {  	s2 =	sor.u32 s6, s2;
	v11 =	vld [tilespmem:s25+$0x0];
	v3 =	vadd.f32 v59, v3;
	v0 =	vadd.f32 v29, v0  }
0x450: {  	s29 =	sor.u32 s5, s1;
	s1 =	sor.u32 s6, s1;
	v5 =	vld [tilespmem:s2+$0x0];
	v6 =	vadd.f32 v6, v2;
	v14 =	vadd.f32 v60, v1  }
0x451: {  	v2 =	vld [tilespmem:s1+$0x0];
	v9 =	vadd.f32 v0, v9;
	v0 =	vadd.f32 v61, v3  }
0x452: {  	s19 =	simm.s32 $0x16800;
	v1 =	vld [tilespmem:s29+$0x0];
	v3 =	vadd.f32 v4, v6;
	v4 =	vadd.f32 v10, v14  }
0x453: {  	s30 =	sor.u32 s4, s0;
	v6 =	vadd.f32 v7, v0;
	v0 =	vld [tilespmem:s19+$0x0]  }
0x454: {  	s31 =	sor.u32 s5, s0;
	s0 =	sor.u32 s6, s0;
	v7 =	vadd.f32 v8, v3;
	v10 =	vadd.f32 v11, v4;
	v3 =	vld [tilespmem:s30+$0x0];
	v9 =	vmul.f32 $5.000000000e-01, v9  }
0x455: {  	s8 =	sor.u32 s6, s7;
	s4 =	simm.s32 $0x0;
	s6 =	simm.s32 $0x40;
	v4 =	vld [tilespmem:s31+$0x0];
	v8 =	vadd.f32 v62, v6  }
0x456: {  	s9 =	sor.u32 s5, s7;
	s5 =	simm.s32 $0x200;
	s7 =	simm.s32 $0x16840;
	[tilespmem:s24+$0x0] =	vst v9;
	v7 =	vadd.f32 v5, v7;
	v6 =	vadd.f32 v63, v10;
	v5 =	vld [tilespmem:s0+$0x0]  }
.LBB2_23:
0x457: {  	s12 =	sand.u32 $0x40, s6;
	s13 =	sand.u32 $0x1C00, s5;
	v9 =	vld [tilespmem:s9+$0x0]  }
0x458: {  	s3 =	sor.u32 $0x14000, s13;
	s11 =	sor.u32 $0x30, s12;
	v1 =	vadd.f32 v1, v8;
	v8 =	vld [tilespmem:s8+$0x0]  }
0x459: {  	s16 =	sor.u32 s11, s3;
	v2 =	vadd.f32 v2, v7;
	v7 =	vld [tilespmem:s7+$0x0]  }
0x45a: {  	v3 =	vadd.f32 v3, v6;
	v6 =	vld [tilespmem:s16+$0x0]  }
0x45b: {  	s10 =	rddreg [dreg:$0x7];
	p0 =	por !p0, !p0;
	s1 =	sor.u32 s12, s3;
	v1 =	vadd.f32 v4, v1;
	v4 =	vld [tilespmem:s16+$0x80]  }
0x45c: {  	s10 =	simm.s32 @!p0 $0x0;
	v10 =	vadd.f32 v3, v0;
	v2 =	vadd.f32 v5, v2;
	v3 =	vld [tilespmem:s1+$0x0]  }
0x45d: {  	s2 =	sor.u32 s5, s6;
	s14 =	sor.u32 $0x10, s12;
	s26 =	sshll.u32 s10, $0x6;
	v5 =	vld [tilespmem:s16+$0x100];
	v1 =	vadd.f32 v1, v9  }
0x45e: {  	s15 =	sor.u32 $0x20, s12;
	s2 =	sor.u32 $0x380, s2;
	s10 =	sadd.s32 s26, s5;
	v9 =	vmul.f32 $5.000000000e-01, v10;
	v2 =	vadd.f32 v2, v8;
	v8 =	vld [tilespmem:s1+$0x80]  }
0x45f: {  	s0 =	sor.u32 s14, s3;
	s28 =	sor.u32 s15, s3;
	s29 =	sadd.s32 $0x30, s10;
	v0 =	vmov v7;
	v7 =	vld [tilespmem:s16+$0x180];
	v1 =	vmul.f32 $5.000000000e-01, v1  }
0x460: {  	[dreg:$0xd] =	wrdreg s2;
	s26 =	smov.u32 s7;
	s30 =	sor.u32 $0x200, s29;
	[tilespmem:s19+$0x0] =	vst v9;
	v9 =	vld [tilespmem:s0+$0x0];
	v2 =	vmul.f32 $5.000000000e-01, v2  }
0x461: {  	s17 =	sadd.s32 $0x10, s10;
	s18 =	sadd.s32 $0x20, s10;
	[dreg:$0xe] =	wrdreg s26;
	v4 =	vadd.f32 v4, v6;
	[tilespmem:s9+$0x0] =	vst v1;
	v1 =	vld [tilespmem:s30+$0x14000]  }
0x462: {  	s2 =	sor.u32 $0x200, s17;
	s20 =	sor.u32 $0x280, s17;
	s21 =	sor.u32 $0x280, s29;
	[tilespmem:s8+$0x0] =	vst v2;
	v2 =	vld [tilespmem:s0+$0x80]  }
0x463: {  	s3 =	sor.u32 $0x200, s18;
	s31 =	sor.u32 $0x280, s18;
	[dreg:$0x1b] =	wrdreg s20;
	v4 =	vadd.f32 v5, v4;
	v5 =	vld [tilespmem:s21+$0x14000]  }
0x464: {  	s22 =	sor.u32 $0x380, s17;
	s23 =	sor.u32 $0x300, s18;
	[dreg:$0x19] =	wrdreg s31;
	v6 =	vld [tilespmem:s28+$0x0]  }
0x465: {  	s24 =	sor.u32 $0x380, s18;
	s25 =	sor.u32 $0x300, s29;
	[dreg:$0x13] =	wrdreg s22;
	v3 =	vadd.f32 v8, v3;
	v8 =	vld [tilespmem:s28+$0x80];
	v4 =	vadd.f32 v7, v4  }
0x466: {  	s29 =	sor.u32 $0x380, s29;
	s20 =	sor.u32 $0x300, s17;
	[smem:$0x7DD] =	sst s23;
	v7 =	vld [tilespmem:s25+$0x14000]  }
0x467: {  	[dreg:$0x14] =	wrdreg s24;
	s17 =	sadd.s32 $0x15480, s13;
	s22 =	sadd.s32 $0x15580, s13;
	v10 =	vld [tilespmem:s0+$0x100];
	v1 =	vadd.f32 v1, v4  }
0x468: {  	[dreg:$0x18] =	wrdreg s20;
	s18 =	sor.u32 s14, s17;
	s30 =	sadd.s32 $0x15400, s13;
	v4 =	vld [tilespmem:s29+$0x14000]  }
0x469: {  	s20 =	sadd.s32 $0x15500, s13;
	[smem:$0x7E0] =	sst s18;
	s16 =	sor.u32 s11, s30;
	v2 =	vadd.f32 v2, v9;
	v9 =	vld [tilespmem:s1+$0x100];
	v1 =	vadd.f32 v5, v1  }
0x46a: {  	s26 =	sor.u32 s14, s20;
	s23 =	sor.u32 s15, s20;
	s19 =	sor.u32 $0x280, s10;
	v5 =	vld [tilespmem:s16+$0x0]  }
0x46b: {  	s18 =	sadd.s32 $0x15600, s13;
	[dreg:$0x1a] =	wrdreg s19;
	s19 =	sor.u32 s11, s17;
	v6 =	vadd.f32 v8, v6;
	v8 =	vld [tilespmem:s28+$0x100];
	v1 =	vadd.f32 v7, v1  }
0x46c: {  	s9 =	sor.u32 $0x200, s10;
	s10 =	sor.u32 $0x300, s10;
	s21 =	sor.u32 s11, s20;
	v7 =	vld [tilespmem:s19+$0x0]  }
0x46d: {  	[dreg:$0x17] =	wrdreg s10;
	s24 =	sor.u32 s12, s30;
	s31 =	sor.u32 s14, s30;
	v1 =	vadd.f32 v4, v1;
	v4 =	vld [tilespmem:s21+$0x0]  }
0x46e: {  	s10 =	sor.u32 s15, s30;
	s30 =	sor.u32 s15, s17;
	s8 =	sadd.s32 $0x15700, s13;
	v3 =	vadd.f32 v9, v3;
	v9 =	vld [tilespmem:s1+$0x180]  }
0x46f: {  	[smem:$0x7DE] =	sst s31;
	s25 =	sor.u32 s12, s17;
	s17 =	sor.u32 s11, s22;
	v2 =	vadd.f32 v10, v2;
	v10 =	vld [tilespmem:s0+$0x180];
	v1 =	vadd.f32 v5, v1  }
0x470: {  	[smem:$0x7DF] =	sst s10;
	s31 =	sor.u32 s14, s22;
	s10 =	sadd.s32 $0x15680, s13;
	v5 =	vld [tilespmem:s17+$0x0]  }
0x471: {  	s29 =	sor.u32 s12, s20;
	s20 =	sor.u32 s12, s22;
	s1 =	sor.u32 s11, s18;
	v6 =	vadd.f32 v8, v6;
	v8 =	vld [tilespmem:s28+$0x180];
	v1 =	vadd.f32 v7, v1  }
0x472: {  	s22 =	sor.u32 s15, s22;
	s16 =	sor.u32 s12, s10;
	s0 =	sor.u32 s11, s8;
	v7 =	vld [tilespmem:s1+$0x0]  }
0x473: {  	s19 =	sor.u32 s12, s18;
	s21 =	sor.u32 s14, s18;
	s28 =	sor.u32 s11, s10;
	v3 =	vadd.f32 v9, v3;
	v9 =	vld [tilespmem:s2+$0x14000];
	v1 =	vadd.f32 v4, v1  }
0x474: {  	s17 =	sor.u32 s15, s18;
	s18 =	sor.u32 s14, s10;
	s10 =	sor.u32 s15, s10;
	v4 =	vld [tilespmem:s28+$0x0]  }
0x475: {  	v2 =	vadd.f32 v10, v2;
	v10 =	vld [tilespmem:s3+$0x14000];
	s1 =	sor.u32 s12, s8;
	s2 =	sadd.s32 $0x15780, s13;
	s13 =	sor.u32 s15, s8;
	v1 =	vadd.f32 v5, v1  }
0x476: {  	s28 =	sor.u32 s14, s8;
	s12 =	sor.u32 s12, s2;
	v5 =	vld [tilespmem:s0+$0x0];
	s0 =	sand.u32 $0x380, s6  }
0x477: {  	s8 =	sor.u32 s11, s2;
	v6 =	vadd.f32 v8, v6;
	v8 =	vld [tilespmem:s9+$0x14000];
	s3 =	sor.u32 $0x16800, s0;
	s0 =	sor.u32 s14, s2;
	v1 =	vadd.f32 v7, v1  }
0x478: {  	s2 =	sor.u32 s15, s2;
	v7 =	vld [tilespmem:s8+$0x0];
	s9 =	sor.u32 s14, s3;
	s14 =	rddreg [dreg:$0x1b]  }
0x479: {  	s8 =	sor.u32 s15, s3;
	s3 =	sor.u32 s11, s3;
	v2 =	vadd.f32 v9, v2;
	s15 =	rddreg [dreg:$0x19];
	v9 =	vld [tilespmem:s14+$0x14000];
	v1 =	vadd.f32 v4, v1  }
0x47a: {  	s14 =	rddreg [dreg:$0x1a];
	v4 =	vld [tilespmem:s3+$0x0]  }
0x47b: {  	v1 =	vadd.f32 v5, v1;
	v5 =	vadd.f32 v10, v6;
	v10 =	vld [tilespmem:s14+$0x14000];
	s14 =	sld [smem:$0x7DD]  }
0x47c: {  	v6 =	vld [tilespmem:s15+$0x14000];
	s15 =	rddreg [dreg:$0x18]  }
0x47d: {  	v1 =	vadd.f32 v7, v1;
	v7 =	vld [tilespmem:s15+$0x14000]  }
0x47e: {  	v3 =	vadd.f32 v8, v3;
	s15 =	rddreg [dreg:$0x17];
	v8 =	vld [tilespmem:s14+$0x14000]  }
0x47f: {  	s14 =	rddreg [dreg:$0x13];
	v1 =	vadd.f32 v1, v4;
	v4 =	vld [tilespmem:s15+$0x14000]  }
0x480: {  	v2 =	vadd.f32 v9, v2;
	v9 =	vld [tilespmem:s14+$0x14000];
	s15 =	rddreg [dreg:$0x14]  }
0x481: {  	s14 =	rddreg [dreg:$0xd];
	v5 =	vadd.f32 v6, v5;
	v6 =	vld [tilespmem:s15+$0x14000];
	v1 =	vmul.f32 $5.000000000e-01, v1  }
0x482: {  	v3 =	vadd.f32 v10, v3;
	v10 =	vld [tilespmem:s14+$0x14000];
	s15 =	sld [smem:$0x7DE]  }
0x483: {  	[tilespmem:s3+$0x0] =	vst v1;
	v1 =	vld [tilespmem:s24+$0x0]  }
0x484: {  	v2 =	vadd.f32 v7, v2;
	v5 =	vadd.f32 v8, v5;
	s24 =	sld [smem:$0x7DF];
	v8 =	vld [tilespmem:s25+$0x0]  }
0x485: {  	s25 =	sld [smem:$0x7E0];
	v3 =	vadd.f32 v4, v3;
	v4 =	vld [tilespmem:s15+$0x0]  }
0x486: {  	v2 =	vadd.f32 v9, v2;
	v9 =	vld [tilespmem:s30+$0x0]  }
0x487: {  	v7 =	vld [tilespmem:s24+$0x0]  }
0x488: {  	v5 =	vadd.f32 v6, v5;
	v3 =	vadd.f32 v10, v3;
	v6 =	vld [tilespmem:s25+$0x0]  }
0x489: {  	v10 =	vld [tilespmem:s1+$0x0]  }
0x48a: {  	v1 =	vadd.f32 v1, v3;
	v3 =	vld [tilespmem:s29+$0x0]  }
0x48b: {  	v2 =	vadd.f32 v4, v2;
	v4 =	vld [tilespmem:s26+$0x0]  }
0x48c: {  	v1 =	vadd.f32 v8, v1;
	v8 =	vld [tilespmem:s20+$0x0]  }
0x48d: {  	v5 =	vadd.f32 v7, v5;
	v7 =	vld [tilespmem:s23+$0x0]  }
0x48e: {  	v2 =	vadd.f32 v6, v2;
	v6 =	vld [tilespmem:s31+$0x0]  }
0x48f: {  	v1 =	vadd.f32 v3, v1;
	v3 =	vld [tilespmem:s22+$0x0]  }
0x490: {  	v5 =	vadd.f32 v9, v5;
	v9 =	vld [tilespmem:s19+$0x0]  }
0x491: {  	v2 =	vadd.f32 v4, v2;
	v4 =	vld [tilespmem:s21+$0x0]  }
0x492: {  	v1 =	vadd.f32 v8, v1;
	v8 =	vld [tilespmem:s16+$0x0]  }
0x493: {  	v5 =	vadd.f32 v7, v5;
	v7 =	vld [tilespmem:s17+$0x0]  }
0x494: {  	s4 =	sadd.s32 $0x4, s4;
	v2 =	vadd.f32 v6, v2;
	v6 =	vld [tilespmem:s18+$0x0]  }
0x495: {  	p1 =	slt.u32 s4, $0x24;
	v3 =	vadd.f32 v3, v5;
	v5 =	vadd.f32 v9, v1;
	v9 =	vld [tilespmem:s10+$0x0]  }
.Ltmp15:
0x496: {  	v1 =	vld [tilespmem:s28+$0x0];
	(pc) =	sbr.rel @p1 .LBB2_23-.Ltmp15, $4  }
0x497: {  	v4 =	vadd.f32 v4, v2;
	v2 =	vld [tilespmem:s13+$0x0]  }
0x498: {  	v5 =	vadd.f32 v8, v5;
	v7 =	vadd.f32 v7, v3;
	v3 =	vld [tilespmem:s12+$0x0]  }
0x499: {  	s5 =	sadd.s32 $0x200, s5;
	v8 =	vadd.f32 v6, v4;
	v4 =	vld [tilespmem:s0+$0x0]  }
0x49a: {  	s7 =	sadd.s32 $0x40, s7;
	s6 =	sadd.s32 $0x40, s6;
	s19 =	rddreg [dreg:$0xe];
	v6 =	vadd.f32 v10, v5;
	v5 =	vld [tilespmem:s2+$0x0];
	v7 =	vadd.f32 v9, v7  }
0x49b: {  	v9 =	vld [tilespmem:s9+$0x0]  }
0x49c: {  	v1 =	vadd.f32 v1, v8;
	v62 =	vld [tilespmem:s8+$0x0]  }
0x49d: {  	v2 =	vadd.f32 v2, v7;
	v3 =	vadd.f32 v3, v6  }
0x49e: {  	v1 =	vadd.f32 v4, v1  }
0x49f: {  	v0 =	vadd.f32 v3, v0;
	v2 =	vadd.f32 v5, v2  }
0x4a0: {  	v1 =	vadd.f32 v1, v9  }
0x4a1: {  	v0 =	vmul.f32 $5.000000000e-01, v0;
	v2 =	vadd.f32 v2, v62  }
0x4a2: {  	v1 =	vmul.f32 $5.000000000e-01, v1  }
0x4a3: {  	[tilespmem:s19+$0x0] =	vst v0;
	v63 =	vmul.f32 $5.000000000e-01, v2  }
0x4a4: {  	[tilespmem:s9+$0x0] =	vst v1  }
0x4a5: {  	[tilespmem:s8+$0x0] =	vst v63  }
0x4a6: {  	s2 =	sld [smem:$0x7FD];
	_ =	sdelay $0x1  }
0x4a7: {  	s0 =	simm.s32 $0x0;
	s1 =	simm.s32 $0x16800;
	s30 =	simm.s32 $0x2  }
0x4a8: {  	[hbm4b:s2+s0] =	stream.linear.scatter [tilespmem:s1], [sflag:$0x2], $0x280, $0x38;
	[tilespmem:$0x19A00] =	vst v63  }
0x4a9: {  	_ =	swait.ge [sflag:s30], $0x280  }
0x4aa: {  	[sflag:s30] =	ssyncset.done $0x0  }
0x4ab: {  	[sflag:s30] =	ssyncadd.s32 $0xFFFFFD80  }
0x4ac: {  	_ =	sfence.sel $0x180000  }
0x4ad: {  	[bflag:$0x0] =	sbarrier.arrive $0xFFFF  }
0x4ae: {  	_ =	strace $0x90000047  }
0x4af: {  	s31 =	stileid.u32;
	[bflag:$0x2] =	sbarrier.arrive $0xFFFF  }
0x4b0: {  	p0 =	sne.s32 s31, $0x0;
	s0 =	rddreg [dreg:$0x4]  }
0x4b1: {  	s0 =	sadd.s32 @!p0 $0x100000, s0  }
0x4b2: {  	[sflag:s0] =	ssyncadd.tile.s32 @!p0 $0x1;
	_ =	shalt  }
.Lfunc_end2:
_tile_overlayer_lowered:
.L_overlay_start_2:
0x4b3: {  	(tag) =	ssettag $0x2  }
0x4b4: {  	s0 =	rddreg [dreg:$0x0];
	s2 =	stileid.u32  }
0x4b5: {  	s1 =	rddreg [dreg:$0x1];
	p0 =	sne.s32 s2, $0x0  }
0x4b6: {  	s3 =	rddreg [dreg:$0x2];
	[bflag:$0x3] =	sbarrier.arrive $0xFFFF;
	s2 =	simm.s32 @!p0 $0x1C02  }
0x4b7: {  	[timem:s3], [sflag:s2] =	dma.local @!p0 [hbm:s0], s1  }
0x4b8: {  	s0 =	simm.s32 @!p0 $0x2  }
0x4b9: {  	_ =	swait.ge @!p0 [sflag:s0], s1  }
0x4ba: {  	s1 =	ssub.s32 @!p0 $0x0, s1;
	[sflag:s0] =	ssyncset.done @!p0 $0x0  }
0x4bb: {  	[sflag:s0] =	ssyncadd.s32 @!p0 s1  }
0x4bc: {  	[bflag:$0x3] =	sbarrier.arrive $0xFFFF  }
0x4bd: {  	_ =	shalt  }

</sc_bundles>
